<compile_context>
chip_gen: v7x
topology: tpu7x:2x2x1
jax: 0.10.2.dev20260603
libtpu: 0.0.44.dev20260713+nightly
codegen_flags: <defaults>
</compile_context>

<pallas_src>
import functools
import math

import jax
import jax.numpy as jnp
from jax import lax
from jax.experimental import pallas as pl
from jax.experimental.pallas import tpu as pltpu
from jax.experimental.pallas import tpu_sc as plsc

D_MODEL = 64
SCALE = math.sqrt(D_MODEL)
NUM_CORES = 2
NUM_SUBCORES = 16
NUM_WORKERS = NUM_CORES * NUM_SUBCORES
SUB = 128
CHUNK = 512
SUBS_PER_CHUNK = CHUNK // SUB
NBUF = 3
LANES = 16


def _emb_body(x_hbm, table_hbm, out_hbm, idx_v, rows_v,
              g0, g1, g2, o0, o1, o2):
    gsems = (g0, g1, g2)
    osems = (o0, o1, o2)

    b_total = out_hbm.shape[0]
    b_per_w = b_total // NUM_WORKERS
    n_chunks = b_per_w // CHUNK
    idx_rows = b_per_w // SUB

    wid = lax.axis_index("s") * NUM_CORES + lax.axis_index("c")
    base_row = wid * b_per_w
    base_idx_row = wid * idx_rows

    def fire_gathers(c, b):
        for j in range(SUBS_PER_CHUNK):
            pltpu.async_copy(
                table_hbm.at[idx_v.at[c * SUBS_PER_CHUNK + j]],
                rows_v.at[b].at[pl.ds(j * SUB, SUB)],
                gsems[b],
            )

    def drain_gathers(b):
        pltpu.make_async_copy(
            table_hbm.at[idx_v.at[0]], rows_v.at[b], gsems[b]
        ).wait()

    def scale(b):
        @plsc.parallel_loop(0, CHUNK, 1, unroll=8)
        def scale_body(r):
            for cc in range(D_MODEL // LANES):
                rows_v[b, r, pl.ds(cc * LANES, LANES)] = (
                    rows_v[b, r, pl.ds(cc * LANES, LANES)] * SCALE
                )

    def fire_out(c, b):
        pltpu.async_copy(
            rows_v.at[b],
            out_hbm.at[pl.ds(base_row + c * CHUNK, CHUNK)],
            osems[b],
        )

    def wait_out(b):
        pltpu.make_async_copy(
            rows_v.at[b], out_hbm.at[pl.ds(0, CHUNK)], osems[b]
        ).wait()

    pltpu.sync_copy(x_hbm.at[pl.ds(base_idx_row, idx_rows)], idx_v)

    fire_gathers(0, 0)
    fire_gathers(1, 1)
    drain_gathers(0)
    scale(0)
    fire_out(0, 0)
    fire_gathers(2, 2)
    drain_gathers(1)
    scale(1)
    fire_out(1, 1)
    wait_out(0)
    fire_gathers(3, 0)

    def slot(c, b):
        drain_gathers(b)
        scale(b)
        fire_out(c, b)
        wait_out((b + 2) % NBUF)
        fire_gathers(c + 2, (b + 2) % NBUF)

    def group(h, carry):
        c = 2 + h * NBUF
        slot(c, 2)
        slot(c + 1, 0)
        slot(c + 2, 1)
        return carry

    n_groups = (n_chunks - 2 - NBUF) // NBUF
    lax.fori_loop(0, n_groups, group, 0)

    c_tail = 2 + n_groups * NBUF
    drain_gathers(2)
    scale(2)
    fire_out(c_tail, 2)
    wait_out(1)
    fire_gathers(c_tail + 2, 1)
    drain_gathers(0)
    scale(0)
    fire_out(c_tail + 1, 0)
    drain_gathers(1)
    scale(1)
    fire_out(c_tail + 2, 1)
    for b in range(NBUF):
        wait_out(b)


def kernel(x, table):
    b0, b1 = x.shape
    b_total = b0 * b1
    x2d = x.reshape(b_total // SUB, SUB).astype(jnp.int32)

    mesh = plsc.VectorSubcoreMesh(
        core_axis_name="c",
        subcore_axis_name="s",
        num_cores=NUM_CORES,
        num_subcores=NUM_SUBCORES,
    )
    emb = pl.kernel(
        _emb_body,
        out_type=jax.ShapeDtypeStruct((b_total, D_MODEL), jnp.float32),
        mesh=mesh,
        scratch_types=[
            pltpu.VMEM((b_total // NUM_WORKERS // SUB, SUB), jnp.int32),
            pltpu.VMEM((NBUF, CHUNK, D_MODEL), jnp.float32),
            pltpu.SemaphoreType.DMA,
            pltpu.SemaphoreType.DMA,
            pltpu.SemaphoreType.DMA,
            pltpu.SemaphoreType.DMA,
            pltpu.SemaphoreType.DMA,
            pltpu.SemaphoreType.DMA,
        ],
        compiler_params=pltpu.CompilerParams(use_tc_tiling_on_sc=False),
    )
    out = emb(x2d, table)
    return out.reshape(b0, b1, D_MODEL)

# --- scband reference (transcript-rebuilt; emitter-appended) ---
"""Pipeline reference for scband-embedding-9887014716155 (READ-ONLY COPY).

The authoritative reference and input builder live on the scoring server;
editing this copy changes nothing except your own understanding.
"""

import jax, jax.numpy as jnp
import numpy as np
import math

VOCAB = 1000000
D_MODEL = 64

def setup_inputs(seed: int = 0) -> dict:
    key = jax.random.key(seed)
    k1, k2 = jax.random.split(key)
    x = jax.random.randint(k1, (4096, 200), 0, VOCAB, dtype=jnp.int64 if jax.config.jax_enable_x64 else jnp.int32)
    table = jax.random.normal(k2, (VOCAB, D_MODEL), dtype=jnp.float32)
    return {"x": x, "table": table}

def reference(x, table):
    # Embedding lookup followed by sqrt(d_model) scaling
    emb = jnp.take(table, x, axis=0)
    return emb * math.sqrt(D_MODEL)

if __name__ == "__main__":
    import jax
    _d = setup_inputs()
    print(jax.jit(kernel)(*tuple(_d.values())))

</pallas_src>

<mosaic_0001>
#map = affine_map<(d0, d1) -> (0, 0)>
module attributes {stable_mosaic.version = 14 : i64} {
  func.func @_emb_body(%arg0: i32, %arg1: i32, %arg2: memref<6400x128xi32, #tpu.memory_space<hbm>>, %arg3: memref<1000000x64xf32, #tpu.memory_space<hbm>>, %arg4: memref<819200x64xf32, #tpu.memory_space<hbm>>, %arg5: memref<200x128xi32, #tpu.memory_space<vmem>>, %arg6: memref<3x512x64xf32, #tpu.memory_space<vmem>>, %arg7: memref<!tpu.dma_semaphore, #tpu.memory_space<semaphore_mem>>, %arg8: memref<!tpu.dma_semaphore, #tpu.memory_space<semaphore_mem>>, %arg9: memref<!tpu.dma_semaphore, #tpu.memory_space<semaphore_mem>>, %arg10: memref<!tpu.dma_semaphore, #tpu.memory_space<semaphore_mem>>, %arg11: memref<!tpu.dma_semaphore, #tpu.memory_space<semaphore_mem>>, %arg12: memref<!tpu.dma_semaphore, #tpu.memory_space<semaphore_mem>>) attributes {dimension_semantics = [#tpu.dimension_semantics<core_parallel>, #tpu.dimension_semantics<subcore_parallel>], iteration_bounds = array<i64: 2, 16>, scalar_prefetch = 0 : i64, scratch_operands = 8 : i64, tpu.core_type = #tpu.core_type<sc_vector_subcore>, window_params = [{transform_indices = #map}, {transform_indices = #map}, {transform_indices = #map}]} {
    %mul3A = arith.constant 2 : i32
    %mul3A_0 = arith.muli %arg1, %mul3A : i32
    %add3A = arith.addi %mul3A_0, %arg0 : i32
    %mul3A_1 = arith.constant 25600 : i32
    %mul3A_2 = arith.muli %add3A, %mul3A_1 : i32
    %mul3A_3 = arith.constant 200 : i32
    %mul3A_4 = arith.muli %add3A, %mul3A_3 : i32
    "tpu.region"() ({
      %run_scoped3A = tpu.sem_alloc : memref<!tpu.dma_semaphore, #tpu.memory_space<semaphore_mem>>
      %dma_start3A_532 = arith.constant 0 : i32
      %dma_start3A_533 = tpu.memref_slice %arg2[%mul3A_4, %dma_start3A_532] : memref<6400x128xi32, #tpu.memory_space<hbm>> -> memref<200x128xi32, #tpu.memory_space<hbm>>
      %dma_start3A_534 = arith.constant 0 : i32
      %dma_start3A_535 = tpu.memref_slice %arg2[%mul3A_4, %dma_start3A_534] : memref<6400x128xi32, #tpu.memory_space<hbm>> -> memref<200x128xi32, #tpu.memory_space<hbm>>
      tpu.enqueue_dma source(%dma_start3A_535 : memref<200x128xi32, #tpu.memory_space<hbm>>) target(%arg5 : memref<200x128xi32, #tpu.memory_space<vmem>>) target_semaphore(%run_scoped3A : memref<!tpu.dma_semaphore, #tpu.memory_space<semaphore_mem>>)
      %dma_wait3A_536 = arith.constant 0 : i32
      %dma_wait3A_537 = tpu.memref_slice %arg2[%mul3A_4, %dma_wait3A_536] : memref<6400x128xi32, #tpu.memory_space<hbm>> -> memref<200x128xi32, #tpu.memory_space<hbm>>
      %dma_wait3A_538 = arith.constant 0 : i32
      %dma_wait3A_539 = tpu.memref_slice %arg2[%mul3A_4, %dma_wait3A_538] : memref<6400x128xi32, #tpu.memory_space<hbm>> -> memref<200x128xi32, #tpu.memory_space<hbm>>
      tpu.wait_dma2 semaphore(%run_scoped3A : memref<!tpu.dma_semaphore, #tpu.memory_space<semaphore_mem>>) src(%dma_wait3A_539 : memref<200x128xi32, #tpu.memory_space<hbm>>) dst(%arg5 : memref<200x128xi32, #tpu.memory_space<vmem>>)
      tpu.yield
    }) : () -> ()
    %dma_start3A = arith.constant 0 : i32
    %dma_start3A_5 = arith.constant 0 : i32
    %dma_start3A_6 = arith.constant 0 : i32
    %dma_start3A_7 = arith.constant 0 : i32
    %dma_start3A_8 = tpu.memref_slice %arg6[%dma_start3A_5, %dma_start3A_6, %dma_start3A_7] : memref<3x512x64xf32, #tpu.memory_space<vmem>> -> memref<1x512x64xf32, #tpu.memory_space<vmem>>
    %dma_start3A_9 = tpu.memref_squeeze %dma_start3A_8 : memref<1x512x64xf32, #tpu.memory_space<vmem>> -> memref<512x64xf32, #tpu.memory_space<vmem>>
    %dma_start3A_10 = arith.constant 0 : i32
    %dma_start3A_11 = arith.constant 0 : i32
    %dma_start3A_12 = tpu.memref_slice %dma_start3A_9[%dma_start3A_10, %dma_start3A_11] : memref<512x64xf32, #tpu.memory_space<vmem>> -> memref<128x64xf32, #tpu.memory_space<vmem>>
    %dma_start3A_13 = arith.constant 0 : i32
    %dma_start3A_14 = tpu.memref_slice %arg5[%dma_start3A, %dma_start3A_13] : memref<200x128xi32, #tpu.memory_space<vmem>> -> memref<1x128xi32, #tpu.memory_space<vmem>>
    %dma_start3A_15 = tpu.memref_squeeze %dma_start3A_14 : memref<1x128xi32, #tpu.memory_space<vmem>> -> memref<128xi32, #tpu.memory_space<vmem>>
    %dma_start3A_16 = arith.constant 0 : i32
    %dma_start3A_17 = arith.constant 0 : i32
    %dma_start3A_18 = tpu.memref_slice %arg3[%dma_start3A_16, %dma_start3A_17] : memref<1000000x64xf32, #tpu.memory_space<hbm>> -> memref<1000000x64xf32, #tpu.memory_space<hbm>>
    tpu.enqueue_indirect_dma source(%dma_start3A_18 : memref<1000000x64xf32, #tpu.memory_space<hbm>>) target(%dma_start3A_12 : memref<128x64xf32, #tpu.memory_space<vmem>>) offsets(%dma_start3A_15 : memref<128xi32, #tpu.memory_space<vmem>>) semaphore(%arg7 : memref<!tpu.dma_semaphore, #tpu.memory_space<semaphore_mem>>)
    %dma_start3A_19 = arith.constant 1 : i32
    %dma_start3A_20 = arith.constant 0 : i32
    %dma_start3A_21 = arith.constant 0 : i32
    %dma_start3A_22 = arith.constant 0 : i32
    %dma_start3A_23 = tpu.memref_slice %arg6[%dma_start3A_20, %dma_start3A_21, %dma_start3A_22] : memref<3x512x64xf32, #tpu.memory_space<vmem>> -> memref<1x512x64xf32, #tpu.memory_space<vmem>>
    %dma_start3A_24 = tpu.memref_squeeze %dma_start3A_23 : memref<1x512x64xf32, #tpu.memory_space<vmem>> -> memref<512x64xf32, #tpu.memory_space<vmem>>
    %dma_start3A_25 = arith.constant 128 : i32
    %dma_start3A_26 = arith.constant 0 : i32
    %dma_start3A_27 = tpu.memref_slice %dma_start3A_24[%dma_start3A_25, %dma_start3A_26] : memref<512x64xf32, #tpu.memory_space<vmem>> -> memref<128x64xf32, #tpu.memory_space<vmem>>
    %dma_start3A_28 = arith.constant 0 : i32
    %dma_start3A_29 = tpu.memref_slice %arg5[%dma_start3A_19, %dma_start3A_28] : memref<200x128xi32, #tpu.memory_space<vmem>> -> memref<1x128xi32, #tpu.memory_space<vmem>>
    %dma_start3A_30 = tpu.memref_squeeze %dma_start3A_29 : memref<1x128xi32, #tpu.memory_space<vmem>> -> memref<128xi32, #tpu.memory_space<vmem>>
    %dma_start3A_31 = arith.constant 0 : i32
    %dma_start3A_32 = arith.constant 0 : i32
    %dma_start3A_33 = tpu.memref_slice %arg3[%dma_start3A_31, %dma_start3A_32] : memref<1000000x64xf32, #tpu.memory_space<hbm>> -> memref<1000000x64xf32, #tpu.memory_space<hbm>>
    tpu.enqueue_indirect_dma source(%dma_start3A_33 : memref<1000000x64xf32, #tpu.memory_space<hbm>>) target(%dma_start3A_27 : memref<128x64xf32, #tpu.memory_space<vmem>>) offsets(%dma_start3A_30 : memref<128xi32, #tpu.memory_space<vmem>>) semaphore(%arg7 : memref<!tpu.dma_semaphore, #tpu.memory_space<semaphore_mem>>)
    %dma_start3A_34 = arith.constant 2 : i32
    %dma_start3A_35 = arith.constant 0 : i32
    %dma_start3A_36 = arith.constant 0 : i32
    %dma_start3A_37 = arith.constant 0 : i32
    %dma_start3A_38 = tpu.memref_slice %arg6[%dma_start3A_35, %dma_start3A_36, %dma_start3A_37] : memref<3x512x64xf32, #tpu.memory_space<vmem>> -> memref<1x512x64xf32, #tpu.memory_space<vmem>>
    %dma_start3A_39 = tpu.memref_squeeze %dma_start3A_38 : memref<1x512x64xf32, #tpu.memory_space<vmem>> -> memref<512x64xf32, #tpu.memory_space<vmem>>
    %dma_start3A_40 = arith.constant 256 : i32
    %dma_start3A_41 = arith.constant 0 : i32
    %dma_start3A_42 = tpu.memref_slice %dma_start3A_39[%dma_start3A_40, %dma_start3A_41] : memref<512x64xf32, #tpu.memory_space<vmem>> -> memref<128x64xf32, #tpu.memory_space<vmem>>
    %dma_start3A_43 = arith.constant 0 : i32
    %dma_start3A_44 = tpu.memref_slice %arg5[%dma_start3A_34, %dma_start3A_43] : memref<200x128xi32, #tpu.memory_space<vmem>> -> memref<1x128xi32, #tpu.memory_space<vmem>>
    %dma_start3A_45 = tpu.memref_squeeze %dma_start3A_44 : memref<1x128xi32, #tpu.memory_space<vmem>> -> memref<128xi32, #tpu.memory_space<vmem>>
    %dma_start3A_46 = arith.constant 0 : i32
    %dma_start3A_47 = arith.constant 0 : i32
    %dma_start3A_48 = tpu.memref_slice %arg3[%dma_start3A_46, %dma_start3A_47] : memref<1000000x64xf32, #tpu.memory_space<hbm>> -> memref<1000000x64xf32, #tpu.memory_space<hbm>>
    tpu.enqueue_indirect_dma source(%dma_start3A_48 : memref<1000000x64xf32, #tpu.memory_space<hbm>>) target(%dma_start3A_42 : memref<128x64xf32, #tpu.memory_space<vmem>>) offsets(%dma_start3A_45 : memref<128xi32, #tpu.memory_space<vmem>>) semaphore(%arg7 : memref<!tpu.dma_semaphore, #tpu.memory_space<semaphore_mem>>)
    %dma_start3A_49 = arith.constant 3 : i32
    %dma_start3A_50 = arith.constant 0 : i32
    %dma_start3A_51 = arith.constant 0 : i32
    %dma_start3A_52 = arith.constant 0 : i32
    %dma_start3A_53 = tpu.memref_slice %arg6[%dma_start3A_50, %dma_start3A_51, %dma_start3A_52] : memref<3x512x64xf32, #tpu.memory_space<vmem>> -> memref<1x512x64xf32, #tpu.memory_space<vmem>>
    %dma_start3A_54 = tpu.memref_squeeze %dma_start3A_53 : memref<1x512x64xf32, #tpu.memory_space<vmem>> -> memref<512x64xf32, #tpu.memory_space<vmem>>
    %dma_start3A_55 = arith.constant 384 : i32
    %dma_start3A_56 = arith.constant 0 : i32
    %dma_start3A_57 = tpu.memref_slice %dma_start3A_54[%dma_start3A_55, %dma_start3A_56] : memref<512x64xf32, #tpu.memory_space<vmem>> -> memref<128x64xf32, #tpu.memory_space<vmem>>
    %dma_start3A_58 = arith.constant 0 : i32
    %dma_start3A_59 = tpu.memref_slice %arg5[%dma_start3A_49, %dma_start3A_58] : memref<200x128xi32, #tpu.memory_space<vmem>> -> memref<1x128xi32, #tpu.memory_space<vmem>>
    %dma_start3A_60 = tpu.memref_squeeze %dma_start3A_59 : memref<1x128xi32, #tpu.memory_space<vmem>> -> memref<128xi32, #tpu.memory_space<vmem>>
    %dma_start3A_61 = arith.constant 0 : i32
    %dma_start3A_62 = arith.constant 0 : i32
    %dma_start3A_63 = tpu.memref_slice %arg3[%dma_start3A_61, %dma_start3A_62] : memref<1000000x64xf32, #tpu.memory_space<hbm>> -> memref<1000000x64xf32, #tpu.memory_space<hbm>>
    tpu.enqueue_indirect_dma source(%dma_start3A_63 : memref<1000000x64xf32, #tpu.memory_space<hbm>>) target(%dma_start3A_57 : memref<128x64xf32, #tpu.memory_space<vmem>>) offsets(%dma_start3A_60 : memref<128xi32, #tpu.memory_space<vmem>>) semaphore(%arg7 : memref<!tpu.dma_semaphore, #tpu.memory_space<semaphore_mem>>)
    %dma_start3A_64 = arith.constant 4 : i32
    %dma_start3A_65 = arith.constant 1 : i32
    %dma_start3A_66 = arith.constant 0 : i32
    %dma_start3A_67 = arith.constant 0 : i32
    %dma_start3A_68 = tpu.memref_slice %arg6[%dma_start3A_65, %dma_start3A_66, %dma_start3A_67] : memref<3x512x64xf32, #tpu.memory_space<vmem>> -> memref<1x512x64xf32, #tpu.memory_space<vmem>>
    %dma_start3A_69 = tpu.memref_squeeze %dma_start3A_68 : memref<1x512x64xf32, #tpu.memory_space<vmem>> -> memref<512x64xf32, #tpu.memory_space<vmem>>
    %dma_start3A_70 = arith.constant 0 : i32
    %dma_start3A_71 = arith.constant 0 : i32
    %dma_start3A_72 = tpu.memref_slice %dma_start3A_69[%dma_start3A_70, %dma_start3A_71] : memref<512x64xf32, #tpu.memory_space<vmem>> -> memref<128x64xf32, #tpu.memory_space<vmem>>
    %dma_start3A_73 = arith.constant 0 : i32
    %dma_start3A_74 = tpu.memref_slice %arg5[%dma_start3A_64, %dma_start3A_73] : memref<200x128xi32, #tpu.memory_space<vmem>> -> memref<1x128xi32, #tpu.memory_space<vmem>>
    %dma_start3A_75 = tpu.memref_squeeze %dma_start3A_74 : memref<1x128xi32, #tpu.memory_space<vmem>> -> memref<128xi32, #tpu.memory_space<vmem>>
    %dma_start3A_76 = arith.constant 0 : i32
    %dma_start3A_77 = arith.constant 0 : i32
    %dma_start3A_78 = tpu.memref_slice %arg3[%dma_start3A_76, %dma_start3A_77] : memref<1000000x64xf32, #tpu.memory_space<hbm>> -> memref<1000000x64xf32, #tpu.memory_space<hbm>>
    tpu.enqueue_indirect_dma source(%dma_start3A_78 : memref<1000000x64xf32, #tpu.memory_space<hbm>>) target(%dma_start3A_72 : memref<128x64xf32, #tpu.memory_space<vmem>>) offsets(%dma_start3A_75 : memref<128xi32, #tpu.memory_space<vmem>>) semaphore(%arg8 : memref<!tpu.dma_semaphore, #tpu.memory_space<semaphore_mem>>)
    %dma_start3A_79 = arith.constant 5 : i32
    %dma_start3A_80 = arith.constant 1 : i32
    %dma_start3A_81 = arith.constant 0 : i32
    %dma_start3A_82 = arith.constant 0 : i32
    %dma_start3A_83 = tpu.memref_slice %arg6[%dma_start3A_80, %dma_start3A_81, %dma_start3A_82] : memref<3x512x64xf32, #tpu.memory_space<vmem>> -> memref<1x512x64xf32, #tpu.memory_space<vmem>>
    %dma_start3A_84 = tpu.memref_squeeze %dma_start3A_83 : memref<1x512x64xf32, #tpu.memory_space<vmem>> -> memref<512x64xf32, #tpu.memory_space<vmem>>
    %dma_start3A_85 = arith.constant 128 : i32
    %dma_start3A_86 = arith.constant 0 : i32
    %dma_start3A_87 = tpu.memref_slice %dma_start3A_84[%dma_start3A_85, %dma_start3A_86] : memref<512x64xf32, #tpu.memory_space<vmem>> -> memref<128x64xf32, #tpu.memory_space<vmem>>
    %dma_start3A_88 = arith.constant 0 : i32
    %dma_start3A_89 = tpu.memref_slice %arg5[%dma_start3A_79, %dma_start3A_88] : memref<200x128xi32, #tpu.memory_space<vmem>> -> memref<1x128xi32, #tpu.memory_space<vmem>>
    %dma_start3A_90 = tpu.memref_squeeze %dma_start3A_89 : memref<1x128xi32, #tpu.memory_space<vmem>> -> memref<128xi32, #tpu.memory_space<vmem>>
    %dma_start3A_91 = arith.constant 0 : i32
    %dma_start3A_92 = arith.constant 0 : i32
    %dma_start3A_93 = tpu.memref_slice %arg3[%dma_start3A_91, %dma_start3A_92] : memref<1000000x64xf32, #tpu.memory_space<hbm>> -> memref<1000000x64xf32, #tpu.memory_space<hbm>>
    tpu.enqueue_indirect_dma source(%dma_start3A_93 : memref<1000000x64xf32, #tpu.memory_space<hbm>>) target(%dma_start3A_87 : memref<128x64xf32, #tpu.memory_space<vmem>>) offsets(%dma_start3A_90 : memref<128xi32, #tpu.memory_space<vmem>>) semaphore(%arg8 : memref<!tpu.dma_semaphore, #tpu.memory_space<semaphore_mem>>)
    %dma_start3A_94 = arith.constant 6 : i32
    %dma_start3A_95 = arith.constant 1 : i32
    %dma_start3A_96 = arith.constant 0 : i32
    %dma_start3A_97 = arith.constant 0 : i32
    %dma_start3A_98 = tpu.memref_slice %arg6[%dma_start3A_95, %dma_start3A_96, %dma_start3A_97] : memref<3x512x64xf32, #tpu.memory_space<vmem>> -> memref<1x512x64xf32, #tpu.memory_space<vmem>>
    %dma_start3A_99 = tpu.memref_squeeze %dma_start3A_98 : memref<1x512x64xf32, #tpu.memory_space<vmem>> -> memref<512x64xf32, #tpu.memory_space<vmem>>
    %dma_start3A_100 = arith.constant 256 : i32
    %dma_start3A_101 = arith.constant 0 : i32
    %dma_start3A_102 = tpu.memref_slice %dma_start3A_99[%dma_start3A_100, %dma_start3A_101] : memref<512x64xf32, #tpu.memory_space<vmem>> -> memref<128x64xf32, #tpu.memory_space<vmem>>
    %dma_start3A_103 = arith.constant 0 : i32
    %dma_start3A_104 = tpu.memref_slice %arg5[%dma_start3A_94, %dma_start3A_103] : memref<200x128xi32, #tpu.memory_space<vmem>> -> memref<1x128xi32, #tpu.memory_space<vmem>>
    %dma_start3A_105 = tpu.memref_squeeze %dma_start3A_104 : memref<1x128xi32, #tpu.memory_space<vmem>> -> memref<128xi32, #tpu.memory_space<vmem>>
    %dma_start3A_106 = arith.constant 0 : i32
    %dma_start3A_107 = arith.constant 0 : i32
    %dma_start3A_108 = tpu.memref_slice %arg3[%dma_start3A_106, %dma_start3A_107] : memref<1000000x64xf32, #tpu.memory_space<hbm>> -> memref<1000000x64xf32, #tpu.memory_space<hbm>>
    tpu.enqueue_indirect_dma source(%dma_start3A_108 : memref<1000000x64xf32, #tpu.memory_space<hbm>>) target(%dma_start3A_102 : memref<128x64xf32, #tpu.memory_space<vmem>>) offsets(%dma_start3A_105 : memref<128xi32, #tpu.memory_space<vmem>>) semaphore(%arg8 : memref<!tpu.dma_semaphore, #tpu.memory_space<semaphore_mem>>)
    %dma_start3A_109 = arith.constant 7 : i32
    %dma_start3A_110 = arith.constant 1 : i32
    %dma_start3A_111 = arith.constant 0 : i32
    %dma_start3A_112 = arith.constant 0 : i32
    %dma_start3A_113 = tpu.memref_slice %arg6[%dma_start3A_110, %dma_start3A_111, %dma_start3A_112] : memref<3x512x64xf32, #tpu.memory_space<vmem>> -> memref<1x512x64xf32, #tpu.memory_space<vmem>>
    %dma_start3A_114 = tpu.memref_squeeze %dma_start3A_113 : memref<1x512x64xf32, #tpu.memory_space<vmem>> -> memref<512x64xf32, #tpu.memory_space<vmem>>
    %dma_start3A_115 = arith.constant 384 : i32
    %dma_start3A_116 = arith.constant 0 : i32
    %dma_start3A_117 = tpu.memref_slice %dma_start3A_114[%dma_start3A_115, %dma_start3A_116] : memref<512x64xf32, #tpu.memory_space<vmem>> -> memref<128x64xf32, #tpu.memory_space<vmem>>
    %dma_start3A_118 = arith.constant 0 : i32
    %dma_start3A_119 = tpu.memref_slice %arg5[%dma_start3A_109, %dma_start3A_118] : memref<200x128xi32, #tpu.memory_space<vmem>> -> memref<1x128xi32, #tpu.memory_space<vmem>>
    %dma_start3A_120 = tpu.memref_squeeze %dma_start3A_119 : memref<1x128xi32, #tpu.memory_space<vmem>> -> memref<128xi32, #tpu.memory_space<vmem>>
    %dma_start3A_121 = arith.constant 0 : i32
    %dma_start3A_122 = arith.constant 0 : i32
    %dma_start3A_123 = tpu.memref_slice %arg3[%dma_start3A_121, %dma_start3A_122] : memref<1000000x64xf32, #tpu.memory_space<hbm>> -> memref<1000000x64xf32, #tpu.memory_space<hbm>>
    tpu.enqueue_indirect_dma source(%dma_start3A_123 : memref<1000000x64xf32, #tpu.memory_space<hbm>>) target(%dma_start3A_117 : memref<128x64xf32, #tpu.memory_space<vmem>>) offsets(%dma_start3A_120 : memref<128xi32, #tpu.memory_space<vmem>>) semaphore(%arg8 : memref<!tpu.dma_semaphore, #tpu.memory_space<semaphore_mem>>)
    %dma_wait3A = arith.constant 0 : i32
    %dma_wait3A_124 = arith.constant 0 : i32
    %dma_wait3A_125 = arith.constant 0 : i32
    %dma_wait3A_126 = arith.constant 0 : i32
    %dma_wait3A_127 = tpu.memref_slice %arg6[%dma_wait3A_124, %dma_wait3A_125, %dma_wait3A_126] : memref<3x512x64xf32, #tpu.memory_space<vmem>> -> memref<1x512x64xf32, #tpu.memory_space<vmem>>
    %dma_wait3A_128 = tpu.memref_squeeze %dma_wait3A_127 : memref<1x512x64xf32, #tpu.memory_space<vmem>> -> memref<512x64xf32, #tpu.memory_space<vmem>>
    %dma_wait3A_129 = arith.constant 0 : i32
    %dma_wait3A_130 = tpu.memref_slice %arg5[%dma_wait3A, %dma_wait3A_129] : memref<200x128xi32, #tpu.memory_space<vmem>> -> memref<1x128xi32, #tpu.memory_space<vmem>>
    %dma_wait3A_131 = tpu.memref_squeeze %dma_wait3A_130 : memref<1x128xi32, #tpu.memory_space<vmem>> -> memref<128xi32, #tpu.memory_space<vmem>>
    %dma_wait3A_132 = arith.constant 0 : i32
    %dma_wait3A_133 = arith.constant 0 : i32
    %dma_wait3A_134 = tpu.memref_slice %arg3[%dma_wait3A_132, %dma_wait3A_133] : memref<1000000x64xf32, #tpu.memory_space<hbm>> -> memref<1000000x64xf32, #tpu.memory_space<hbm>>
    tpu.wait_indirect_dma semaphore(%arg7 : memref<!tpu.dma_semaphore, #tpu.memory_space<semaphore_mem>>) src(%dma_wait3A_134 : memref<1000000x64xf32, #tpu.memory_space<hbm>>) dst(%dma_wait3A_128 : memref<512x64xf32, #tpu.memory_space<vmem>>)
    %parallel_loop3A = arith.constant 0 : i32
    %parallel_loop3A_135 = arith.constant 512 : i32
    %parallel_loop3A_136 = arith.constant 1 : i32
    scf.for %parallel_loop3A_532 = %parallel_loop3A to %parallel_loop3A_135 step %parallel_loop3A_136  : i32 {
      %parallel_loop3A_533 = arith.constant 0 : i32
      %parallel_loop3A_534 = arith.index_cast %parallel_loop3A_533 : i32 to index
      %parallel_loop3A_535 = arith.index_cast %parallel_loop3A_532 : i32 to index
      %parallel_loop3A_536 = arith.constant 0 : index
      %parallel_loop3A_537 = tpu.vector_load %arg6[%parallel_loop3A_534, %parallel_loop3A_535, %parallel_loop3A_536] {strides = array<i32>} : memref<3x512x64xf32, #tpu.memory_space<vmem>>, vector<1x1x16xf32>,
      %parallel_loop3A_538 = vector.shape_cast %parallel_loop3A_537 : vector<1x1x16xf32> to vector<16xf32>
      %parallel_loop3A_539 = arith.constant 8.000000e+00 : f32
      %parallel_loop3A_540 = vector.broadcast %parallel_loop3A_539 : f32 to vector<16xf32>
      %parallel_loop3A_541 = arith.mulf %parallel_loop3A_538, %parallel_loop3A_540 : vector<16xf32>
      %parallel_loop3A_542 = arith.constant 0 : i32
      %parallel_loop3A_543 = arith.index_cast %parallel_loop3A_542 : i32 to index
      %parallel_loop3A_544 = arith.index_cast %parallel_loop3A_532 : i32 to index
      %parallel_loop3A_545 = arith.constant 0 : index
      %parallel_loop3A_546 = tpu.vector_load %arg6[%parallel_loop3A_543, %parallel_loop3A_544, %parallel_loop3A_545] {strides = array<i32>} : memref<3x512x64xf32, #tpu.memory_space<vmem>>, vector<1x1x16xf32>,
      %parallel_loop3A_547 = vector.shape_cast %parallel_loop3A_546 : vector<1x1x16xf32> to vector<16xf32>
      %parallel_loop3A_548 = vector.shape_cast %parallel_loop3A_541 : vector<16xf32> to vector<1x1x16xf32>
      tpu.vector_store %arg6[%parallel_loop3A_543, %parallel_loop3A_544, %parallel_loop3A_545], %parallel_loop3A_548 {strides = array<i32>} : memref<3x512x64xf32, #tpu.memory_space<vmem>>, vector<1x1x16xf32>,
      %parallel_loop3A_549 = arith.constant 0 : i32
      %parallel_loop3A_550 = arith.index_cast %parallel_loop3A_549 : i32 to index
      %parallel_loop3A_551 = arith.index_cast %parallel_loop3A_532 : i32 to index
      %parallel_loop3A_552 = arith.constant 16 : index
      %parallel_loop3A_553 = tpu.vector_load %arg6[%parallel_loop3A_550, %parallel_loop3A_551, %parallel_loop3A_552] {strides = array<i32>} : memref<3x512x64xf32, #tpu.memory_space<vmem>>, vector<1x1x16xf32>,
      %parallel_loop3A_554 = vector.shape_cast %parallel_loop3A_553 : vector<1x1x16xf32> to vector<16xf32>
      %parallel_loop3A_555 = arith.constant 8.000000e+00 : f32
      %parallel_loop3A_556 = vector.broadcast %parallel_loop3A_555 : f32 to vector<16xf32>
      %parallel_loop3A_557 = arith.mulf %parallel_loop3A_554, %parallel_loop3A_556 : vector<16xf32>
      %parallel_loop3A_558 = arith.constant 0 : i32
      %parallel_loop3A_559 = arith.index_cast %parallel_loop3A_558 : i32 to index
      %parallel_loop3A_560 = arith.index_cast %parallel_loop3A_532 : i32 to index
      %parallel_loop3A_561 = arith.constant 16 : index
      %parallel_loop3A_562 = tpu.vector_load %arg6[%parallel_loop3A_559, %parallel_loop3A_560, %parallel_loop3A_561] {strides = array<i32>} : memref<3x512x64xf32, #tpu.memory_space<vmem>>, vector<1x1x16xf32>,
      %parallel_loop3A_563 = vector.shape_cast %parallel_loop3A_562 : vector<1x1x16xf32> to vector<16xf32>
      %parallel_loop3A_564 = vector.shape_cast %parallel_loop3A_557 : vector<16xf32> to vector<1x1x16xf32>
      tpu.vector_store %arg6[%parallel_loop3A_559, %parallel_loop3A_560, %parallel_loop3A_561], %parallel_loop3A_564 {strides = array<i32>} : memref<3x512x64xf32, #tpu.memory_space<vmem>>, vector<1x1x16xf32>,
      %parallel_loop3A_565 = arith.constant 0 : i32
      %parallel_loop3A_566 = arith.index_cast %parallel_loop3A_565 : i32 to index
      %parallel_loop3A_567 = arith.index_cast %parallel_loop3A_532 : i32 to index
      %parallel_loop3A_568 = arith.constant 32 : index
      %parallel_loop3A_569 = tpu.vector_load %arg6[%parallel_loop3A_566, %parallel_loop3A_567, %parallel_loop3A_568] {strides = array<i32>} : memref<3x512x64xf32, #tpu.memory_space<vmem>>, vector<1x1x16xf32>,
      %parallel_loop3A_570 = vector.shape_cast %parallel_loop3A_569 : vector<1x1x16xf32> to vector<16xf32>
      %parallel_loop3A_571 = arith.constant 8.000000e+00 : f32
      %parallel_loop3A_572 = vector.broadcast %parallel_loop3A_571 : f32 to vector<16xf32>
      %parallel_loop3A_573 = arith.mulf %parallel_loop3A_570, %parallel_loop3A_572 : vector<16xf32>
      %parallel_loop3A_574 = arith.constant 0 : i32
      %parallel_loop3A_575 = arith.index_cast %parallel_loop3A_574 : i32 to index
      %parallel_loop3A_576 = arith.index_cast %parallel_loop3A_532 : i32 to index
      %parallel_loop3A_577 = arith.constant 32 : index
      %parallel_loop3A_578 = tpu.vector_load %arg6[%parallel_loop3A_575, %parallel_loop3A_576, %parallel_loop3A_577] {strides = array<i32>} : memref<3x512x64xf32, #tpu.memory_space<vmem>>, vector<1x1x16xf32>,
      %parallel_loop3A_579 = vector.shape_cast %parallel_loop3A_578 : vector<1x1x16xf32> to vector<16xf32>
      %parallel_loop3A_580 = vector.shape_cast %parallel_loop3A_573 : vector<16xf32> to vector<1x1x16xf32>
      tpu.vector_store %arg6[%parallel_loop3A_575, %parallel_loop3A_576, %parallel_loop3A_577], %parallel_loop3A_580 {strides = array<i32>} : memref<3x512x64xf32, #tpu.memory_space<vmem>>, vector<1x1x16xf32>,
      %parallel_loop3A_581 = arith.constant 0 : i32
      %parallel_loop3A_582 = arith.index_cast %parallel_loop3A_581 : i32 to index
      %parallel_loop3A_583 = arith.index_cast %parallel_loop3A_532 : i32 to index
      %parallel_loop3A_584 = arith.constant 48 : index
      %parallel_loop3A_585 = tpu.vector_load %arg6[%parallel_loop3A_582, %parallel_loop3A_583, %parallel_loop3A_584] {strides = array<i32>} : memref<3x512x64xf32, #tpu.memory_space<vmem>>, vector<1x1x16xf32>,
      %parallel_loop3A_586 = vector.shape_cast %parallel_loop3A_585 : vector<1x1x16xf32> to vector<16xf32>
      %parallel_loop3A_587 = arith.constant 8.000000e+00 : f32
      %parallel_loop3A_588 = vector.broadcast %parallel_loop3A_587 : f32 to vector<16xf32>
      %parallel_loop3A_589 = arith.mulf %parallel_loop3A_586, %parallel_loop3A_588 : vector<16xf32>
      %parallel_loop3A_590 = arith.constant 0 : i32
      %parallel_loop3A_591 = arith.index_cast %parallel_loop3A_590 : i32 to index
      %parallel_loop3A_592 = arith.index_cast %parallel_loop3A_532 : i32 to index
      %parallel_loop3A_593 = arith.constant 48 : index
      %parallel_loop3A_594 = tpu.vector_load %arg6[%parallel_loop3A_591, %parallel_loop3A_592, %parallel_loop3A_593] {strides = array<i32>} : memref<3x512x64xf32, #tpu.memory_space<vmem>>, vector<1x1x16xf32>,
      %parallel_loop3A_595 = vector.shape_cast %parallel_loop3A_594 : vector<1x1x16xf32> to vector<16xf32>
      %parallel_loop3A_596 = vector.shape_cast %parallel_loop3A_589 : vector<16xf32> to vector<1x1x16xf32>
      tpu.vector_store %arg6[%parallel_loop3A_591, %parallel_loop3A_592, %parallel_loop3A_593], %parallel_loop3A_596 {strides = array<i32>} : memref<3x512x64xf32, #tpu.memory_space<vmem>>, vector<1x1x16xf32>,
    } {sc.loop_unroll_factor = 8 : i64, sc.parallel_access}
    %add3A_137 = arith.constant 0 : i32
    %add3A_138 = arith.addi %mul3A_2, %add3A_137 : i32
    %dma_start3A_139 = arith.constant 0 : i32
    %dma_start3A_140 = arith.constant 0 : i32
    %dma_start3A_141 = arith.constant 0 : i32
    %dma_start3A_142 = tpu.memref_slice %arg6[%dma_start3A_139, %dma_start3A_140, %dma_start3A_141] : memref<3x512x64xf32, #tpu.memory_space<vmem>> -> memref<1x512x64xf32, #tpu.memory_space<vmem>>
    %dma_start3A_143 = tpu.memref_squeeze %dma_start3A_142 : memref<1x512x64xf32, #tpu.memory_space<vmem>> -> memref<512x64xf32, #tpu.memory_space<vmem>>
    %dma_start3A_144 = arith.constant 0 : i32
    %dma_start3A_145 = tpu.memref_slice %arg4[%add3A_138, %dma_start3A_144] : memref<819200x64xf32, #tpu.memory_space<hbm>> -> memref<512x64xf32, #tpu.memory_space<hbm>>
    %dma_start3A_146 = arith.constant 0 : i32
    %dma_start3A_147 = tpu.memref_slice %arg4[%add3A_138, %dma_start3A_146] : memref<819200x64xf32, #tpu.memory_space<hbm>> -> memref<512x64xf32, #tpu.memory_space<hbm>>
    %dma_start3A_148 = arith.constant 0 : i32
    %dma_start3A_149 = arith.constant 0 : i32
    %dma_start3A_150 = tpu.memref_slice %arg6[%dma_start3A_139, %dma_start3A_148, %dma_start3A_149] : memref<3x512x64xf32, #tpu.memory_space<vmem>> -> memref<1x512x64xf32, #tpu.memory_space<vmem>>
    %dma_start3A_151 = tpu.memref_squeeze %dma_start3A_150 : memref<1x512x64xf32, #tpu.memory_space<vmem>> -> memref<512x64xf32, #tpu.memory_space<vmem>>
    tpu.enqueue_dma source(%dma_start3A_151 : memref<512x64xf32, #tpu.memory_space<vmem>>) target(%dma_start3A_147 : memref<512x64xf32, #tpu.memory_space<hbm>>) target_semaphore(%arg10 : memref<!tpu.dma_semaphore, #tpu.memory_space<semaphore_mem>>)
    %dma_start3A_152 = arith.constant 8 : i32
    %dma_start3A_153 = arith.constant 2 : i32
    %dma_start3A_154 = arith.constant 0 : i32
    %dma_start3A_155 = arith.constant 0 : i32
    %dma_start3A_156 = tpu.memref_slice %arg6[%dma_start3A_153, %dma_start3A_154, %dma_start3A_155] : memref<3x512x64xf32, #tpu.memory_space<vmem>> -> memref<1x512x64xf32, #tpu.memory_space<vmem>>
    %dma_start3A_157 = tpu.memref_squeeze %dma_start3A_156 : memref<1x512x64xf32, #tpu.memory_space<vmem>> -> memref<512x64xf32, #tpu.memory_space<vmem>>
    %dma_start3A_158 = arith.constant 0 : i32
    %dma_start3A_159 = arith.constant 0 : i32
    %dma_start3A_160 = tpu.memref_slice %dma_start3A_157[%dma_start3A_158, %dma_start3A_159] : memref<512x64xf32, #tpu.memory_space<vmem>> -> memref<128x64xf32, #tpu.memory_space<vmem>>
    %dma_start3A_161 = arith.constant 0 : i32
    %dma_start3A_162 = tpu.memref_slice %arg5[%dma_start3A_152, %dma_start3A_161] : memref<200x128xi32, #tpu.memory_space<vmem>> -> memref<1x128xi32, #tpu.memory_space<vmem>>
    %dma_start3A_163 = tpu.memref_squeeze %dma_start3A_162 : memref<1x128xi32, #tpu.memory_space<vmem>> -> memref<128xi32, #tpu.memory_space<vmem>>
    %dma_start3A_164 = arith.constant 0 : i32
    %dma_start3A_165 = arith.constant 0 : i32
    %dma_start3A_166 = tpu.memref_slice %arg3[%dma_start3A_164, %dma_start3A_165] : memref<1000000x64xf32, #tpu.memory_space<hbm>> -> memref<1000000x64xf32, #tpu.memory_space<hbm>>
    tpu.enqueue_indirect_dma source(%dma_start3A_166 : memref<1000000x64xf32, #tpu.memory_space<hbm>>) target(%dma_start3A_160 : memref<128x64xf32, #tpu.memory_space<vmem>>) offsets(%dma_start3A_163 : memref<128xi32, #tpu.memory_space<vmem>>) semaphore(%arg9 : memref<!tpu.dma_semaphore, #tpu.memory_space<semaphore_mem>>)
    %dma_start3A_167 = arith.constant 9 : i32
    %dma_start3A_168 = arith.constant 2 : i32
    %dma_start3A_169 = arith.constant 0 : i32
    %dma_start3A_170 = arith.constant 0 : i32
    %dma_start3A_171 = tpu.memref_slice %arg6[%dma_start3A_168, %dma_start3A_169, %dma_start3A_170] : memref<3x512x64xf32, #tpu.memory_space<vmem>> -> memref<1x512x64xf32, #tpu.memory_space<vmem>>
    %dma_start3A_172 = tpu.memref_squeeze %dma_start3A_171 : memref<1x512x64xf32, #tpu.memory_space<vmem>> -> memref<512x64xf32, #tpu.memory_space<vmem>>
    %dma_start3A_173 = arith.constant 128 : i32
    %dma_start3A_174 = arith.constant 0 : i32
    %dma_start3A_175 = tpu.memref_slice %dma_start3A_172[%dma_start3A_173, %dma_start3A_174] : memref<512x64xf32, #tpu.memory_space<vmem>> -> memref<128x64xf32, #tpu.memory_space<vmem>>
    %dma_start3A_176 = arith.constant 0 : i32
    %dma_start3A_177 = tpu.memref_slice %arg5[%dma_start3A_167, %dma_start3A_176] : memref<200x128xi32, #tpu.memory_space<vmem>> -> memref<1x128xi32, #tpu.memory_space<vmem>>
    %dma_start3A_178 = tpu.memref_squeeze %dma_start3A_177 : memref<1x128xi32, #tpu.memory_space<vmem>> -> memref<128xi32, #tpu.memory_space<vmem>>
    %dma_start3A_179 = arith.constant 0 : i32
    %dma_start3A_180 = arith.constant 0 : i32
    %dma_start3A_181 = tpu.memref_slice %arg3[%dma_start3A_179, %dma_start3A_180] : memref<1000000x64xf32, #tpu.memory_space<hbm>> -> memref<1000000x64xf32, #tpu.memory_space<hbm>>
    tpu.enqueue_indirect_dma source(%dma_start3A_181 : memref<1000000x64xf32, #tpu.memory_space<hbm>>) target(%dma_start3A_175 : memref<128x64xf32, #tpu.memory_space<vmem>>) offsets(%dma_start3A_178 : memref<128xi32, #tpu.memory_space<vmem>>) semaphore(%arg9 : memref<!tpu.dma_semaphore, #tpu.memory_space<semaphore_mem>>)
    %dma_start3A_182 = arith.constant 10 : i32
    %dma_start3A_183 = arith.constant 2 : i32
    %dma_start3A_184 = arith.constant 0 : i32
    %dma_start3A_185 = arith.constant 0 : i32
    %dma_start3A_186 = tpu.memref_slice %arg6[%dma_start3A_183, %dma_start3A_184, %dma_start3A_185] : memref<3x512x64xf32, #tpu.memory_space<vmem>> -> memref<1x512x64xf32, #tpu.memory_space<vmem>>
    %dma_start3A_187 = tpu.memref_squeeze %dma_start3A_186 : memref<1x512x64xf32, #tpu.memory_space<vmem>> -> memref<512x64xf32, #tpu.memory_space<vmem>>
    %dma_start3A_188 = arith.constant 256 : i32
    %dma_start3A_189 = arith.constant 0 : i32
    %dma_start3A_190 = tpu.memref_slice %dma_start3A_187[%dma_start3A_188, %dma_start3A_189] : memref<512x64xf32, #tpu.memory_space<vmem>> -> memref<128x64xf32, #tpu.memory_space<vmem>>
    %dma_start3A_191 = arith.constant 0 : i32
    %dma_start3A_192 = tpu.memref_slice %arg5[%dma_start3A_182, %dma_start3A_191] : memref<200x128xi32, #tpu.memory_space<vmem>> -> memref<1x128xi32, #tpu.memory_space<vmem>>
    %dma_start3A_193 = tpu.memref_squeeze %dma_start3A_192 : memref<1x128xi32, #tpu.memory_space<vmem>> -> memref<128xi32, #tpu.memory_space<vmem>>
    %dma_start3A_194 = arith.constant 0 : i32
    %dma_start3A_195 = arith.constant 0 : i32
    %dma_start3A_196 = tpu.memref_slice %arg3[%dma_start3A_194, %dma_start3A_195] : memref<1000000x64xf32, #tpu.memory_space<hbm>> -> memref<1000000x64xf32, #tpu.memory_space<hbm>>
    tpu.enqueue_indirect_dma source(%dma_start3A_196 : memref<1000000x64xf32, #tpu.memory_space<hbm>>) target(%dma_start3A_190 : memref<128x64xf32, #tpu.memory_space<vmem>>) offsets(%dma_start3A_193 : memref<128xi32, #tpu.memory_space<vmem>>) semaphore(%arg9 : memref<!tpu.dma_semaphore, #tpu.memory_space<semaphore_mem>>)
    %dma_start3A_197 = arith.constant 11 : i32
    %dma_start3A_198 = arith.constant 2 : i32
    %dma_start3A_199 = arith.constant 0 : i32
    %dma_start3A_200 = arith.constant 0 : i32
    %dma_start3A_201 = tpu.memref_slice %arg6[%dma_start3A_198, %dma_start3A_199, %dma_start3A_200] : memref<3x512x64xf32, #tpu.memory_space<vmem>> -> memref<1x512x64xf32, #tpu.memory_space<vmem>>
    %dma_start3A_202 = tpu.memref_squeeze %dma_start3A_201 : memref<1x512x64xf32, #tpu.memory_space<vmem>> -> memref<512x64xf32, #tpu.memory_space<vmem>>
    %dma_start3A_203 = arith.constant 384 : i32
    %dma_start3A_204 = arith.constant 0 : i32
    %dma_start3A_205 = tpu.memref_slice %dma_start3A_202[%dma_start3A_203, %dma_start3A_204] : memref<512x64xf32, #tpu.memory_space<vmem>> -> memref<128x64xf32, #tpu.memory_space<vmem>>
    %dma_start3A_206 = arith.constant 0 : i32
    %dma_start3A_207 = tpu.memref_slice %arg5[%dma_start3A_197, %dma_start3A_206] : memref<200x128xi32, #tpu.memory_space<vmem>> -> memref<1x128xi32, #tpu.memory_space<vmem>>
    %dma_start3A_208 = tpu.memref_squeeze %dma_start3A_207 : memref<1x128xi32, #tpu.memory_space<vmem>> -> memref<128xi32, #tpu.memory_space<vmem>>
    %dma_start3A_209 = arith.constant 0 : i32
    %dma_start3A_210 = arith.constant 0 : i32
    %dma_start3A_211 = tpu.memref_slice %arg3[%dma_start3A_209, %dma_start3A_210] : memref<1000000x64xf32, #tpu.memory_space<hbm>> -> memref<1000000x64xf32, #tpu.memory_space<hbm>>
    tpu.enqueue_indirect_dma source(%dma_start3A_211 : memref<1000000x64xf32, #tpu.memory_space<hbm>>) target(%dma_start3A_205 : memref<128x64xf32, #tpu.memory_space<vmem>>) offsets(%dma_start3A_208 : memref<128xi32, #tpu.memory_space<vmem>>) semaphore(%arg9 : memref<!tpu.dma_semaphore, #tpu.memory_space<semaphore_mem>>)
    %dma_wait3A_212 = arith.constant 0 : i32
    %dma_wait3A_213 = arith.constant 1 : i32
    %dma_wait3A_214 = arith.constant 0 : i32
    %dma_wait3A_215 = arith.constant 0 : i32
    %dma_wait3A_216 = tpu.memref_slice %arg6[%dma_wait3A_213, %dma_wait3A_214, %dma_wait3A_215] : memref<3x512x64xf32, #tpu.memory_space<vmem>> -> memref<1x512x64xf32, #tpu.memory_space<vmem>>
    %dma_wait3A_217 = tpu.memref_squeeze %dma_wait3A_216 : memref<1x512x64xf32, #tpu.memory_space<vmem>> -> memref<512x64xf32, #tpu.memory_space<vmem>>
    %dma_wait3A_218 = arith.constant 0 : i32
    %dma_wait3A_219 = tpu.memref_slice %arg5[%dma_wait3A_212, %dma_wait3A_218] : memref<200x128xi32, #tpu.memory_space<vmem>> -> memref<1x128xi32, #tpu.memory_space<vmem>>
    %dma_wait3A_220 = tpu.memref_squeeze %dma_wait3A_219 : memref<1x128xi32, #tpu.memory_space<vmem>> -> memref<128xi32, #tpu.memory_space<vmem>>
    %dma_wait3A_221 = arith.constant 0 : i32
    %dma_wait3A_222 = arith.constant 0 : i32
    %dma_wait3A_223 = tpu.memref_slice %arg3[%dma_wait3A_221, %dma_wait3A_222] : memref<1000000x64xf32, #tpu.memory_space<hbm>> -> memref<1000000x64xf32, #tpu.memory_space<hbm>>
    tpu.wait_indirect_dma semaphore(%arg8 : memref<!tpu.dma_semaphore, #tpu.memory_space<semaphore_mem>>) src(%dma_wait3A_223 : memref<1000000x64xf32, #tpu.memory_space<hbm>>) dst(%dma_wait3A_217 : memref<512x64xf32, #tpu.memory_space<vmem>>)
    %parallel_loop3A_224 = arith.constant 0 : i32
    %parallel_loop3A_225 = arith.constant 512 : i32
    %parallel_loop3A_226 = arith.constant 1 : i32
    scf.for %parallel_loop3A_532 = %parallel_loop3A_224 to %parallel_loop3A_225 step %parallel_loop3A_226  : i32 {
      %parallel_loop3A_533 = arith.constant 1 : i32
      %parallel_loop3A_534 = arith.index_cast %parallel_loop3A_533 : i32 to index
      %parallel_loop3A_535 = arith.index_cast %parallel_loop3A_532 : i32 to index
      %parallel_loop3A_536 = arith.constant 0 : index
      %parallel_loop3A_537 = tpu.vector_load %arg6[%parallel_loop3A_534, %parallel_loop3A_535, %parallel_loop3A_536] {strides = array<i32>} : memref<3x512x64xf32, #tpu.memory_space<vmem>>, vector<1x1x16xf32>,
      %parallel_loop3A_538 = vector.shape_cast %parallel_loop3A_537 : vector<1x1x16xf32> to vector<16xf32>
      %parallel_loop3A_539 = arith.constant 8.000000e+00 : f32
      %parallel_loop3A_540 = vector.broadcast %parallel_loop3A_539 : f32 to vector<16xf32>
      %parallel_loop3A_541 = arith.mulf %parallel_loop3A_538, %parallel_loop3A_540 : vector<16xf32>
      %parallel_loop3A_542 = arith.constant 1 : i32
      %parallel_loop3A_543 = arith.index_cast %parallel_loop3A_542 : i32 to index
      %parallel_loop3A_544 = arith.index_cast %parallel_loop3A_532 : i32 to index
      %parallel_loop3A_545 = arith.constant 0 : index
      %parallel_loop3A_546 = tpu.vector_load %arg6[%parallel_loop3A_543, %parallel_loop3A_544, %parallel_loop3A_545] {strides = array<i32>} : memref<3x512x64xf32, #tpu.memory_space<vmem>>, vector<1x1x16xf32>,
      %parallel_loop3A_547 = vector.shape_cast %parallel_loop3A_546 : vector<1x1x16xf32> to vector<16xf32>
      %parallel_loop3A_548 = vector.shape_cast %parallel_loop3A_541 : vector<16xf32> to vector<1x1x16xf32>
      tpu.vector_store %arg6[%parallel_loop3A_543, %parallel_loop3A_544, %parallel_loop3A_545], %parallel_loop3A_548 {strides = array<i32>} : memref<3x512x64xf32, #tpu.memory_space<vmem>>, vector<1x1x16xf32>,
      %parallel_loop3A_549 = arith.constant 1 : i32
      %parallel_loop3A_550 = arith.index_cast %parallel_loop3A_549 : i32 to index
      %parallel_loop3A_551 = arith.index_cast %parallel_loop3A_532 : i32 to index
      %parallel_loop3A_552 = arith.constant 16 : index
      %parallel_loop3A_553 = tpu.vector_load %arg6[%parallel_loop3A_550, %parallel_loop3A_551, %parallel_loop3A_552] {strides = array<i32>} : memref<3x512x64xf32, #tpu.memory_space<vmem>>, vector<1x1x16xf32>,
      %parallel_loop3A_554 = vector.shape_cast %parallel_loop3A_553 : vector<1x1x16xf32> to vector<16xf32>
      %parallel_loop3A_555 = arith.constant 8.000000e+00 : f32
      %parallel_loop3A_556 = vector.broadcast %parallel_loop3A_555 : f32 to vector<16xf32>
      %parallel_loop3A_557 = arith.mulf %parallel_loop3A_554, %parallel_loop3A_556 : vector<16xf32>
      %parallel_loop3A_558 = arith.constant 1 : i32
      %parallel_loop3A_559 = arith.index_cast %parallel_loop3A_558 : i32 to index
      %parallel_loop3A_560 = arith.index_cast %parallel_loop3A_532 : i32 to index
      %parallel_loop3A_561 = arith.constant 16 : index
      %parallel_loop3A_562 = tpu.vector_load %arg6[%parallel_loop3A_559, %parallel_loop3A_560, %parallel_loop3A_561] {strides = array<i32>} : memref<3x512x64xf32, #tpu.memory_space<vmem>>, vector<1x1x16xf32>,
      %parallel_loop3A_563 = vector.shape_cast %parallel_loop3A_562 : vector<1x1x16xf32> to vector<16xf32>
      %parallel_loop3A_564 = vector.shape_cast %parallel_loop3A_557 : vector<16xf32> to vector<1x1x16xf32>
      tpu.vector_store %arg6[%parallel_loop3A_559, %parallel_loop3A_560, %parallel_loop3A_561], %parallel_loop3A_564 {strides = array<i32>} : memref<3x512x64xf32, #tpu.memory_space<vmem>>, vector<1x1x16xf32>,
      %parallel_loop3A_565 = arith.constant 1 : i32
      %parallel_loop3A_566 = arith.index_cast %parallel_loop3A_565 : i32 to index
      %parallel_loop3A_567 = arith.index_cast %parallel_loop3A_532 : i32 to index
      %parallel_loop3A_568 = arith.constant 32 : index
      %parallel_loop3A_569 = tpu.vector_load %arg6[%parallel_loop3A_566, %parallel_loop3A_567, %parallel_loop3A_568] {strides = array<i32>} : memref<3x512x64xf32, #tpu.memory_space<vmem>>, vector<1x1x16xf32>,
      %parallel_loop3A_570 = vector.shape_cast %parallel_loop3A_569 : vector<1x1x16xf32> to vector<16xf32>
      %parallel_loop3A_571 = arith.constant 8.000000e+00 : f32
      %parallel_loop3A_572 = vector.broadcast %parallel_loop3A_571 : f32 to vector<16xf32>
      %parallel_loop3A_573 = arith.mulf %parallel_loop3A_570, %parallel_loop3A_572 : vector<16xf32>
      %parallel_loop3A_574 = arith.constant 1 : i32
      %parallel_loop3A_575 = arith.index_cast %parallel_loop3A_574 : i32 to index
      %parallel_loop3A_576 = arith.index_cast %parallel_loop3A_532 : i32 to index
      %parallel_loop3A_577 = arith.constant 32 : index
      %parallel_loop3A_578 = tpu.vector_load %arg6[%parallel_loop3A_575, %parallel_loop3A_576, %parallel_loop3A_577] {strides = array<i32>} : memref<3x512x64xf32, #tpu.memory_space<vmem>>, vector<1x1x16xf32>,
      %parallel_loop3A_579 = vector.shape_cast %parallel_loop3A_578 : vector<1x1x16xf32> to vector<16xf32>
      %parallel_loop3A_580 = vector.shape_cast %parallel_loop3A_573 : vector<16xf32> to vector<1x1x16xf32>
      tpu.vector_store %arg6[%parallel_loop3A_575, %parallel_loop3A_576, %parallel_loop3A_577], %parallel_loop3A_580 {strides = array<i32>} : memref<3x512x64xf32, #tpu.memory_space<vmem>>, vector<1x1x16xf32>,
      %parallel_loop3A_581 = arith.constant 1 : i32
      %parallel_loop3A_582 = arith.index_cast %parallel_loop3A_581 : i32 to index
      %parallel_loop3A_583 = arith.index_cast %parallel_loop3A_532 : i32 to index
      %parallel_loop3A_584 = arith.constant 48 : index
      %parallel_loop3A_585 = tpu.vector_load %arg6[%parallel_loop3A_582, %parallel_loop3A_583, %parallel_loop3A_584] {strides = array<i32>} : memref<3x512x64xf32, #tpu.memory_space<vmem>>, vector<1x1x16xf32>,
      %parallel_loop3A_586 = vector.shape_cast %parallel_loop3A_585 : vector<1x1x16xf32> to vector<16xf32>
      %parallel_loop3A_587 = arith.constant 8.000000e+00 : f32
      %parallel_loop3A_588 = vector.broadcast %parallel_loop3A_587 : f32 to vector<16xf32>
      %parallel_loop3A_589 = arith.mulf %parallel_loop3A_586, %parallel_loop3A_588 : vector<16xf32>
      %parallel_loop3A_590 = arith.constant 1 : i32
      %parallel_loop3A_591 = arith.index_cast %parallel_loop3A_590 : i32 to index
      %parallel_loop3A_592 = arith.index_cast %parallel_loop3A_532 : i32 to index
      %parallel_loop3A_593 = arith.constant 48 : index
      %parallel_loop3A_594 = tpu.vector_load %arg6[%parallel_loop3A_591, %parallel_loop3A_592, %parallel_loop3A_593] {strides = array<i32>} : memref<3x512x64xf32, #tpu.memory_space<vmem>>, vector<1x1x16xf32>,
      %parallel_loop3A_595 = vector.shape_cast %parallel_loop3A_594 : vector<1x1x16xf32> to vector<16xf32>
      %parallel_loop3A_596 = vector.shape_cast %parallel_loop3A_589 : vector<16xf32> to vector<1x1x16xf32>
      tpu.vector_store %arg6[%parallel_loop3A_591, %parallel_loop3A_592, %parallel_loop3A_593], %parallel_loop3A_596 {strides = array<i32>} : memref<3x512x64xf32, #tpu.memory_space<vmem>>, vector<1x1x16xf32>,
    } {sc.loop_unroll_factor = 8 : i64, sc.parallel_access}
    %add3A_227 = arith.constant 512 : i32
    %add3A_228 = arith.addi %mul3A_2, %add3A_227 : i32
    %dma_start3A_229 = arith.constant 1 : i32
    %dma_start3A_230 = arith.constant 0 : i32
    %dma_start3A_231 = arith.constant 0 : i32
    %dma_start3A_232 = tpu.memref_slice %arg6[%dma_start3A_229, %dma_start3A_230, %dma_start3A_231] : memref<3x512x64xf32, #tpu.memory_space<vmem>> -> memref<1x512x64xf32, #tpu.memory_space<vmem>>
    %dma_start3A_233 = tpu.memref_squeeze %dma_start3A_232 : memref<1x512x64xf32, #tpu.memory_space<vmem>> -> memref<512x64xf32, #tpu.memory_space<vmem>>
    %dma_start3A_234 = arith.constant 0 : i32
    %dma_start3A_235 = tpu.memref_slice %arg4[%add3A_228, %dma_start3A_234] : memref<819200x64xf32, #tpu.memory_space<hbm>> -> memref<512x64xf32, #tpu.memory_space<hbm>>
    %dma_start3A_236 = arith.constant 0 : i32
    %dma_start3A_237 = tpu.memref_slice %arg4[%add3A_228, %dma_start3A_236] : memref<819200x64xf32, #tpu.memory_space<hbm>> -> memref<512x64xf32, #tpu.memory_space<hbm>>
    %dma_start3A_238 = arith.constant 0 : i32
    %dma_start3A_239 = arith.constant 0 : i32
    %dma_start3A_240 = tpu.memref_slice %arg6[%dma_start3A_229, %dma_start3A_238, %dma_start3A_239] : memref<3x512x64xf32, #tpu.memory_space<vmem>> -> memref<1x512x64xf32, #tpu.memory_space<vmem>>
    %dma_start3A_241 = tpu.memref_squeeze %dma_start3A_240 : memref<1x512x64xf32, #tpu.memory_space<vmem>> -> memref<512x64xf32, #tpu.memory_space<vmem>>
    tpu.enqueue_dma source(%dma_start3A_241 : memref<512x64xf32, #tpu.memory_space<vmem>>) target(%dma_start3A_237 : memref<512x64xf32, #tpu.memory_space<hbm>>) target_semaphore(%arg11 : memref<!tpu.dma_semaphore, #tpu.memory_space<semaphore_mem>>)
    %dma_wait3A_242 = arith.constant 0 : i32
    %dma_wait3A_243 = arith.constant 0 : i32
    %dma_wait3A_244 = arith.constant 0 : i32
    %dma_wait3A_245 = tpu.memref_slice %arg6[%dma_wait3A_242, %dma_wait3A_243, %dma_wait3A_244] : memref<3x512x64xf32, #tpu.memory_space<vmem>> -> memref<1x512x64xf32, #tpu.memory_space<vmem>>
    %dma_wait3A_246 = tpu.memref_squeeze %dma_wait3A_245 : memref<1x512x64xf32, #tpu.memory_space<vmem>> -> memref<512x64xf32, #tpu.memory_space<vmem>>
    %dma_wait3A_247 = arith.constant 0 : i32
    %dma_wait3A_248 = arith.constant 0 : i32
    %dma_wait3A_249 = tpu.memref_slice %arg4[%dma_wait3A_247, %dma_wait3A_248] : memref<819200x64xf32, #tpu.memory_space<hbm>> -> memref<512x64xf32, #tpu.memory_space<hbm>>
    %dma_wait3A_250 = arith.constant 0 : i32
    %dma_wait3A_251 = arith.constant 0 : i32
    %dma_wait3A_252 = tpu.memref_slice %arg4[%dma_wait3A_250, %dma_wait3A_251] : memref<819200x64xf32, #tpu.memory_space<hbm>> -> memref<512x64xf32, #tpu.memory_space<hbm>>
    %dma_wait3A_253 = arith.constant 0 : i32
    %dma_wait3A_254 = arith.constant 0 : i32
    %dma_wait3A_255 = tpu.memref_slice %arg6[%dma_wait3A_242, %dma_wait3A_253, %dma_wait3A_254] : memref<3x512x64xf32, #tpu.memory_space<vmem>> -> memref<1x512x64xf32, #tpu.memory_space<vmem>>
    %dma_wait3A_256 = tpu.memref_squeeze %dma_wait3A_255 : memref<1x512x64xf32, #tpu.memory_space<vmem>> -> memref<512x64xf32, #tpu.memory_space<vmem>>
    tpu.wait_dma2 semaphore(%arg10 : memref<!tpu.dma_semaphore, #tpu.memory_space<semaphore_mem>>) src(%dma_wait3A_256 : memref<512x64xf32, #tpu.memory_space<vmem>>) dst(%dma_wait3A_252 : memref<512x64xf32, #tpu.memory_space<hbm>>)
    %dma_start3A_257 = arith.constant 12 : i32
    %dma_start3A_258 = arith.constant 0 : i32
    %dma_start3A_259 = arith.constant 0 : i32
    %dma_start3A_260 = arith.constant 0 : i32
    %dma_start3A_261 = tpu.memref_slice %arg6[%dma_start3A_258, %dma_start3A_259, %dma_start3A_260] : memref<3x512x64xf32, #tpu.memory_space<vmem>> -> memref<1x512x64xf32, #tpu.memory_space<vmem>>
    %dma_start3A_262 = tpu.memref_squeeze %dma_start3A_261 : memref<1x512x64xf32, #tpu.memory_space<vmem>> -> memref<512x64xf32, #tpu.memory_space<vmem>>
    %dma_start3A_263 = arith.constant 0 : i32
    %dma_start3A_264 = arith.constant 0 : i32
    %dma_start3A_265 = tpu.memref_slice %dma_start3A_262[%dma_start3A_263, %dma_start3A_264] : memref<512x64xf32, #tpu.memory_space<vmem>> -> memref<128x64xf32, #tpu.memory_space<vmem>>
    %dma_start3A_266 = arith.constant 0 : i32
    %dma_start3A_267 = tpu.memref_slice %arg5[%dma_start3A_257, %dma_start3A_266] : memref<200x128xi32, #tpu.memory_space<vmem>> -> memref<1x128xi32, #tpu.memory_space<vmem>>
    %dma_start3A_268 = tpu.memref_squeeze %dma_start3A_267 : memref<1x128xi32, #tpu.memory_space<vmem>> -> memref<128xi32, #tpu.memory_space<vmem>>
    %dma_start3A_269 = arith.constant 0 : i32
    %dma_start3A_270 = arith.constant 0 : i32
    %dma_start3A_271 = tpu.memref_slice %arg3[%dma_start3A_269, %dma_start3A_270] : memref<1000000x64xf32, #tpu.memory_space<hbm>> -> memref<1000000x64xf32, #tpu.memory_space<hbm>>
    tpu.enqueue_indirect_dma source(%dma_start3A_271 : memref<1000000x64xf32, #tpu.memory_space<hbm>>) target(%dma_start3A_265 : memref<128x64xf32, #tpu.memory_space<vmem>>) offsets(%dma_start3A_268 : memref<128xi32, #tpu.memory_space<vmem>>) semaphore(%arg7 : memref<!tpu.dma_semaphore, #tpu.memory_space<semaphore_mem>>)
    %dma_start3A_272 = arith.constant 13 : i32
    %dma_start3A_273 = arith.constant 0 : i32
    %dma_start3A_274 = arith.constant 0 : i32
    %dma_start3A_275 = arith.constant 0 : i32
    %dma_start3A_276 = tpu.memref_slice %arg6[%dma_start3A_273, %dma_start3A_274, %dma_start3A_275] : memref<3x512x64xf32, #tpu.memory_space<vmem>> -> memref<1x512x64xf32, #tpu.memory_space<vmem>>
    %dma_start3A_277 = tpu.memref_squeeze %dma_start3A_276 : memref<1x512x64xf32, #tpu.memory_space<vmem>> -> memref<512x64xf32, #tpu.memory_space<vmem>>
    %dma_start3A_278 = arith.constant 128 : i32
    %dma_start3A_279 = arith.constant 0 : i32
    %dma_start3A_280 = tpu.memref_slice %dma_start3A_277[%dma_start3A_278, %dma_start3A_279] : memref<512x64xf32, #tpu.memory_space<vmem>> -> memref<128x64xf32, #tpu.memory_space<vmem>>
    %dma_start3A_281 = arith.constant 0 : i32
    %dma_start3A_282 = tpu.memref_slice %arg5[%dma_start3A_272, %dma_start3A_281] : memref<200x128xi32, #tpu.memory_space<vmem>> -> memref<1x128xi32, #tpu.memory_space<vmem>>
    %dma_start3A_283 = tpu.memref_squeeze %dma_start3A_282 : memref<1x128xi32, #tpu.memory_space<vmem>> -> memref<128xi32, #tpu.memory_space<vmem>>
    %dma_start3A_284 = arith.constant 0 : i32
    %dma_start3A_285 = arith.constant 0 : i32
    %dma_start3A_286 = tpu.memref_slice %arg3[%dma_start3A_284, %dma_start3A_285] : memref<1000000x64xf32, #tpu.memory_space<hbm>> -> memref<1000000x64xf32, #tpu.memory_space<hbm>>
    tpu.enqueue_indirect_dma source(%dma_start3A_286 : memref<1000000x64xf32, #tpu.memory_space<hbm>>) target(%dma_start3A_280 : memref<128x64xf32, #tpu.memory_space<vmem>>) offsets(%dma_start3A_283 : memref<128xi32, #tpu.memory_space<vmem>>) semaphore(%arg7 : memref<!tpu.dma_semaphore, #tpu.memory_space<semaphore_mem>>)
    %dma_start3A_287 = arith.constant 14 : i32
    %dma_start3A_288 = arith.constant 0 : i32
    %dma_start3A_289 = arith.constant 0 : i32
    %dma_start3A_290 = arith.constant 0 : i32
    %dma_start3A_291 = tpu.memref_slice %arg6[%dma_start3A_288, %dma_start3A_289, %dma_start3A_290] : memref<3x512x64xf32, #tpu.memory_space<vmem>> -> memref<1x512x64xf32, #tpu.memory_space<vmem>>
    %dma_start3A_292 = tpu.memref_squeeze %dma_start3A_291 : memref<1x512x64xf32, #tpu.memory_space<vmem>> -> memref<512x64xf32, #tpu.memory_space<vmem>>
    %dma_start3A_293 = arith.constant 256 : i32
    %dma_start3A_294 = arith.constant 0 : i32
    %dma_start3A_295 = tpu.memref_slice %dma_start3A_292[%dma_start3A_293, %dma_start3A_294] : memref<512x64xf32, #tpu.memory_space<vmem>> -> memref<128x64xf32, #tpu.memory_space<vmem>>
    %dma_start3A_296 = arith.constant 0 : i32
    %dma_start3A_297 = tpu.memref_slice %arg5[%dma_start3A_287, %dma_start3A_296] : memref<200x128xi32, #tpu.memory_space<vmem>> -> memref<1x128xi32, #tpu.memory_space<vmem>>
    %dma_start3A_298 = tpu.memref_squeeze %dma_start3A_297 : memref<1x128xi32, #tpu.memory_space<vmem>> -> memref<128xi32, #tpu.memory_space<vmem>>
    %dma_start3A_299 = arith.constant 0 : i32
    %dma_start3A_300 = arith.constant 0 : i32
    %dma_start3A_301 = tpu.memref_slice %arg3[%dma_start3A_299, %dma_start3A_300] : memref<1000000x64xf32, #tpu.memory_space<hbm>> -> memref<1000000x64xf32, #tpu.memory_space<hbm>>
    tpu.enqueue_indirect_dma source(%dma_start3A_301 : memref<1000000x64xf32, #tpu.memory_space<hbm>>) target(%dma_start3A_295 : memref<128x64xf32, #tpu.memory_space<vmem>>) offsets(%dma_start3A_298 : memref<128xi32, #tpu.memory_space<vmem>>) semaphore(%arg7 : memref<!tpu.dma_semaphore, #tpu.memory_space<semaphore_mem>>)
    %dma_start3A_302 = arith.constant 15 : i32
    %dma_start3A_303 = arith.constant 0 : i32
    %dma_start3A_304 = arith.constant 0 : i32
    %dma_start3A_305 = arith.constant 0 : i32
    %dma_start3A_306 = tpu.memref_slice %arg6[%dma_start3A_303, %dma_start3A_304, %dma_start3A_305] : memref<3x512x64xf32, #tpu.memory_space<vmem>> -> memref<1x512x64xf32, #tpu.memory_space<vmem>>
    %dma_start3A_307 = tpu.memref_squeeze %dma_start3A_306 : memref<1x512x64xf32, #tpu.memory_space<vmem>> -> memref<512x64xf32, #tpu.memory_space<vmem>>
    %dma_start3A_308 = arith.constant 384 : i32
    %dma_start3A_309 = arith.constant 0 : i32
    %dma_start3A_310 = tpu.memref_slice %dma_start3A_307[%dma_start3A_308, %dma_start3A_309] : memref<512x64xf32, #tpu.memory_space<vmem>> -> memref<128x64xf32, #tpu.memory_space<vmem>>
    %dma_start3A_311 = arith.constant 0 : i32
    %dma_start3A_312 = tpu.memref_slice %arg5[%dma_start3A_302, %dma_start3A_311] : memref<200x128xi32, #tpu.memory_space<vmem>> -> memref<1x128xi32, #tpu.memory_space<vmem>>
    %dma_start3A_313 = tpu.memref_squeeze %dma_start3A_312 : memref<1x128xi32, #tpu.memory_space<vmem>> -> memref<128xi32, #tpu.memory_space<vmem>>
    %dma_start3A_314 = arith.constant 0 : i32
    %dma_start3A_315 = arith.constant 0 : i32
    %dma_start3A_316 = tpu.memref_slice %arg3[%dma_start3A_314, %dma_start3A_315] : memref<1000000x64xf32, #tpu.memory_space<hbm>> -> memref<1000000x64xf32, #tpu.memory_space<hbm>>
    tpu.enqueue_indirect_dma source(%dma_start3A_316 : memref<1000000x64xf32, #tpu.memory_space<hbm>>) target(%dma_start3A_310 : memref<128x64xf32, #tpu.memory_space<vmem>>) offsets(%dma_start3A_313 : memref<128xi32, #tpu.memory_space<vmem>>) semaphore(%arg7 : memref<!tpu.dma_semaphore, #tpu.memory_space<semaphore_mem>>)
    %scan3A = arith.constant 0 : i32
    %scan3A_317 = arith.constant 0 : i32
    %scan3A_318 = arith.constant 15 : i32
    %scan3A_319 = arith.addi %scan3A_317, %scan3A_318 : i32
    %scan3A_320 = arith.constant 1 : i32
    scf.for %scan3A_532 = %scan3A_317 to %scan3A_319 step %scan3A_320  : i32 {
      %mul3A_533 = arith.constant 3 : i32
      %mul3A_534 = arith.muli %scan3A_532, %mul3A_533 : i32
      %add3A_535 = arith.constant 2 : i32
      %add3A_536 = arith.addi %add3A_535, %mul3A_534 : i32
      %dma_wait3A_537 = arith.constant 0 : i32
      %dma_wait3A_538 = arith.constant 2 : i32
      %dma_wait3A_539 = arith.constant 0 : i32
      %dma_wait3A_540 = arith.constant 0 : i32
      %dma_wait3A_541 = tpu.memref_slice %arg6[%dma_wait3A_538, %dma_wait3A_539, %dma_wait3A_540] : memref<3x512x64xf32, #tpu.memory_space<vmem>> -> memref<1x512x64xf32, #tpu.memory_space<vmem>>
      %dma_wait3A_542 = tpu.memref_squeeze %dma_wait3A_541 : memref<1x512x64xf32, #tpu.memory_space<vmem>> -> memref<512x64xf32, #tpu.memory_space<vmem>>
      %dma_wait3A_543 = arith.constant 0 : i32
      %dma_wait3A_544 = tpu.memref_slice %arg5[%dma_wait3A_537, %dma_wait3A_543] : memref<200x128xi32, #tpu.memory_space<vmem>> -> memref<1x128xi32, #tpu.memory_space<vmem>>
      %dma_wait3A_545 = tpu.memref_squeeze %dma_wait3A_544 : memref<1x128xi32, #tpu.memory_space<vmem>> -> memref<128xi32, #tpu.memory_space<vmem>>
      %dma_wait3A_546 = arith.constant 0 : i32
      %dma_wait3A_547 = arith.constant 0 : i32
      %dma_wait3A_548 = tpu.memref_slice %arg3[%dma_wait3A_546, %dma_wait3A_547] : memref<1000000x64xf32, #tpu.memory_space<hbm>> -> memref<1000000x64xf32, #tpu.memory_space<hbm>>
      tpu.wait_indirect_dma semaphore(%arg9 : memref<!tpu.dma_semaphore, #tpu.memory_space<semaphore_mem>>) src(%dma_wait3A_548 : memref<1000000x64xf32, #tpu.memory_space<hbm>>) dst(%dma_wait3A_542 : memref<512x64xf32, #tpu.memory_space<vmem>>)
      %parallel_loop3A_549 = arith.constant 0 : i32
      %parallel_loop3A_550 = arith.constant 512 : i32
      %parallel_loop3A_551 = arith.constant 1 : i32
      scf.for %parallel_loop3A_901 = %parallel_loop3A_549 to %parallel_loop3A_550 step %parallel_loop3A_551  : i32 {
        %parallel_loop3A_902 = arith.constant 2 : i32
        %parallel_loop3A_903 = arith.index_cast %parallel_loop3A_902 : i32 to index
        %parallel_loop3A_904 = arith.index_cast %parallel_loop3A_901 : i32 to index
        %parallel_loop3A_905 = arith.constant 0 : index
        %parallel_loop3A_906 = tpu.vector_load %arg6[%parallel_loop3A_903, %parallel_loop3A_904, %parallel_loop3A_905] {strides = array<i32>} : memref<3x512x64xf32, #tpu.memory_space<vmem>>, vector<1x1x16xf32>,
        %parallel_loop3A_907 = vector.shape_cast %parallel_loop3A_906 : vector<1x1x16xf32> to vector<16xf32>
        %parallel_loop3A_908 = arith.constant 8.000000e+00 : f32
        %parallel_loop3A_909 = vector.broadcast %parallel_loop3A_908 : f32 to vector<16xf32>
        %parallel_loop3A_910 = arith.mulf %parallel_loop3A_907, %parallel_loop3A_909 : vector<16xf32>
        %parallel_loop3A_911 = arith.constant 2 : i32
        %parallel_loop3A_912 = arith.index_cast %parallel_loop3A_911 : i32 to index
        %parallel_loop3A_913 = arith.index_cast %parallel_loop3A_901 : i32 to index
        %parallel_loop3A_914 = arith.constant 0 : index
        %parallel_loop3A_915 = tpu.vector_load %arg6[%parallel_loop3A_912, %parallel_loop3A_913, %parallel_loop3A_914] {strides = array<i32>} : memref<3x512x64xf32, #tpu.memory_space<vmem>>, vector<1x1x16xf32>,
        %parallel_loop3A_916 = vector.shape_cast %parallel_loop3A_915 : vector<1x1x16xf32> to vector<16xf32>
        %parallel_loop3A_917 = vector.shape_cast %parallel_loop3A_910 : vector<16xf32> to vector<1x1x16xf32>
        tpu.vector_store %arg6[%parallel_loop3A_912, %parallel_loop3A_913, %parallel_loop3A_914], %parallel_loop3A_917 {strides = array<i32>} : memref<3x512x64xf32, #tpu.memory_space<vmem>>, vector<1x1x16xf32>,
        %parallel_loop3A_918 = arith.constant 2 : i32
        %parallel_loop3A_919 = arith.index_cast %parallel_loop3A_918 : i32 to index
        %parallel_loop3A_920 = arith.index_cast %parallel_loop3A_901 : i32 to index
        %parallel_loop3A_921 = arith.constant 16 : index
        %parallel_loop3A_922 = tpu.vector_load %arg6[%parallel_loop3A_919, %parallel_loop3A_920, %parallel_loop3A_921] {strides = array<i32>} : memref<3x512x64xf32, #tpu.memory_space<vmem>>, vector<1x1x16xf32>,
        %parallel_loop3A_923 = vector.shape_cast %parallel_loop3A_922 : vector<1x1x16xf32> to vector<16xf32>
        %parallel_loop3A_924 = arith.constant 8.000000e+00 : f32
        %parallel_loop3A_925 = vector.broadcast %parallel_loop3A_924 : f32 to vector<16xf32>
        %parallel_loop3A_926 = arith.mulf %parallel_loop3A_923, %parallel_loop3A_925 : vector<16xf32>
        %parallel_loop3A_927 = arith.constant 2 : i32
        %parallel_loop3A_928 = arith.index_cast %parallel_loop3A_927 : i32 to index
        %parallel_loop3A_929 = arith.index_cast %parallel_loop3A_901 : i32 to index
        %parallel_loop3A_930 = arith.constant 16 : index
        %parallel_loop3A_931 = tpu.vector_load %arg6[%parallel_loop3A_928, %parallel_loop3A_929, %parallel_loop3A_930] {strides = array<i32>} : memref<3x512x64xf32, #tpu.memory_space<vmem>>, vector<1x1x16xf32>,
        %parallel_loop3A_932 = vector.shape_cast %parallel_loop3A_931 : vector<1x1x16xf32> to vector<16xf32>
        %parallel_loop3A_933 = vector.shape_cast %parallel_loop3A_926 : vector<16xf32> to vector<1x1x16xf32>
        tpu.vector_store %arg6[%parallel_loop3A_928, %parallel_loop3A_929, %parallel_loop3A_930], %parallel_loop3A_933 {strides = array<i32>} : memref<3x512x64xf32, #tpu.memory_space<vmem>>, vector<1x1x16xf32>,
        %parallel_loop3A_934 = arith.constant 2 : i32
        %parallel_loop3A_935 = arith.index_cast %parallel_loop3A_934 : i32 to index
        %parallel_loop3A_936 = arith.index_cast %parallel_loop3A_901 : i32 to index
        %parallel_loop3A_937 = arith.constant 32 : index
        %parallel_loop3A_938 = tpu.vector_load %arg6[%parallel_loop3A_935, %parallel_loop3A_936, %parallel_loop3A_937] {strides = array<i32>} : memref<3x512x64xf32, #tpu.memory_space<vmem>>, vector<1x1x16xf32>,
        %parallel_loop3A_939 = vector.shape_cast %parallel_loop3A_938 : vector<1x1x16xf32> to vector<16xf32>
        %parallel_loop3A_940 = arith.constant 8.000000e+00 : f32
        %parallel_loop3A_941 = vector.broadcast %parallel_loop3A_940 : f32 to vector<16xf32>
        %parallel_loop3A_942 = arith.mulf %parallel_loop3A_939, %parallel_loop3A_941 : vector<16xf32>
        %parallel_loop3A_943 = arith.constant 2 : i32
        %parallel_loop3A_944 = arith.index_cast %parallel_loop3A_943 : i32 to index
        %parallel_loop3A_945 = arith.index_cast %parallel_loop3A_901 : i32 to index
        %parallel_loop3A_946 = arith.constant 32 : index
        %parallel_loop3A_947 = tpu.vector_load %arg6[%parallel_loop3A_944, %parallel_loop3A_945, %parallel_loop3A_946] {strides = array<i32>} : memref<3x512x64xf32, #tpu.memory_space<vmem>>, vector<1x1x16xf32>,
        %parallel_loop3A_948 = vector.shape_cast %parallel_loop3A_947 : vector<1x1x16xf32> to vector<16xf32>
        %parallel_loop3A_949 = vector.shape_cast %parallel_loop3A_942 : vector<16xf32> to vector<1x1x16xf32>
        tpu.vector_store %arg6[%parallel_loop3A_944, %parallel_loop3A_945, %parallel_loop3A_946], %parallel_loop3A_949 {strides = array<i32>} : memref<3x512x64xf32, #tpu.memory_space<vmem>>, vector<1x1x16xf32>,
        %parallel_loop3A_950 = arith.constant 2 : i32
        %parallel_loop3A_951 = arith.index_cast %parallel_loop3A_950 : i32 to index
        %parallel_loop3A_952 = arith.index_cast %parallel_loop3A_901 : i32 to index
        %parallel_loop3A_953 = arith.constant 48 : index
        %parallel_loop3A_954 = tpu.vector_load %arg6[%parallel_loop3A_951, %parallel_loop3A_952, %parallel_loop3A_953] {strides = array<i32>} : memref<3x512x64xf32, #tpu.memory_space<vmem>>, vector<1x1x16xf32>,
        %parallel_loop3A_955 = vector.shape_cast %parallel_loop3A_954 : vector<1x1x16xf32> to vector<16xf32>
        %parallel_loop3A_956 = arith.constant 8.000000e+00 : f32
        %parallel_loop3A_957 = vector.broadcast %parallel_loop3A_956 : f32 to vector<16xf32>
        %parallel_loop3A_958 = arith.mulf %parallel_loop3A_955, %parallel_loop3A_957 : vector<16xf32>
        %parallel_loop3A_959 = arith.constant 2 : i32
        %parallel_loop3A_960 = arith.index_cast %parallel_loop3A_959 : i32 to index
        %parallel_loop3A_961 = arith.index_cast %parallel_loop3A_901 : i32 to index
        %parallel_loop3A_962 = arith.constant 48 : index
        %parallel_loop3A_963 = tpu.vector_load %arg6[%parallel_loop3A_960, %parallel_loop3A_961, %parallel_loop3A_962] {strides = array<i32>} : memref<3x512x64xf32, #tpu.memory_space<vmem>>, vector<1x1x16xf32>,
        %parallel_loop3A_964 = vector.shape_cast %parallel_loop3A_963 : vector<1x1x16xf32> to vector<16xf32>
        %parallel_loop3A_965 = vector.shape_cast %parallel_loop3A_958 : vector<16xf32> to vector<1x1x16xf32>
        tpu.vector_store %arg6[%parallel_loop3A_960, %parallel_loop3A_961, %parallel_loop3A_962], %parallel_loop3A_965 {strides = array<i32>} : memref<3x512x64xf32, #tpu.memory_space<vmem>>, vector<1x1x16xf32>,
      } {sc.loop_unroll_factor = 8 : i64, sc.parallel_access}
      %mul3A_552 = arith.constant 512 : i32
      %mul3A_553 = arith.muli %add3A_536, %mul3A_552 : i32
      %add3A_554 = arith.addi %mul3A_2, %mul3A_553 : i32
      %dma_start3A_555 = arith.constant 2 : i32
      %dma_start3A_556 = arith.constant 0 : i32
      %dma_start3A_557 = arith.constant 0 : i32
      %dma_start3A_558 = tpu.memref_slice %arg6[%dma_start3A_555, %dma_start3A_556, %dma_start3A_557] : memref<3x512x64xf32, #tpu.memory_space<vmem>> -> memref<1x512x64xf32, #tpu.memory_space<vmem>>
      %dma_start3A_559 = tpu.memref_squeeze %dma_start3A_558 : memref<1x512x64xf32, #tpu.memory_space<vmem>> -> memref<512x64xf32, #tpu.memory_space<vmem>>
      %dma_start3A_560 = arith.constant 0 : i32
      %dma_start3A_561 = tpu.memref_slice %arg4[%add3A_554, %dma_start3A_560] : memref<819200x64xf32, #tpu.memory_space<hbm>> -> memref<512x64xf32, #tpu.memory_space<hbm>>
      %dma_start3A_562 = arith.constant 0 : i32
      %dma_start3A_563 = tpu.memref_slice %arg4[%add3A_554, %dma_start3A_562] : memref<819200x64xf32, #tpu.memory_space<hbm>> -> memref<512x64xf32, #tpu.memory_space<hbm>>
      %dma_start3A_564 = arith.constant 0 : i32
      %dma_start3A_565 = arith.constant 0 : i32
      %dma_start3A_566 = tpu.memref_slice %arg6[%dma_start3A_555, %dma_start3A_564, %dma_start3A_565] : memref<3x512x64xf32, #tpu.memory_space<vmem>> -> memref<1x512x64xf32, #tpu.memory_space<vmem>>
      %dma_start3A_567 = tpu.memref_squeeze %dma_start3A_566 : memref<1x512x64xf32, #tpu.memory_space<vmem>> -> memref<512x64xf32, #tpu.memory_space<vmem>>
      tpu.enqueue_dma source(%dma_start3A_567 : memref<512x64xf32, #tpu.memory_space<vmem>>) target(%dma_start3A_563 : memref<512x64xf32, #tpu.memory_space<hbm>>) target_semaphore(%arg12 : memref<!tpu.dma_semaphore, #tpu.memory_space<semaphore_mem>>)
      %dma_wait3A_568 = arith.constant 1 : i32
      %dma_wait3A_569 = arith.constant 0 : i32
      %dma_wait3A_570 = arith.constant 0 : i32
      %dma_wait3A_571 = tpu.memref_slice %arg6[%dma_wait3A_568, %dma_wait3A_569, %dma_wait3A_570] : memref<3x512x64xf32, #tpu.memory_space<vmem>> -> memref<1x512x64xf32, #tpu.memory_space<vmem>>
      %dma_wait3A_572 = tpu.memref_squeeze %dma_wait3A_571 : memref<1x512x64xf32, #tpu.memory_space<vmem>> -> memref<512x64xf32, #tpu.memory_space<vmem>>
      %dma_wait3A_573 = arith.constant 0 : i32
      %dma_wait3A_574 = arith.constant 0 : i32
      %dma_wait3A_575 = tpu.memref_slice %arg4[%dma_wait3A_573, %dma_wait3A_574] : memref<819200x64xf32, #tpu.memory_space<hbm>> -> memref<512x64xf32, #tpu.memory_space<hbm>>
      %dma_wait3A_576 = arith.constant 0 : i32
      %dma_wait3A_577 = arith.constant 0 : i32
      %dma_wait3A_578 = tpu.memref_slice %arg4[%dma_wait3A_576, %dma_wait3A_577] : memref<819200x64xf32, #tpu.memory_space<hbm>> -> memref<512x64xf32, #tpu.memory_space<hbm>>
      %dma_wait3A_579 = arith.constant 0 : i32
      %dma_wait3A_580 = arith.constant 0 : i32
      %dma_wait3A_581 = tpu.memref_slice %arg6[%dma_wait3A_568, %dma_wait3A_579, %dma_wait3A_580] : memref<3x512x64xf32, #tpu.memory_space<vmem>> -> memref<1x512x64xf32, #tpu.memory_space<vmem>>
      %dma_wait3A_582 = tpu.memref_squeeze %dma_wait3A_581 : memref<1x512x64xf32, #tpu.memory_space<vmem>> -> memref<512x64xf32, #tpu.memory_space<vmem>>
      tpu.wait_dma2 semaphore(%arg11 : memref<!tpu.dma_semaphore, #tpu.memory_space<semaphore_mem>>) src(%dma_wait3A_582 : memref<512x64xf32, #tpu.memory_space<vmem>>) dst(%dma_wait3A_578 : memref<512x64xf32, #tpu.memory_space<hbm>>)
      %add3A_583 = arith.constant 2 : i32
      %add3A_584 = arith.addi %add3A_536, %add3A_583 : i32
      %mul3A_585 = arith.constant 4 : i32
      %mul3A_586 = arith.muli %add3A_584, %mul3A_585 : i32
      %add3A_587 = arith.constant 0 : i32
      %add3A_588 = arith.addi %mul3A_586, %add3A_587 : i32
      %dma_start3A_589 = arith.constant 1 : i32
      %dma_start3A_590 = arith.constant 0 : i32
      %dma_start3A_591 = arith.constant 0 : i32
      %dma_start3A_592 = tpu.memref_slice %arg6[%dma_start3A_589, %dma_start3A_590, %dma_start3A_591] : memref<3x512x64xf32, #tpu.memory_space<vmem>> -> memref<1x512x64xf32, #tpu.memory_space<vmem>>
      %dma_start3A_593 = tpu.memref_squeeze %dma_start3A_592 : memref<1x512x64xf32, #tpu.memory_space<vmem>> -> memref<512x64xf32, #tpu.memory_space<vmem>>
      %dma_start3A_594 = arith.constant 0 : i32
      %dma_start3A_595 = arith.constant 0 : i32
      %dma_start3A_596 = tpu.memref_slice %dma_start3A_593[%dma_start3A_594, %dma_start3A_595] : memref<512x64xf32, #tpu.memory_space<vmem>> -> memref<128x64xf32, #tpu.memory_space<vmem>>
      %dma_start3A_597 = arith.constant 0 : i32
      %dma_start3A_598 = tpu.memref_slice %arg5[%add3A_588, %dma_start3A_597] : memref<200x128xi32, #tpu.memory_space<vmem>> -> memref<1x128xi32, #tpu.memory_space<vmem>>
      %dma_start3A_599 = tpu.memref_squeeze %dma_start3A_598 : memref<1x128xi32, #tpu.memory_space<vmem>> -> memref<128xi32, #tpu.memory_space<vmem>>
      %dma_start3A_600 = arith.constant 0 : i32
      %dma_start3A_601 = arith.constant 0 : i32
      %dma_start3A_602 = tpu.memref_slice %arg3[%dma_start3A_600, %dma_start3A_601] : memref<1000000x64xf32, #tpu.memory_space<hbm>> -> memref<1000000x64xf32, #tpu.memory_space<hbm>>
      tpu.enqueue_indirect_dma source(%dma_start3A_602 : memref<1000000x64xf32, #tpu.memory_space<hbm>>) target(%dma_start3A_596 : memref<128x64xf32, #tpu.memory_space<vmem>>) offsets(%dma_start3A_599 : memref<128xi32, #tpu.memory_space<vmem>>) semaphore(%arg8 : memref<!tpu.dma_semaphore, #tpu.memory_space<semaphore_mem>>)
      %mul3A_603 = arith.constant 4 : i32
      %mul3A_604 = arith.muli %add3A_584, %mul3A_603 : i32
      %add3A_605 = arith.constant 1 : i32
      %add3A_606 = arith.addi %mul3A_604, %add3A_605 : i32
      %dma_start3A_607 = arith.constant 1 : i32
      %dma_start3A_608 = arith.constant 0 : i32
      %dma_start3A_609 = arith.constant 0 : i32
      %dma_start3A_610 = tpu.memref_slice %arg6[%dma_start3A_607, %dma_start3A_608, %dma_start3A_609] : memref<3x512x64xf32, #tpu.memory_space<vmem>> -> memref<1x512x64xf32, #tpu.memory_space<vmem>>
      %dma_start3A_611 = tpu.memref_squeeze %dma_start3A_610 : memref<1x512x64xf32, #tpu.memory_space<vmem>> -> memref<512x64xf32, #tpu.memory_space<vmem>>
      %dma_start3A_612 = arith.constant 128 : i32
      %dma_start3A_613 = arith.constant 0 : i32
      %dma_start3A_614 = tpu.memref_slice %dma_start3A_611[%dma_start3A_612, %dma_start3A_613] : memref<512x64xf32, #tpu.memory_space<vmem>> -> memref<128x64xf32, #tpu.memory_space<vmem>>
      %dma_start3A_615 = arith.constant 0 : i32
      %dma_start3A_616 = tpu.memref_slice %arg5[%add3A_606, %dma_start3A_615] : memref<200x128xi32, #tpu.memory_space<vmem>> -> memref<1x128xi32, #tpu.memory_space<vmem>>
      %dma_start3A_617 = tpu.memref_squeeze %dma_start3A_616 : memref<1x128xi32, #tpu.memory_space<vmem>> -> memref<128xi32, #tpu.memory_space<vmem>>
      %dma_start3A_618 = arith.constant 0 : i32
      %dma_start3A_619 = arith.constant 0 : i32
      %dma_start3A_620 = tpu.memref_slice %arg3[%dma_start3A_618, %dma_start3A_619] : memref<1000000x64xf32, #tpu.memory_space<hbm>> -> memref<1000000x64xf32, #tpu.memory_space<hbm>>
      tpu.enqueue_indirect_dma source(%dma_start3A_620 : memref<1000000x64xf32, #tpu.memory_space<hbm>>) target(%dma_start3A_614 : memref<128x64xf32, #tpu.memory_space<vmem>>) offsets(%dma_start3A_617 : memref<128xi32, #tpu.memory_space<vmem>>) semaphore(%arg8 : memref<!tpu.dma_semaphore, #tpu.memory_space<semaphore_mem>>)
      %mul3A_621 = arith.constant 4 : i32
      %mul3A_622 = arith.muli %add3A_584, %mul3A_621 : i32
      %add3A_623 = arith.constant 2 : i32
      %add3A_624 = arith.addi %mul3A_622, %add3A_623 : i32
      %dma_start3A_625 = arith.constant 1 : i32
      %dma_start3A_626 = arith.constant 0 : i32
      %dma_start3A_627 = arith.constant 0 : i32
      %dma_start3A_628 = tpu.memref_slice %arg6[%dma_start3A_625, %dma_start3A_626, %dma_start3A_627] : memref<3x512x64xf32, #tpu.memory_space<vmem>> -> memref<1x512x64xf32, #tpu.memory_space<vmem>>
      %dma_start3A_629 = tpu.memref_squeeze %dma_start3A_628 : memref<1x512x64xf32, #tpu.memory_space<vmem>> -> memref<512x64xf32, #tpu.memory_space<vmem>>
      %dma_start3A_630 = arith.constant 256 : i32
      %dma_start3A_631 = arith.constant 0 : i32
      %dma_start3A_632 = tpu.memref_slice %dma_start3A_629[%dma_start3A_630, %dma_start3A_631] : memref<512x64xf32, #tpu.memory_space<vmem>> -> memref<128x64xf32, #tpu.memory_space<vmem>>
      %dma_start3A_633 = arith.constant 0 : i32
      %dma_start3A_634 = tpu.memref_slice %arg5[%add3A_624, %dma_start3A_633] : memref<200x128xi32, #tpu.memory_space<vmem>> -> memref<1x128xi32, #tpu.memory_space<vmem>>
      %dma_start3A_635 = tpu.memref_squeeze %dma_start3A_634 : memref<1x128xi32, #tpu.memory_space<vmem>> -> memref<128xi32, #tpu.memory_space<vmem>>
      %dma_start3A_636 = arith.constant 0 : i32
      %dma_start3A_637 = arith.constant 0 : i32
      %dma_start3A_638 = tpu.memref_slice %arg3[%dma_start3A_636, %dma_start3A_637] : memref<1000000x64xf32, #tpu.memory_space<hbm>> -> memref<1000000x64xf32, #tpu.memory_space<hbm>>
      tpu.enqueue_indirect_dma source(%dma_start3A_638 : memref<1000000x64xf32, #tpu.memory_space<hbm>>) target(%dma_start3A_632 : memref<128x64xf32, #tpu.memory_space<vmem>>) offsets(%dma_start3A_635 : memref<128xi32, #tpu.memory_space<vmem>>) semaphore(%arg8 : memref<!tpu.dma_semaphore, #tpu.memory_space<semaphore_mem>>)
      %mul3A_639 = arith.constant 4 : i32
      %mul3A_640 = arith.muli %add3A_584, %mul3A_639 : i32
      %add3A_641 = arith.constant 3 : i32
      %add3A_642 = arith.addi %mul3A_640, %add3A_641 : i32
      %dma_start3A_643 = arith.constant 1 : i32
      %dma_start3A_644 = arith.constant 0 : i32
      %dma_start3A_645 = arith.constant 0 : i32
      %dma_start3A_646 = tpu.memref_slice %arg6[%dma_start3A_643, %dma_start3A_644, %dma_start3A_645] : memref<3x512x64xf32, #tpu.memory_space<vmem>> -> memref<1x512x64xf32, #tpu.memory_space<vmem>>
      %dma_start3A_647 = tpu.memref_squeeze %dma_start3A_646 : memref<1x512x64xf32, #tpu.memory_space<vmem>> -> memref<512x64xf32, #tpu.memory_space<vmem>>
      %dma_start3A_648 = arith.constant 384 : i32
      %dma_start3A_649 = arith.constant 0 : i32
      %dma_start3A_650 = tpu.memref_slice %dma_start3A_647[%dma_start3A_648, %dma_start3A_649] : memref<512x64xf32, #tpu.memory_space<vmem>> -> memref<128x64xf32, #tpu.memory_space<vmem>>
      %dma_start3A_651 = arith.constant 0 : i32
      %dma_start3A_652 = tpu.memref_slice %arg5[%add3A_642, %dma_start3A_651] : memref<200x128xi32, #tpu.memory_space<vmem>> -> memref<1x128xi32, #tpu.memory_space<vmem>>
      %dma_start3A_653 = tpu.memref_squeeze %dma_start3A_652 : memref<1x128xi32, #tpu.memory_space<vmem>> -> memref<128xi32, #tpu.memory_space<vmem>>
      %dma_start3A_654 = arith.constant 0 : i32
      %dma_start3A_655 = arith.constant 0 : i32
      %dma_start3A_656 = tpu.memref_slice %arg3[%dma_start3A_654, %dma_start3A_655] : memref<1000000x64xf32, #tpu.memory_space<hbm>> -> memref<1000000x64xf32, #tpu.memory_space<hbm>>
      tpu.enqueue_indirect_dma source(%dma_start3A_656 : memref<1000000x64xf32, #tpu.memory_space<hbm>>) target(%dma_start3A_650 : memref<128x64xf32, #tpu.memory_space<vmem>>) offsets(%dma_start3A_653 : memref<128xi32, #tpu.memory_space<vmem>>) semaphore(%arg8 : memref<!tpu.dma_semaphore, #tpu.memory_space<semaphore_mem>>)
      %add3A_657 = arith.constant 1 : i32
      %add3A_658 = arith.addi %add3A_536, %add3A_657 : i32
      %dma_wait3A_659 = arith.constant 0 : i32
      %dma_wait3A_660 = arith.constant 0 : i32
      %dma_wait3A_661 = arith.constant 0 : i32
      %dma_wait3A_662 = arith.constant 0 : i32
      %dma_wait3A_663 = tpu.memref_slice %arg6[%dma_wait3A_660, %dma_wait3A_661, %dma_wait3A_662] : memref<3x512x64xf32, #tpu.memory_space<vmem>> -> memref<1x512x64xf32, #tpu.memory_space<vmem>>
      %dma_wait3A_664 = tpu.memref_squeeze %dma_wait3A_663 : memref<1x512x64xf32, #tpu.memory_space<vmem>> -> memref<512x64xf32, #tpu.memory_space<vmem>>
      %dma_wait3A_665 = arith.constant 0 : i32
      %dma_wait3A_666 = tpu.memref_slice %arg5[%dma_wait3A_659, %dma_wait3A_665] : memref<200x128xi32, #tpu.memory_space<vmem>> -> memref<1x128xi32, #tpu.memory_space<vmem>>
      %dma_wait3A_667 = tpu.memref_squeeze %dma_wait3A_666 : memref<1x128xi32, #tpu.memory_space<vmem>> -> memref<128xi32, #tpu.memory_space<vmem>>
      %dma_wait3A_668 = arith.constant 0 : i32
      %dma_wait3A_669 = arith.constant 0 : i32
      %dma_wait3A_670 = tpu.memref_slice %arg3[%dma_wait3A_668, %dma_wait3A_669] : memref<1000000x64xf32, #tpu.memory_space<hbm>> -> memref<1000000x64xf32, #tpu.memory_space<hbm>>
      tpu.wait_indirect_dma semaphore(%arg7 : memref<!tpu.dma_semaphore, #tpu.memory_space<semaphore_mem>>) src(%dma_wait3A_670 : memref<1000000x64xf32, #tpu.memory_space<hbm>>) dst(%dma_wait3A_664 : memref<512x64xf32, #tpu.memory_space<vmem>>)
      %parallel_loop3A_671 = arith.constant 0 : i32
      %parallel_loop3A_672 = arith.constant 512 : i32
      %parallel_loop3A_673 = arith.constant 1 : i32
      scf.for %parallel_loop3A_901 = %parallel_loop3A_671 to %parallel_loop3A_672 step %parallel_loop3A_673  : i32 {
        %parallel_loop3A_902 = arith.constant 0 : i32
        %parallel_loop3A_903 = arith.index_cast %parallel_loop3A_902 : i32 to index
        %parallel_loop3A_904 = arith.index_cast %parallel_loop3A_901 : i32 to index
        %parallel_loop3A_905 = arith.constant 0 : index
        %parallel_loop3A_906 = tpu.vector_load %arg6[%parallel_loop3A_903, %parallel_loop3A_904, %parallel_loop3A_905] {strides = array<i32>} : memref<3x512x64xf32, #tpu.memory_space<vmem>>, vector<1x1x16xf32>,
        %parallel_loop3A_907 = vector.shape_cast %parallel_loop3A_906 : vector<1x1x16xf32> to vector<16xf32>
        %parallel_loop3A_908 = arith.constant 8.000000e+00 : f32
        %parallel_loop3A_909 = vector.broadcast %parallel_loop3A_908 : f32 to vector<16xf32>
        %parallel_loop3A_910 = arith.mulf %parallel_loop3A_907, %parallel_loop3A_909 : vector<16xf32>
        %parallel_loop3A_911 = arith.constant 0 : i32
        %parallel_loop3A_912 = arith.index_cast %parallel_loop3A_911 : i32 to index
        %parallel_loop3A_913 = arith.index_cast %parallel_loop3A_901 : i32 to index
        %parallel_loop3A_914 = arith.constant 0 : index
        %parallel_loop3A_915 = tpu.vector_load %arg6[%parallel_loop3A_912, %parallel_loop3A_913, %parallel_loop3A_914] {strides = array<i32>} : memref<3x512x64xf32, #tpu.memory_space<vmem>>, vector<1x1x16xf32>,
        %parallel_loop3A_916 = vector.shape_cast %parallel_loop3A_915 : vector<1x1x16xf32> to vector<16xf32>
        %parallel_loop3A_917 = vector.shape_cast %parallel_loop3A_910 : vector<16xf32> to vector<1x1x16xf32>
        tpu.vector_store %arg6[%parallel_loop3A_912, %parallel_loop3A_913, %parallel_loop3A_914], %parallel_loop3A_917 {strides = array<i32>} : memref<3x512x64xf32, #tpu.memory_space<vmem>>, vector<1x1x16xf32>,
        %parallel_loop3A_918 = arith.constant 0 : i32
        %parallel_loop3A_919 = arith.index_cast %parallel_loop3A_918 : i32 to index
        %parallel_loop3A_920 = arith.index_cast %parallel_loop3A_901 : i32 to index
        %parallel_loop3A_921 = arith.constant 16 : index
        %parallel_loop3A_922 = tpu.vector_load %arg6[%parallel_loop3A_919, %parallel_loop3A_920, %parallel_loop3A_921] {strides = array<i32>} : memref<3x512x64xf32, #tpu.memory_space<vmem>>, vector<1x1x16xf32>,
        %parallel_loop3A_923 = vector.shape_cast %parallel_loop3A_922 : vector<1x1x16xf32> to vector<16xf32>
        %parallel_loop3A_924 = arith.constant 8.000000e+00 : f32
        %parallel_loop3A_925 = vector.broadcast %parallel_loop3A_924 : f32 to vector<16xf32>
        %parallel_loop3A_926 = arith.mulf %parallel_loop3A_923, %parallel_loop3A_925 : vector<16xf32>
        %parallel_loop3A_927 = arith.constant 0 : i32
        %parallel_loop3A_928 = arith.index_cast %parallel_loop3A_927 : i32 to index
        %parallel_loop3A_929 = arith.index_cast %parallel_loop3A_901 : i32 to index
        %parallel_loop3A_930 = arith.constant 16 : index
        %parallel_loop3A_931 = tpu.vector_load %arg6[%parallel_loop3A_928, %parallel_loop3A_929, %parallel_loop3A_930] {strides = array<i32>} : memref<3x512x64xf32, #tpu.memory_space<vmem>>, vector<1x1x16xf32>,
        %parallel_loop3A_932 = vector.shape_cast %parallel_loop3A_931 : vector<1x1x16xf32> to vector<16xf32>
        %parallel_loop3A_933 = vector.shape_cast %parallel_loop3A_926 : vector<16xf32> to vector<1x1x16xf32>
        tpu.vector_store %arg6[%parallel_loop3A_928, %parallel_loop3A_929, %parallel_loop3A_930], %parallel_loop3A_933 {strides = array<i32>} : memref<3x512x64xf32, #tpu.memory_space<vmem>>, vector<1x1x16xf32>,
        %parallel_loop3A_934 = arith.constant 0 : i32
        %parallel_loop3A_935 = arith.index_cast %parallel_loop3A_934 : i32 to index
        %parallel_loop3A_936 = arith.index_cast %parallel_loop3A_901 : i32 to index
        %parallel_loop3A_937 = arith.constant 32 : index
        %parallel_loop3A_938 = tpu.vector_load %arg6[%parallel_loop3A_935, %parallel_loop3A_936, %parallel_loop3A_937] {strides = array<i32>} : memref<3x512x64xf32, #tpu.memory_space<vmem>>, vector<1x1x16xf32>,
        %parallel_loop3A_939 = vector.shape_cast %parallel_loop3A_938 : vector<1x1x16xf32> to vector<16xf32>
        %parallel_loop3A_940 = arith.constant 8.000000e+00 : f32
        %parallel_loop3A_941 = vector.broadcast %parallel_loop3A_940 : f32 to vector<16xf32>
        %parallel_loop3A_942 = arith.mulf %parallel_loop3A_939, %parallel_loop3A_941 : vector<16xf32>
        %parallel_loop3A_943 = arith.constant 0 : i32
        %parallel_loop3A_944 = arith.index_cast %parallel_loop3A_943 : i32 to index
        %parallel_loop3A_945 = arith.index_cast %parallel_loop3A_901 : i32 to index
        %parallel_loop3A_946 = arith.constant 32 : index
        %parallel_loop3A_947 = tpu.vector_load %arg6[%parallel_loop3A_944, %parallel_loop3A_945, %parallel_loop3A_946] {strides = array<i32>} : memref<3x512x64xf32, #tpu.memory_space<vmem>>, vector<1x1x16xf32>,
        %parallel_loop3A_948 = vector.shape_cast %parallel_loop3A_947 : vector<1x1x16xf32> to vector<16xf32>
        %parallel_loop3A_949 = vector.shape_cast %parallel_loop3A_942 : vector<16xf32> to vector<1x1x16xf32>
        tpu.vector_store %arg6[%parallel_loop3A_944, %parallel_loop3A_945, %parallel_loop3A_946], %parallel_loop3A_949 {strides = array<i32>} : memref<3x512x64xf32, #tpu.memory_space<vmem>>, vector<1x1x16xf32>,
        %parallel_loop3A_950 = arith.constant 0 : i32
        %parallel_loop3A_951 = arith.index_cast %parallel_loop3A_950 : i32 to index
        %parallel_loop3A_952 = arith.index_cast %parallel_loop3A_901 : i32 to index
        %parallel_loop3A_953 = arith.constant 48 : index
        %parallel_loop3A_954 = tpu.vector_load %arg6[%parallel_loop3A_951, %parallel_loop3A_952, %parallel_loop3A_953] {strides = array<i32>} : memref<3x512x64xf32, #tpu.memory_space<vmem>>, vector<1x1x16xf32>,
        %parallel_loop3A_955 = vector.shape_cast %parallel_loop3A_954 : vector<1x1x16xf32> to vector<16xf32>
        %parallel_loop3A_956 = arith.constant 8.000000e+00 : f32
        %parallel_loop3A_957 = vector.broadcast %parallel_loop3A_956 : f32 to vector<16xf32>
        %parallel_loop3A_958 = arith.mulf %parallel_loop3A_955, %parallel_loop3A_957 : vector<16xf32>
        %parallel_loop3A_959 = arith.constant 0 : i32
        %parallel_loop3A_960 = arith.index_cast %parallel_loop3A_959 : i32 to index
        %parallel_loop3A_961 = arith.index_cast %parallel_loop3A_901 : i32 to index
        %parallel_loop3A_962 = arith.constant 48 : index
        %parallel_loop3A_963 = tpu.vector_load %arg6[%parallel_loop3A_960, %parallel_loop3A_961, %parallel_loop3A_962] {strides = array<i32>} : memref<3x512x64xf32, #tpu.memory_space<vmem>>, vector<1x1x16xf32>,
        %parallel_loop3A_964 = vector.shape_cast %parallel_loop3A_963 : vector<1x1x16xf32> to vector<16xf32>
        %parallel_loop3A_965 = vector.shape_cast %parallel_loop3A_958 : vector<16xf32> to vector<1x1x16xf32>
        tpu.vector_store %arg6[%parallel_loop3A_960, %parallel_loop3A_961, %parallel_loop3A_962], %parallel_loop3A_965 {strides = array<i32>} : memref<3x512x64xf32, #tpu.memory_space<vmem>>, vector<1x1x16xf32>,
      } {sc.loop_unroll_factor = 8 : i64, sc.parallel_access}
      %mul3A_674 = arith.constant 512 : i32
      %mul3A_675 = arith.muli %add3A_658, %mul3A_674 : i32
      %add3A_676 = arith.addi %mul3A_2, %mul3A_675 : i32
      %dma_start3A_677 = arith.constant 0 : i32
      %dma_start3A_678 = arith.constant 0 : i32
      %dma_start3A_679 = arith.constant 0 : i32
      %dma_start3A_680 = tpu.memref_slice %arg6[%dma_start3A_677, %dma_start3A_678, %dma_start3A_679] : memref<3x512x64xf32, #tpu.memory_space<vmem>> -> memref<1x512x64xf32, #tpu.memory_space<vmem>>
      %dma_start3A_681 = tpu.memref_squeeze %dma_start3A_680 : memref<1x512x64xf32, #tpu.memory_space<vmem>> -> memref<512x64xf32, #tpu.memory_space<vmem>>
      %dma_start3A_682 = arith.constant 0 : i32
      %dma_start3A_683 = tpu.memref_slice %arg4[%add3A_676, %dma_start3A_682] : memref<819200x64xf32, #tpu.memory_space<hbm>> -> memref<512x64xf32, #tpu.memory_space<hbm>>
      %dma_start3A_684 = arith.constant 0 : i32
      %dma_start3A_685 = tpu.memref_slice %arg4[%add3A_676, %dma_start3A_684] : memref<819200x64xf32, #tpu.memory_space<hbm>> -> memref<512x64xf32, #tpu.memory_space<hbm>>
      %dma_start3A_686 = arith.constant 0 : i32
      %dma_start3A_687 = arith.constant 0 : i32
      %dma_start3A_688 = tpu.memref_slice %arg6[%dma_start3A_677, %dma_start3A_686, %dma_start3A_687] : memref<3x512x64xf32, #tpu.memory_space<vmem>> -> memref<1x512x64xf32, #tpu.memory_space<vmem>>
      %dma_start3A_689 = tpu.memref_squeeze %dma_start3A_688 : memref<1x512x64xf32, #tpu.memory_space<vmem>> -> memref<512x64xf32, #tpu.memory_space<vmem>>
      tpu.enqueue_dma source(%dma_start3A_689 : memref<512x64xf32, #tpu.memory_space<vmem>>) target(%dma_start3A_685 : memref<512x64xf32, #tpu.memory_space<hbm>>) target_semaphore(%arg10 : memref<!tpu.dma_semaphore, #tpu.memory_space<semaphore_mem>>)
      %dma_wait3A_690 = arith.constant 2 : i32
      %dma_wait3A_691 = arith.constant 0 : i32
      %dma_wait3A_692 = arith.constant 0 : i32
      %dma_wait3A_693 = tpu.memref_slice %arg6[%dma_wait3A_690, %dma_wait3A_691, %dma_wait3A_692] : memref<3x512x64xf32, #tpu.memory_space<vmem>> -> memref<1x512x64xf32, #tpu.memory_space<vmem>>
      %dma_wait3A_694 = tpu.memref_squeeze %dma_wait3A_693 : memref<1x512x64xf32, #tpu.memory_space<vmem>> -> memref<512x64xf32, #tpu.memory_space<vmem>>
      %dma_wait3A_695 = arith.constant 0 : i32
      %dma_wait3A_696 = arith.constant 0 : i32
      %dma_wait3A_697 = tpu.memref_slice %arg4[%dma_wait3A_695, %dma_wait3A_696] : memref<819200x64xf32, #tpu.memory_space<hbm>> -> memref<512x64xf32, #tpu.memory_space<hbm>>
      %dma_wait3A_698 = arith.constant 0 : i32
      %dma_wait3A_699 = arith.constant 0 : i32
      %dma_wait3A_700 = tpu.memref_slice %arg4[%dma_wait3A_698, %dma_wait3A_699] : memref<819200x64xf32, #tpu.memory_space<hbm>> -> memref<512x64xf32, #tpu.memory_space<hbm>>
      %dma_wait3A_701 = arith.constant 0 : i32
      %dma_wait3A_702 = arith.constant 0 : i32
      %dma_wait3A_703 = tpu.memref_slice %arg6[%dma_wait3A_690, %dma_wait3A_701, %dma_wait3A_702] : memref<3x512x64xf32, #tpu.memory_space<vmem>> -> memref<1x512x64xf32, #tpu.memory_space<vmem>>
      %dma_wait3A_704 = tpu.memref_squeeze %dma_wait3A_703 : memref<1x512x64xf32, #tpu.memory_space<vmem>> -> memref<512x64xf32, #tpu.memory_space<vmem>>
      tpu.wait_dma2 semaphore(%arg12 : memref<!tpu.dma_semaphore, #tpu.memory_space<semaphore_mem>>) src(%dma_wait3A_704 : memref<512x64xf32, #tpu.memory_space<vmem>>) dst(%dma_wait3A_700 : memref<512x64xf32, #tpu.memory_space<hbm>>)
      %add3A_705 = arith.constant 2 : i32
      %add3A_706 = arith.addi %add3A_658, %add3A_705 : i32
      %mul3A_707 = arith.constant 4 : i32
      %mul3A_708 = arith.muli %add3A_706, %mul3A_707 : i32
      %add3A_709 = arith.constant 0 : i32
      %add3A_710 = arith.addi %mul3A_708, %add3A_709 : i32
      %dma_start3A_711 = arith.constant 2 : i32
      %dma_start3A_712 = arith.constant 0 : i32
      %dma_start3A_713 = arith.constant 0 : i32
      %dma_start3A_714 = tpu.memref_slice %arg6[%dma_start3A_711, %dma_start3A_712, %dma_start3A_713] : memref<3x512x64xf32, #tpu.memory_space<vmem>> -> memref<1x512x64xf32, #tpu.memory_space<vmem>>
      %dma_start3A_715 = tpu.memref_squeeze %dma_start3A_714 : memref<1x512x64xf32, #tpu.memory_space<vmem>> -> memref<512x64xf32, #tpu.memory_space<vmem>>
      %dma_start3A_716 = arith.constant 0 : i32
      %dma_start3A_717 = arith.constant 0 : i32
      %dma_start3A_718 = tpu.memref_slice %dma_start3A_715[%dma_start3A_716, %dma_start3A_717] : memref<512x64xf32, #tpu.memory_space<vmem>> -> memref<128x64xf32, #tpu.memory_space<vmem>>
      %dma_start3A_719 = arith.constant 0 : i32
      %dma_start3A_720 = tpu.memref_slice %arg5[%add3A_710, %dma_start3A_719] : memref<200x128xi32, #tpu.memory_space<vmem>> -> memref<1x128xi32, #tpu.memory_space<vmem>>
      %dma_start3A_721 = tpu.memref_squeeze %dma_start3A_720 : memref<1x128xi32, #tpu.memory_space<vmem>> -> memref<128xi32, #tpu.memory_space<vmem>>
      %dma_start3A_722 = arith.constant 0 : i32
      %dma_start3A_723 = arith.constant 0 : i32
      %dma_start3A_724 = tpu.memref_slice %arg3[%dma_start3A_722, %dma_start3A_723] : memref<1000000x64xf32, #tpu.memory_space<hbm>> -> memref<1000000x64xf32, #tpu.memory_space<hbm>>
      tpu.enqueue_indirect_dma source(%dma_start3A_724 : memref<1000000x64xf32, #tpu.memory_space<hbm>>) target(%dma_start3A_718 : memref<128x64xf32, #tpu.memory_space<vmem>>) offsets(%dma_start3A_721 : memref<128xi32, #tpu.memory_space<vmem>>) semaphore(%arg9 : memref<!tpu.dma_semaphore, #tpu.memory_space<semaphore_mem>>)
      %mul3A_725 = arith.constant 4 : i32
      %mul3A_726 = arith.muli %add3A_706, %mul3A_725 : i32
      %add3A_727 = arith.constant 1 : i32
      %add3A_728 = arith.addi %mul3A_726, %add3A_727 : i32
      %dma_start3A_729 = arith.constant 2 : i32
      %dma_start3A_730 = arith.constant 0 : i32
      %dma_start3A_731 = arith.constant 0 : i32
      %dma_start3A_732 = tpu.memref_slice %arg6[%dma_start3A_729, %dma_start3A_730, %dma_start3A_731] : memref<3x512x64xf32, #tpu.memory_space<vmem>> -> memref<1x512x64xf32, #tpu.memory_space<vmem>>
      %dma_start3A_733 = tpu.memref_squeeze %dma_start3A_732 : memref<1x512x64xf32, #tpu.memory_space<vmem>> -> memref<512x64xf32, #tpu.memory_space<vmem>>
      %dma_start3A_734 = arith.constant 128 : i32
      %dma_start3A_735 = arith.constant 0 : i32
      %dma_start3A_736 = tpu.memref_slice %dma_start3A_733[%dma_start3A_734, %dma_start3A_735] : memref<512x64xf32, #tpu.memory_space<vmem>> -> memref<128x64xf32, #tpu.memory_space<vmem>>
      %dma_start3A_737 = arith.constant 0 : i32
      %dma_start3A_738 = tpu.memref_slice %arg5[%add3A_728, %dma_start3A_737] : memref<200x128xi32, #tpu.memory_space<vmem>> -> memref<1x128xi32, #tpu.memory_space<vmem>>
      %dma_start3A_739 = tpu.memref_squeeze %dma_start3A_738 : memref<1x128xi32, #tpu.memory_space<vmem>> -> memref<128xi32, #tpu.memory_space<vmem>>
      %dma_start3A_740 = arith.constant 0 : i32
      %dma_start3A_741 = arith.constant 0 : i32
      %dma_start3A_742 = tpu.memref_slice %arg3[%dma_start3A_740, %dma_start3A_741] : memref<1000000x64xf32, #tpu.memory_space<hbm>> -> memref<1000000x64xf32, #tpu.memory_space<hbm>>
      tpu.enqueue_indirect_dma source(%dma_start3A_742 : memref<1000000x64xf32, #tpu.memory_space<hbm>>) target(%dma_start3A_736 : memref<128x64xf32, #tpu.memory_space<vmem>>) offsets(%dma_start3A_739 : memref<128xi32, #tpu.memory_space<vmem>>) semaphore(%arg9 : memref<!tpu.dma_semaphore, #tpu.memory_space<semaphore_mem>>)
      %mul3A_743 = arith.constant 4 : i32
      %mul3A_744 = arith.muli %add3A_706, %mul3A_743 : i32
      %add3A_745 = arith.constant 2 : i32
      %add3A_746 = arith.addi %mul3A_744, %add3A_745 : i32
      %dma_start3A_747 = arith.constant 2 : i32
      %dma_start3A_748 = arith.constant 0 : i32
      %dma_start3A_749 = arith.constant 0 : i32
      %dma_start3A_750 = tpu.memref_slice %arg6[%dma_start3A_747, %dma_start3A_748, %dma_start3A_749] : memref<3x512x64xf32, #tpu.memory_space<vmem>> -> memref<1x512x64xf32, #tpu.memory_space<vmem>>
      %dma_start3A_751 = tpu.memref_squeeze %dma_start3A_750 : memref<1x512x64xf32, #tpu.memory_space<vmem>> -> memref<512x64xf32, #tpu.memory_space<vmem>>
      %dma_start3A_752 = arith.constant 256 : i32
      %dma_start3A_753 = arith.constant 0 : i32
      %dma_start3A_754 = tpu.memref_slice %dma_start3A_751[%dma_start3A_752, %dma_start3A_753] : memref<512x64xf32, #tpu.memory_space<vmem>> -> memref<128x64xf32, #tpu.memory_space<vmem>>
      %dma_start3A_755 = arith.constant 0 : i32
      %dma_start3A_756 = tpu.memref_slice %arg5[%add3A_746, %dma_start3A_755] : memref<200x128xi32, #tpu.memory_space<vmem>> -> memref<1x128xi32, #tpu.memory_space<vmem>>
      %dma_start3A_757 = tpu.memref_squeeze %dma_start3A_756 : memref<1x128xi32, #tpu.memory_space<vmem>> -> memref<128xi32, #tpu.memory_space<vmem>>
      %dma_start3A_758 = arith.constant 0 : i32
      %dma_start3A_759 = arith.constant 0 : i32
      %dma_start3A_760 = tpu.memref_slice %arg3[%dma_start3A_758, %dma_start3A_759] : memref<1000000x64xf32, #tpu.memory_space<hbm>> -> memref<1000000x64xf32, #tpu.memory_space<hbm>>
      tpu.enqueue_indirect_dma source(%dma_start3A_760 : memref<1000000x64xf32, #tpu.memory_space<hbm>>) target(%dma_start3A_754 : memref<128x64xf32, #tpu.memory_space<vmem>>) offsets(%dma_start3A_757 : memref<128xi32, #tpu.memory_space<vmem>>) semaphore(%arg9 : memref<!tpu.dma_semaphore, #tpu.memory_space<semaphore_mem>>)
      %mul3A_761 = arith.constant 4 : i32
      %mul3A_762 = arith.muli %add3A_706, %mul3A_761 : i32
      %add3A_763 = arith.constant 3 : i32
      %add3A_764 = arith.addi %mul3A_762, %add3A_763 : i32
      %dma_start3A_765 = arith.constant 2 : i32
      %dma_start3A_766 = arith.constant 0 : i32
      %dma_start3A_767 = arith.constant 0 : i32
      %dma_start3A_768 = tpu.memref_slice %arg6[%dma_start3A_765, %dma_start3A_766, %dma_start3A_767] : memref<3x512x64xf32, #tpu.memory_space<vmem>> -> memref<1x512x64xf32, #tpu.memory_space<vmem>>
      %dma_start3A_769 = tpu.memref_squeeze %dma_start3A_768 : memref<1x512x64xf32, #tpu.memory_space<vmem>> -> memref<512x64xf32, #tpu.memory_space<vmem>>
      %dma_start3A_770 = arith.constant 384 : i32
      %dma_start3A_771 = arith.constant 0 : i32
      %dma_start3A_772 = tpu.memref_slice %dma_start3A_769[%dma_start3A_770, %dma_start3A_771] : memref<512x64xf32, #tpu.memory_space<vmem>> -> memref<128x64xf32, #tpu.memory_space<vmem>>
      %dma_start3A_773 = arith.constant 0 : i32
      %dma_start3A_774 = tpu.memref_slice %arg5[%add3A_764, %dma_start3A_773] : memref<200x128xi32, #tpu.memory_space<vmem>> -> memref<1x128xi32, #tpu.memory_space<vmem>>
      %dma_start3A_775 = tpu.memref_squeeze %dma_start3A_774 : memref<1x128xi32, #tpu.memory_space<vmem>> -> memref<128xi32, #tpu.memory_space<vmem>>
      %dma_start3A_776 = arith.constant 0 : i32
      %dma_start3A_777 = arith.constant 0 : i32
      %dma_start3A_778 = tpu.memref_slice %arg3[%dma_start3A_776, %dma_start3A_777] : memref<1000000x64xf32, #tpu.memory_space<hbm>> -> memref<1000000x64xf32, #tpu.memory_space<hbm>>
      tpu.enqueue_indirect_dma source(%dma_start3A_778 : memref<1000000x64xf32, #tpu.memory_space<hbm>>) target(%dma_start3A_772 : memref<128x64xf32, #tpu.memory_space<vmem>>) offsets(%dma_start3A_775 : memref<128xi32, #tpu.memory_space<vmem>>) semaphore(%arg9 : memref<!tpu.dma_semaphore, #tpu.memory_space<semaphore_mem>>)
      %add3A_779 = arith.constant 2 : i32
      %add3A_780 = arith.addi %add3A_536, %add3A_779 : i32
      %dma_wait3A_781 = arith.constant 0 : i32
      %dma_wait3A_782 = arith.constant 1 : i32
      %dma_wait3A_783 = arith.constant 0 : i32
      %dma_wait3A_784 = arith.constant 0 : i32
      %dma_wait3A_785 = tpu.memref_slice %arg6[%dma_wait3A_782, %dma_wait3A_783, %dma_wait3A_784] : memref<3x512x64xf32, #tpu.memory_space<vmem>> -> memref<1x512x64xf32, #tpu.memory_space<vmem>>
      %dma_wait3A_786 = tpu.memref_squeeze %dma_wait3A_785 : memref<1x512x64xf32, #tpu.memory_space<vmem>> -> memref<512x64xf32, #tpu.memory_space<vmem>>
      %dma_wait3A_787 = arith.constant 0 : i32
      %dma_wait3A_788 = tpu.memref_slice %arg5[%dma_wait3A_781, %dma_wait3A_787] : memref<200x128xi32, #tpu.memory_space<vmem>> -> memref<1x128xi32, #tpu.memory_space<vmem>>
      %dma_wait3A_789 = tpu.memref_squeeze %dma_wait3A_788 : memref<1x128xi32, #tpu.memory_space<vmem>> -> memref<128xi32, #tpu.memory_space<vmem>>
      %dma_wait3A_790 = arith.constant 0 : i32
      %dma_wait3A_791 = arith.constant 0 : i32
      %dma_wait3A_792 = tpu.memref_slice %arg3[%dma_wait3A_790, %dma_wait3A_791] : memref<1000000x64xf32, #tpu.memory_space<hbm>> -> memref<1000000x64xf32, #tpu.memory_space<hbm>>
      tpu.wait_indirect_dma semaphore(%arg8 : memref<!tpu.dma_semaphore, #tpu.memory_space<semaphore_mem>>) src(%dma_wait3A_792 : memref<1000000x64xf32, #tpu.memory_space<hbm>>) dst(%dma_wait3A_786 : memref<512x64xf32, #tpu.memory_space<vmem>>)
      %parallel_loop3A_793 = arith.constant 0 : i32
      %parallel_loop3A_794 = arith.constant 512 : i32
      %parallel_loop3A_795 = arith.constant 1 : i32
      scf.for %parallel_loop3A_901 = %parallel_loop3A_793 to %parallel_loop3A_794 step %parallel_loop3A_795  : i32 {
        %parallel_loop3A_902 = arith.constant 1 : i32
        %parallel_loop3A_903 = arith.index_cast %parallel_loop3A_902 : i32 to index
        %parallel_loop3A_904 = arith.index_cast %parallel_loop3A_901 : i32 to index
        %parallel_loop3A_905 = arith.constant 0 : index
        %parallel_loop3A_906 = tpu.vector_load %arg6[%parallel_loop3A_903, %parallel_loop3A_904, %parallel_loop3A_905] {strides = array<i32>} : memref<3x512x64xf32, #tpu.memory_space<vmem>>, vector<1x1x16xf32>,
        %parallel_loop3A_907 = vector.shape_cast %parallel_loop3A_906 : vector<1x1x16xf32> to vector<16xf32>
        %parallel_loop3A_908 = arith.constant 8.000000e+00 : f32
        %parallel_loop3A_909 = vector.broadcast %parallel_loop3A_908 : f32 to vector<16xf32>
        %parallel_loop3A_910 = arith.mulf %parallel_loop3A_907, %parallel_loop3A_909 : vector<16xf32>
        %parallel_loop3A_911 = arith.constant 1 : i32
        %parallel_loop3A_912 = arith.index_cast %parallel_loop3A_911 : i32 to index
        %parallel_loop3A_913 = arith.index_cast %parallel_loop3A_901 : i32 to index
        %parallel_loop3A_914 = arith.constant 0 : index
        %parallel_loop3A_915 = tpu.vector_load %arg6[%parallel_loop3A_912, %parallel_loop3A_913, %parallel_loop3A_914] {strides = array<i32>} : memref<3x512x64xf32, #tpu.memory_space<vmem>>, vector<1x1x16xf32>,
        %parallel_loop3A_916 = vector.shape_cast %parallel_loop3A_915 : vector<1x1x16xf32> to vector<16xf32>
        %parallel_loop3A_917 = vector.shape_cast %parallel_loop3A_910 : vector<16xf32> to vector<1x1x16xf32>
        tpu.vector_store %arg6[%parallel_loop3A_912, %parallel_loop3A_913, %parallel_loop3A_914], %parallel_loop3A_917 {strides = array<i32>} : memref<3x512x64xf32, #tpu.memory_space<vmem>>, vector<1x1x16xf32>,
        %parallel_loop3A_918 = arith.constant 1 : i32
        %parallel_loop3A_919 = arith.index_cast %parallel_loop3A_918 : i32 to index
        %parallel_loop3A_920 = arith.index_cast %parallel_loop3A_901 : i32 to index
        %parallel_loop3A_921 = arith.constant 16 : index
        %parallel_loop3A_922 = tpu.vector_load %arg6[%parallel_loop3A_919, %parallel_loop3A_920, %parallel_loop3A_921] {strides = array<i32>} : memref<3x512x64xf32, #tpu.memory_space<vmem>>, vector<1x1x16xf32>,
        %parallel_loop3A_923 = vector.shape_cast %parallel_loop3A_922 : vector<1x1x16xf32> to vector<16xf32>
        %parallel_loop3A_924 = arith.constant 8.000000e+00 : f32
        %parallel_loop3A_925 = vector.broadcast %parallel_loop3A_924 : f32 to vector<16xf32>
        %parallel_loop3A_926 = arith.mulf %parallel_loop3A_923, %parallel_loop3A_925 : vector<16xf32>
        %parallel_loop3A_927 = arith.constant 1 : i32
        %parallel_loop3A_928 = arith.index_cast %parallel_loop3A_927 : i32 to index
        %parallel_loop3A_929 = arith.index_cast %parallel_loop3A_901 : i32 to index
        %parallel_loop3A_930 = arith.constant 16 : index
        %parallel_loop3A_931 = tpu.vector_load %arg6[%parallel_loop3A_928, %parallel_loop3A_929, %parallel_loop3A_930] {strides = array<i32>} : memref<3x512x64xf32, #tpu.memory_space<vmem>>, vector<1x1x16xf32>,
        %parallel_loop3A_932 = vector.shape_cast %parallel_loop3A_931 : vector<1x1x16xf32> to vector<16xf32>
        %parallel_loop3A_933 = vector.shape_cast %parallel_loop3A_926 : vector<16xf32> to vector<1x1x16xf32>
        tpu.vector_store %arg6[%parallel_loop3A_928, %parallel_loop3A_929, %parallel_loop3A_930], %parallel_loop3A_933 {strides = array<i32>} : memref<3x512x64xf32, #tpu.memory_space<vmem>>, vector<1x1x16xf32>,
        %parallel_loop3A_934 = arith.constant 1 : i32
        %parallel_loop3A_935 = arith.index_cast %parallel_loop3A_934 : i32 to index
        %parallel_loop3A_936 = arith.index_cast %parallel_loop3A_901 : i32 to index
        %parallel_loop3A_937 = arith.constant 32 : index
        %parallel_loop3A_938 = tpu.vector_load %arg6[%parallel_loop3A_935, %parallel_loop3A_936, %parallel_loop3A_937] {strides = array<i32>} : memref<3x512x64xf32, #tpu.memory_space<vmem>>, vector<1x1x16xf32>,
        %parallel_loop3A_939 = vector.shape_cast %parallel_loop3A_938 : vector<1x1x16xf32> to vector<16xf32>
        %parallel_loop3A_940 = arith.constant 8.000000e+00 : f32
        %parallel_loop3A_941 = vector.broadcast %parallel_loop3A_940 : f32 to vector<16xf32>
        %parallel_loop3A_942 = arith.mulf %parallel_loop3A_939, %parallel_loop3A_941 : vector<16xf32>
        %parallel_loop3A_943 = arith.constant 1 : i32
        %parallel_loop3A_944 = arith.index_cast %parallel_loop3A_943 : i32 to index
        %parallel_loop3A_945 = arith.index_cast %parallel_loop3A_901 : i32 to index
        %parallel_loop3A_946 = arith.constant 32 : index
        %parallel_loop3A_947 = tpu.vector_load %arg6[%parallel_loop3A_944, %parallel_loop3A_945, %parallel_loop3A_946] {strides = array<i32>} : memref<3x512x64xf32, #tpu.memory_space<vmem>>, vector<1x1x16xf32>,
        %parallel_loop3A_948 = vector.shape_cast %parallel_loop3A_947 : vector<1x1x16xf32> to vector<16xf32>
        %parallel_loop3A_949 = vector.shape_cast %parallel_loop3A_942 : vector<16xf32> to vector<1x1x16xf32>
        tpu.vector_store %arg6[%parallel_loop3A_944, %parallel_loop3A_945, %parallel_loop3A_946], %parallel_loop3A_949 {strides = array<i32>} : memref<3x512x64xf32, #tpu.memory_space<vmem>>, vector<1x1x16xf32>,
        %parallel_loop3A_950 = arith.constant 1 : i32
        %parallel_loop3A_951 = arith.index_cast %parallel_loop3A_950 : i32 to index
        %parallel_loop3A_952 = arith.index_cast %parallel_loop3A_901 : i32 to index
        %parallel_loop3A_953 = arith.constant 48 : index
        %parallel_loop3A_954 = tpu.vector_load %arg6[%parallel_loop3A_951, %parallel_loop3A_952, %parallel_loop3A_953] {strides = array<i32>} : memref<3x512x64xf32, #tpu.memory_space<vmem>>, vector<1x1x16xf32>,
        %parallel_loop3A_955 = vector.shape_cast %parallel_loop3A_954 : vector<1x1x16xf32> to vector<16xf32>
        %parallel_loop3A_956 = arith.constant 8.000000e+00 : f32
        %parallel_loop3A_957 = vector.broadcast %parallel_loop3A_956 : f32 to vector<16xf32>
        %parallel_loop3A_958 = arith.mulf %parallel_loop3A_955, %parallel_loop3A_957 : vector<16xf32>
        %parallel_loop3A_959 = arith.constant 1 : i32
        %parallel_loop3A_960 = arith.index_cast %parallel_loop3A_959 : i32 to index
        %parallel_loop3A_961 = arith.index_cast %parallel_loop3A_901 : i32 to index
        %parallel_loop3A_962 = arith.constant 48 : index
        %parallel_loop3A_963 = tpu.vector_load %arg6[%parallel_loop3A_960, %parallel_loop3A_961, %parallel_loop3A_962] {strides = array<i32>} : memref<3x512x64xf32, #tpu.memory_space<vmem>>, vector<1x1x16xf32>,
        %parallel_loop3A_964 = vector.shape_cast %parallel_loop3A_963 : vector<1x1x16xf32> to vector<16xf32>
        %parallel_loop3A_965 = vector.shape_cast %parallel_loop3A_958 : vector<16xf32> to vector<1x1x16xf32>
        tpu.vector_store %arg6[%parallel_loop3A_960, %parallel_loop3A_961, %parallel_loop3A_962], %parallel_loop3A_965 {strides = array<i32>} : memref<3x512x64xf32, #tpu.memory_space<vmem>>, vector<1x1x16xf32>,
      } {sc.loop_unroll_factor = 8 : i64, sc.parallel_access}
      %mul3A_796 = arith.constant 512 : i32
      %mul3A_797 = arith.muli %add3A_780, %mul3A_796 : i32
      %add3A_798 = arith.addi %mul3A_2, %mul3A_797 : i32
      %dma_start3A_799 = arith.constant 1 : i32
      %dma_start3A_800 = arith.constant 0 : i32
      %dma_start3A_801 = arith.constant 0 : i32
      %dma_start3A_802 = tpu.memref_slice %arg6[%dma_start3A_799, %dma_start3A_800, %dma_start3A_801] : memref<3x512x64xf32, #tpu.memory_space<vmem>> -> memref<1x512x64xf32, #tpu.memory_space<vmem>>
      %dma_start3A_803 = tpu.memref_squeeze %dma_start3A_802 : memref<1x512x64xf32, #tpu.memory_space<vmem>> -> memref<512x64xf32, #tpu.memory_space<vmem>>
      %dma_start3A_804 = arith.constant 0 : i32
      %dma_start3A_805 = tpu.memref_slice %arg4[%add3A_798, %dma_start3A_804] : memref<819200x64xf32, #tpu.memory_space<hbm>> -> memref<512x64xf32, #tpu.memory_space<hbm>>
      %dma_start3A_806 = arith.constant 0 : i32
      %dma_start3A_807 = tpu.memref_slice %arg4[%add3A_798, %dma_start3A_806] : memref<819200x64xf32, #tpu.memory_space<hbm>> -> memref<512x64xf32, #tpu.memory_space<hbm>>
      %dma_start3A_808 = arith.constant 0 : i32
      %dma_start3A_809 = arith.constant 0 : i32
      %dma_start3A_810 = tpu.memref_slice %arg6[%dma_start3A_799, %dma_start3A_808, %dma_start3A_809] : memref<3x512x64xf32, #tpu.memory_space<vmem>> -> memref<1x512x64xf32, #tpu.memory_space<vmem>>
      %dma_start3A_811 = tpu.memref_squeeze %dma_start3A_810 : memref<1x512x64xf32, #tpu.memory_space<vmem>> -> memref<512x64xf32, #tpu.memory_space<vmem>>
      tpu.enqueue_dma source(%dma_start3A_811 : memref<512x64xf32, #tpu.memory_space<vmem>>) target(%dma_start3A_807 : memref<512x64xf32, #tpu.memory_space<hbm>>) target_semaphore(%arg11 : memref<!tpu.dma_semaphore, #tpu.memory_space<semaphore_mem>>)
      %dma_wait3A_812 = arith.constant 0 : i32
      %dma_wait3A_813 = arith.constant 0 : i32
      %dma_wait3A_814 = arith.constant 0 : i32
      %dma_wait3A_815 = tpu.memref_slice %arg6[%dma_wait3A_812, %dma_wait3A_813, %dma_wait3A_814] : memref<3x512x64xf32, #tpu.memory_space<vmem>> -> memref<1x512x64xf32, #tpu.memory_space<vmem>>
      %dma_wait3A_816 = tpu.memref_squeeze %dma_wait3A_815 : memref<1x512x64xf32, #tpu.memory_space<vmem>> -> memref<512x64xf32, #tpu.memory_space<vmem>>
      %dma_wait3A_817 = arith.constant 0 : i32
      %dma_wait3A_818 = arith.constant 0 : i32
      %dma_wait3A_819 = tpu.memref_slice %arg4[%dma_wait3A_817, %dma_wait3A_818] : memref<819200x64xf32, #tpu.memory_space<hbm>> -> memref<512x64xf32, #tpu.memory_space<hbm>>
      %dma_wait3A_820 = arith.constant 0 : i32
      %dma_wait3A_821 = arith.constant 0 : i32
      %dma_wait3A_822 = tpu.memref_slice %arg4[%dma_wait3A_820, %dma_wait3A_821] : memref<819200x64xf32, #tpu.memory_space<hbm>> -> memref<512x64xf32, #tpu.memory_space<hbm>>
      %dma_wait3A_823 = arith.constant 0 : i32
      %dma_wait3A_824 = arith.constant 0 : i32
      %dma_wait3A_825 = tpu.memref_slice %arg6[%dma_wait3A_812, %dma_wait3A_823, %dma_wait3A_824] : memref<3x512x64xf32, #tpu.memory_space<vmem>> -> memref<1x512x64xf32, #tpu.memory_space<vmem>>
      %dma_wait3A_826 = tpu.memref_squeeze %dma_wait3A_825 : memref<1x512x64xf32, #tpu.memory_space<vmem>> -> memref<512x64xf32, #tpu.memory_space<vmem>>
      tpu.wait_dma2 semaphore(%arg10 : memref<!tpu.dma_semaphore, #tpu.memory_space<semaphore_mem>>) src(%dma_wait3A_826 : memref<512x64xf32, #tpu.memory_space<vmem>>) dst(%dma_wait3A_822 : memref<512x64xf32, #tpu.memory_space<hbm>>)
      %add3A_827 = arith.constant 2 : i32
      %add3A_828 = arith.addi %add3A_780, %add3A_827 : i32
      %mul3A_829 = arith.constant 4 : i32
      %mul3A_830 = arith.muli %add3A_828, %mul3A_829 : i32
      %add3A_831 = arith.constant 0 : i32
      %add3A_832 = arith.addi %mul3A_830, %add3A_831 : i32
      %dma_start3A_833 = arith.constant 0 : i32
      %dma_start3A_834 = arith.constant 0 : i32
      %dma_start3A_835 = arith.constant 0 : i32
      %dma_start3A_836 = tpu.memref_slice %arg6[%dma_start3A_833, %dma_start3A_834, %dma_start3A_835] : memref<3x512x64xf32, #tpu.memory_space<vmem>> -> memref<1x512x64xf32, #tpu.memory_space<vmem>>
      %dma_start3A_837 = tpu.memref_squeeze %dma_start3A_836 : memref<1x512x64xf32, #tpu.memory_space<vmem>> -> memref<512x64xf32, #tpu.memory_space<vmem>>
      %dma_start3A_838 = arith.constant 0 : i32
      %dma_start3A_839 = arith.constant 0 : i32
      %dma_start3A_840 = tpu.memref_slice %dma_start3A_837[%dma_start3A_838, %dma_start3A_839] : memref<512x64xf32, #tpu.memory_space<vmem>> -> memref<128x64xf32, #tpu.memory_space<vmem>>
      %dma_start3A_841 = arith.constant 0 : i32
      %dma_start3A_842 = tpu.memref_slice %arg5[%add3A_832, %dma_start3A_841] : memref<200x128xi32, #tpu.memory_space<vmem>> -> memref<1x128xi32, #tpu.memory_space<vmem>>
      %dma_start3A_843 = tpu.memref_squeeze %dma_start3A_842 : memref<1x128xi32, #tpu.memory_space<vmem>> -> memref<128xi32, #tpu.memory_space<vmem>>
      %dma_start3A_844 = arith.constant 0 : i32
      %dma_start3A_845 = arith.constant 0 : i32
      %dma_start3A_846 = tpu.memref_slice %arg3[%dma_start3A_844, %dma_start3A_845] : memref<1000000x64xf32, #tpu.memory_space<hbm>> -> memref<1000000x64xf32, #tpu.memory_space<hbm>>
      tpu.enqueue_indirect_dma source(%dma_start3A_846 : memref<1000000x64xf32, #tpu.memory_space<hbm>>) target(%dma_start3A_840 : memref<128x64xf32, #tpu.memory_space<vmem>>) offsets(%dma_start3A_843 : memref<128xi32, #tpu.memory_space<vmem>>) semaphore(%arg7 : memref<!tpu.dma_semaphore, #tpu.memory_space<semaphore_mem>>)
      %mul3A_847 = arith.constant 4 : i32
      %mul3A_848 = arith.muli %add3A_828, %mul3A_847 : i32
      %add3A_849 = arith.constant 1 : i32
      %add3A_850 = arith.addi %mul3A_848, %add3A_849 : i32
      %dma_start3A_851 = arith.constant 0 : i32
      %dma_start3A_852 = arith.constant 0 : i32
      %dma_start3A_853 = arith.constant 0 : i32
      %dma_start3A_854 = tpu.memref_slice %arg6[%dma_start3A_851, %dma_start3A_852, %dma_start3A_853] : memref<3x512x64xf32, #tpu.memory_space<vmem>> -> memref<1x512x64xf32, #tpu.memory_space<vmem>>
      %dma_start3A_855 = tpu.memref_squeeze %dma_start3A_854 : memref<1x512x64xf32, #tpu.memory_space<vmem>> -> memref<512x64xf32, #tpu.memory_space<vmem>>
      %dma_start3A_856 = arith.constant 128 : i32
      %dma_start3A_857 = arith.constant 0 : i32
      %dma_start3A_858 = tpu.memref_slice %dma_start3A_855[%dma_start3A_856, %dma_start3A_857] : memref<512x64xf32, #tpu.memory_space<vmem>> -> memref<128x64xf32, #tpu.memory_space<vmem>>
      %dma_start3A_859 = arith.constant 0 : i32
      %dma_start3A_860 = tpu.memref_slice %arg5[%add3A_850, %dma_start3A_859] : memref<200x128xi32, #tpu.memory_space<vmem>> -> memref<1x128xi32, #tpu.memory_space<vmem>>
      %dma_start3A_861 = tpu.memref_squeeze %dma_start3A_860 : memref<1x128xi32, #tpu.memory_space<vmem>> -> memref<128xi32, #tpu.memory_space<vmem>>
      %dma_start3A_862 = arith.constant 0 : i32
      %dma_start3A_863 = arith.constant 0 : i32
      %dma_start3A_864 = tpu.memref_slice %arg3[%dma_start3A_862, %dma_start3A_863] : memref<1000000x64xf32, #tpu.memory_space<hbm>> -> memref<1000000x64xf32, #tpu.memory_space<hbm>>
      tpu.enqueue_indirect_dma source(%dma_start3A_864 : memref<1000000x64xf32, #tpu.memory_space<hbm>>) target(%dma_start3A_858 : memref<128x64xf32, #tpu.memory_space<vmem>>) offsets(%dma_start3A_861 : memref<128xi32, #tpu.memory_space<vmem>>) semaphore(%arg7 : memref<!tpu.dma_semaphore, #tpu.memory_space<semaphore_mem>>)
      %mul3A_865 = arith.constant 4 : i32
      %mul3A_866 = arith.muli %add3A_828, %mul3A_865 : i32
      %add3A_867 = arith.constant 2 : i32
      %add3A_868 = arith.addi %mul3A_866, %add3A_867 : i32
      %dma_start3A_869 = arith.constant 0 : i32
      %dma_start3A_870 = arith.constant 0 : i32
      %dma_start3A_871 = arith.constant 0 : i32
      %dma_start3A_872 = tpu.memref_slice %arg6[%dma_start3A_869, %dma_start3A_870, %dma_start3A_871] : memref<3x512x64xf32, #tpu.memory_space<vmem>> -> memref<1x512x64xf32, #tpu.memory_space<vmem>>
      %dma_start3A_873 = tpu.memref_squeeze %dma_start3A_872 : memref<1x512x64xf32, #tpu.memory_space<vmem>> -> memref<512x64xf32, #tpu.memory_space<vmem>>
      %dma_start3A_874 = arith.constant 256 : i32
      %dma_start3A_875 = arith.constant 0 : i32
      %dma_start3A_876 = tpu.memref_slice %dma_start3A_873[%dma_start3A_874, %dma_start3A_875] : memref<512x64xf32, #tpu.memory_space<vmem>> -> memref<128x64xf32, #tpu.memory_space<vmem>>
      %dma_start3A_877 = arith.constant 0 : i32
      %dma_start3A_878 = tpu.memref_slice %arg5[%add3A_868, %dma_start3A_877] : memref<200x128xi32, #tpu.memory_space<vmem>> -> memref<1x128xi32, #tpu.memory_space<vmem>>
      %dma_start3A_879 = tpu.memref_squeeze %dma_start3A_878 : memref<1x128xi32, #tpu.memory_space<vmem>> -> memref<128xi32, #tpu.memory_space<vmem>>
      %dma_start3A_880 = arith.constant 0 : i32
      %dma_start3A_881 = arith.constant 0 : i32
      %dma_start3A_882 = tpu.memref_slice %arg3[%dma_start3A_880, %dma_start3A_881] : memref<1000000x64xf32, #tpu.memory_space<hbm>> -> memref<1000000x64xf32, #tpu.memory_space<hbm>>
      tpu.enqueue_indirect_dma source(%dma_start3A_882 : memref<1000000x64xf32, #tpu.memory_space<hbm>>) target(%dma_start3A_876 : memref<128x64xf32, #tpu.memory_space<vmem>>) offsets(%dma_start3A_879 : memref<128xi32, #tpu.memory_space<vmem>>) semaphore(%arg7 : memref<!tpu.dma_semaphore, #tpu.memory_space<semaphore_mem>>)
      %mul3A_883 = arith.constant 4 : i32
      %mul3A_884 = arith.muli %add3A_828, %mul3A_883 : i32
      %add3A_885 = arith.constant 3 : i32
      %add3A_886 = arith.addi %mul3A_884, %add3A_885 : i32
      %dma_start3A_887 = arith.constant 0 : i32
      %dma_start3A_888 = arith.constant 0 : i32
      %dma_start3A_889 = arith.constant 0 : i32
      %dma_start3A_890 = tpu.memref_slice %arg6[%dma_start3A_887, %dma_start3A_888, %dma_start3A_889] : memref<3x512x64xf32, #tpu.memory_space<vmem>> -> memref<1x512x64xf32, #tpu.memory_space<vmem>>
      %dma_start3A_891 = tpu.memref_squeeze %dma_start3A_890 : memref<1x512x64xf32, #tpu.memory_space<vmem>> -> memref<512x64xf32, #tpu.memory_space<vmem>>
      %dma_start3A_892 = arith.constant 384 : i32
      %dma_start3A_893 = arith.constant 0 : i32
      %dma_start3A_894 = tpu.memref_slice %dma_start3A_891[%dma_start3A_892, %dma_start3A_893] : memref<512x64xf32, #tpu.memory_space<vmem>> -> memref<128x64xf32, #tpu.memory_space<vmem>>
      %dma_start3A_895 = arith.constant 0 : i32
      %dma_start3A_896 = tpu.memref_slice %arg5[%add3A_886, %dma_start3A_895] : memref<200x128xi32, #tpu.memory_space<vmem>> -> memref<1x128xi32, #tpu.memory_space<vmem>>
      %dma_start3A_897 = tpu.memref_squeeze %dma_start3A_896 : memref<1x128xi32, #tpu.memory_space<vmem>> -> memref<128xi32, #tpu.memory_space<vmem>>
      %dma_start3A_898 = arith.constant 0 : i32
      %dma_start3A_899 = arith.constant 0 : i32
      %dma_start3A_900 = tpu.memref_slice %arg3[%dma_start3A_898, %dma_start3A_899] : memref<1000000x64xf32, #tpu.memory_space<hbm>> -> memref<1000000x64xf32, #tpu.memory_space<hbm>>
      tpu.enqueue_indirect_dma source(%dma_start3A_900 : memref<1000000x64xf32, #tpu.memory_space<hbm>>) target(%dma_start3A_894 : memref<128x64xf32, #tpu.memory_space<vmem>>) offsets(%dma_start3A_897 : memref<128xi32, #tpu.memory_space<vmem>>) semaphore(%arg7 : memref<!tpu.dma_semaphore, #tpu.memory_space<semaphore_mem>>)
    }
    %scan3A_321 = arith.constant 15 : i32
    %dma_wait3A_322 = arith.constant 0 : i32
    %dma_wait3A_323 = arith.constant 2 : i32
    %dma_wait3A_324 = arith.constant 0 : i32
    %dma_wait3A_325 = arith.constant 0 : i32
    %dma_wait3A_326 = tpu.memref_slice %arg6[%dma_wait3A_323, %dma_wait3A_324, %dma_wait3A_325] : memref<3x512x64xf32, #tpu.memory_space<vmem>> -> memref<1x512x64xf32, #tpu.memory_space<vmem>>
    %dma_wait3A_327 = tpu.memref_squeeze %dma_wait3A_326 : memref<1x512x64xf32, #tpu.memory_space<vmem>> -> memref<512x64xf32, #tpu.memory_space<vmem>>
    %dma_wait3A_328 = arith.constant 0 : i32
    %dma_wait3A_329 = tpu.memref_slice %arg5[%dma_wait3A_322, %dma_wait3A_328] : memref<200x128xi32, #tpu.memory_space<vmem>> -> memref<1x128xi32, #tpu.memory_space<vmem>>
    %dma_wait3A_330 = tpu.memref_squeeze %dma_wait3A_329 : memref<1x128xi32, #tpu.memory_space<vmem>> -> memref<128xi32, #tpu.memory_space<vmem>>
    %dma_wait3A_331 = arith.constant 0 : i32
    %dma_wait3A_332 = arith.constant 0 : i32
    %dma_wait3A_333 = tpu.memref_slice %arg3[%dma_wait3A_331, %dma_wait3A_332] : memref<1000000x64xf32, #tpu.memory_space<hbm>> -> memref<1000000x64xf32, #tpu.memory_space<hbm>>
    tpu.wait_indirect_dma semaphore(%arg9 : memref<!tpu.dma_semaphore, #tpu.memory_space<semaphore_mem>>) src(%dma_wait3A_333 : memref<1000000x64xf32, #tpu.memory_space<hbm>>) dst(%dma_wait3A_327 : memref<512x64xf32, #tpu.memory_space<vmem>>)
    %parallel_loop3A_334 = arith.constant 0 : i32
    %parallel_loop3A_335 = arith.constant 512 : i32
    %parallel_loop3A_336 = arith.constant 1 : i32
    scf.for %parallel_loop3A_532 = %parallel_loop3A_334 to %parallel_loop3A_335 step %parallel_loop3A_336  : i32 {
      %parallel_loop3A_533 = arith.constant 2 : i32
      %parallel_loop3A_534 = arith.index_cast %parallel_loop3A_533 : i32 to index
      %parallel_loop3A_535 = arith.index_cast %parallel_loop3A_532 : i32 to index
      %parallel_loop3A_536 = arith.constant 0 : index
      %parallel_loop3A_537 = tpu.vector_load %arg6[%parallel_loop3A_534, %parallel_loop3A_535, %parallel_loop3A_536] {strides = array<i32>} : memref<3x512x64xf32, #tpu.memory_space<vmem>>, vector<1x1x16xf32>,
      %parallel_loop3A_538 = vector.shape_cast %parallel_loop3A_537 : vector<1x1x16xf32> to vector<16xf32>
      %parallel_loop3A_539 = arith.constant 8.000000e+00 : f32
      %parallel_loop3A_540 = vector.broadcast %parallel_loop3A_539 : f32 to vector<16xf32>
      %parallel_loop3A_541 = arith.mulf %parallel_loop3A_538, %parallel_loop3A_540 : vector<16xf32>
      %parallel_loop3A_542 = arith.constant 2 : i32
      %parallel_loop3A_543 = arith.index_cast %parallel_loop3A_542 : i32 to index
      %parallel_loop3A_544 = arith.index_cast %parallel_loop3A_532 : i32 to index
      %parallel_loop3A_545 = arith.constant 0 : index
      %parallel_loop3A_546 = tpu.vector_load %arg6[%parallel_loop3A_543, %parallel_loop3A_544, %parallel_loop3A_545] {strides = array<i32>} : memref<3x512x64xf32, #tpu.memory_space<vmem>>, vector<1x1x16xf32>,
      %parallel_loop3A_547 = vector.shape_cast %parallel_loop3A_546 : vector<1x1x16xf32> to vector<16xf32>
      %parallel_loop3A_548 = vector.shape_cast %parallel_loop3A_541 : vector<16xf32> to vector<1x1x16xf32>
      tpu.vector_store %arg6[%parallel_loop3A_543, %parallel_loop3A_544, %parallel_loop3A_545], %parallel_loop3A_548 {strides = array<i32>} : memref<3x512x64xf32, #tpu.memory_space<vmem>>, vector<1x1x16xf32>,
      %parallel_loop3A_549 = arith.constant 2 : i32
      %parallel_loop3A_550 = arith.index_cast %parallel_loop3A_549 : i32 to index
      %parallel_loop3A_551 = arith.index_cast %parallel_loop3A_532 : i32 to index
      %parallel_loop3A_552 = arith.constant 16 : index
      %parallel_loop3A_553 = tpu.vector_load %arg6[%parallel_loop3A_550, %parallel_loop3A_551, %parallel_loop3A_552] {strides = array<i32>} : memref<3x512x64xf32, #tpu.memory_space<vmem>>, vector<1x1x16xf32>,
      %parallel_loop3A_554 = vector.shape_cast %parallel_loop3A_553 : vector<1x1x16xf32> to vector<16xf32>
      %parallel_loop3A_555 = arith.constant 8.000000e+00 : f32
      %parallel_loop3A_556 = vector.broadcast %parallel_loop3A_555 : f32 to vector<16xf32>
      %parallel_loop3A_557 = arith.mulf %parallel_loop3A_554, %parallel_loop3A_556 : vector<16xf32>
      %parallel_loop3A_558 = arith.constant 2 : i32
      %parallel_loop3A_559 = arith.index_cast %parallel_loop3A_558 : i32 to index
      %parallel_loop3A_560 = arith.index_cast %parallel_loop3A_532 : i32 to index
      %parallel_loop3A_561 = arith.constant 16 : index
      %parallel_loop3A_562 = tpu.vector_load %arg6[%parallel_loop3A_559, %parallel_loop3A_560, %parallel_loop3A_561] {strides = array<i32>} : memref<3x512x64xf32, #tpu.memory_space<vmem>>, vector<1x1x16xf32>,
      %parallel_loop3A_563 = vector.shape_cast %parallel_loop3A_562 : vector<1x1x16xf32> to vector<16xf32>
      %parallel_loop3A_564 = vector.shape_cast %parallel_loop3A_557 : vector<16xf32> to vector<1x1x16xf32>
      tpu.vector_store %arg6[%parallel_loop3A_559, %parallel_loop3A_560, %parallel_loop3A_561], %parallel_loop3A_564 {strides = array<i32>} : memref<3x512x64xf32, #tpu.memory_space<vmem>>, vector<1x1x16xf32>,
      %parallel_loop3A_565 = arith.constant 2 : i32
      %parallel_loop3A_566 = arith.index_cast %parallel_loop3A_565 : i32 to index
      %parallel_loop3A_567 = arith.index_cast %parallel_loop3A_532 : i32 to index
      %parallel_loop3A_568 = arith.constant 32 : index
      %parallel_loop3A_569 = tpu.vector_load %arg6[%parallel_loop3A_566, %parallel_loop3A_567, %parallel_loop3A_568] {strides = array<i32>} : memref<3x512x64xf32, #tpu.memory_space<vmem>>, vector<1x1x16xf32>,
      %parallel_loop3A_570 = vector.shape_cast %parallel_loop3A_569 : vector<1x1x16xf32> to vector<16xf32>
      %parallel_loop3A_571 = arith.constant 8.000000e+00 : f32
      %parallel_loop3A_572 = vector.broadcast %parallel_loop3A_571 : f32 to vector<16xf32>
      %parallel_loop3A_573 = arith.mulf %parallel_loop3A_570, %parallel_loop3A_572 : vector<16xf32>
      %parallel_loop3A_574 = arith.constant 2 : i32
      %parallel_loop3A_575 = arith.index_cast %parallel_loop3A_574 : i32 to index
      %parallel_loop3A_576 = arith.index_cast %parallel_loop3A_532 : i32 to index
      %parallel_loop3A_577 = arith.constant 32 : index
      %parallel_loop3A_578 = tpu.vector_load %arg6[%parallel_loop3A_575, %parallel_loop3A_576, %parallel_loop3A_577] {strides = array<i32>} : memref<3x512x64xf32, #tpu.memory_space<vmem>>, vector<1x1x16xf32>,
      %parallel_loop3A_579 = vector.shape_cast %parallel_loop3A_578 : vector<1x1x16xf32> to vector<16xf32>
      %parallel_loop3A_580 = vector.shape_cast %parallel_loop3A_573 : vector<16xf32> to vector<1x1x16xf32>
      tpu.vector_store %arg6[%parallel_loop3A_575, %parallel_loop3A_576, %parallel_loop3A_577], %parallel_loop3A_580 {strides = array<i32>} : memref<3x512x64xf32, #tpu.memory_space<vmem>>, vector<1x1x16xf32>,
      %parallel_loop3A_581 = arith.constant 2 : i32
      %parallel_loop3A_582 = arith.index_cast %parallel_loop3A_581 : i32 to index
      %parallel_loop3A_583 = arith.index_cast %parallel_loop3A_532 : i32 to index
      %parallel_loop3A_584 = arith.constant 48 : index
      %parallel_loop3A_585 = tpu.vector_load %arg6[%parallel_loop3A_582, %parallel_loop3A_583, %parallel_loop3A_584] {strides = array<i32>} : memref<3x512x64xf32, #tpu.memory_space<vmem>>, vector<1x1x16xf32>,
      %parallel_loop3A_586 = vector.shape_cast %parallel_loop3A_585 : vector<1x1x16xf32> to vector<16xf32>
      %parallel_loop3A_587 = arith.constant 8.000000e+00 : f32
      %parallel_loop3A_588 = vector.broadcast %parallel_loop3A_587 : f32 to vector<16xf32>
      %parallel_loop3A_589 = arith.mulf %parallel_loop3A_586, %parallel_loop3A_588 : vector<16xf32>
      %parallel_loop3A_590 = arith.constant 2 : i32
      %parallel_loop3A_591 = arith.index_cast %parallel_loop3A_590 : i32 to index
      %parallel_loop3A_592 = arith.index_cast %parallel_loop3A_532 : i32 to index
      %parallel_loop3A_593 = arith.constant 48 : index
      %parallel_loop3A_594 = tpu.vector_load %arg6[%parallel_loop3A_591, %parallel_loop3A_592, %parallel_loop3A_593] {strides = array<i32>} : memref<3x512x64xf32, #tpu.memory_space<vmem>>, vector<1x1x16xf32>,
      %parallel_loop3A_595 = vector.shape_cast %parallel_loop3A_594 : vector<1x1x16xf32> to vector<16xf32>
      %parallel_loop3A_596 = vector.shape_cast %parallel_loop3A_589 : vector<16xf32> to vector<1x1x16xf32>
      tpu.vector_store %arg6[%parallel_loop3A_591, %parallel_loop3A_592, %parallel_loop3A_593], %parallel_loop3A_596 {strides = array<i32>} : memref<3x512x64xf32, #tpu.memory_space<vmem>>, vector<1x1x16xf32>,
    } {sc.loop_unroll_factor = 8 : i64, sc.parallel_access}
    %add3A_337 = arith.constant 24064 : i32
    %add3A_338 = arith.addi %mul3A_2, %add3A_337 : i32
    %dma_start3A_339 = arith.constant 2 : i32
    %dma_start3A_340 = arith.constant 0 : i32
    %dma_start3A_341 = arith.constant 0 : i32
    %dma_start3A_342 = tpu.memref_slice %arg6[%dma_start3A_339, %dma_start3A_340, %dma_start3A_341] : memref<3x512x64xf32, #tpu.memory_space<vmem>> -> memref<1x512x64xf32, #tpu.memory_space<vmem>>
    %dma_start3A_343 = tpu.memref_squeeze %dma_start3A_342 : memref<1x512x64xf32, #tpu.memory_space<vmem>> -> memref<512x64xf32, #tpu.memory_space<vmem>>
    %dma_start3A_344 = arith.constant 0 : i32
    %dma_start3A_345 = tpu.memref_slice %arg4[%add3A_338, %dma_start3A_344] : memref<819200x64xf32, #tpu.memory_space<hbm>> -> memref<512x64xf32, #tpu.memory_space<hbm>>
    %dma_start3A_346 = arith.constant 0 : i32
    %dma_start3A_347 = tpu.memref_slice %arg4[%add3A_338, %dma_start3A_346] : memref<819200x64xf32, #tpu.memory_space<hbm>> -> memref<512x64xf32, #tpu.memory_space<hbm>>
    %dma_start3A_348 = arith.constant 0 : i32
    %dma_start3A_349 = arith.constant 0 : i32
    %dma_start3A_350 = tpu.memref_slice %arg6[%dma_start3A_339, %dma_start3A_348, %dma_start3A_349] : memref<3x512x64xf32, #tpu.memory_space<vmem>> -> memref<1x512x64xf32, #tpu.memory_space<vmem>>
    %dma_start3A_351 = tpu.memref_squeeze %dma_start3A_350 : memref<1x512x64xf32, #tpu.memory_space<vmem>> -> memref<512x64xf32, #tpu.memory_space<vmem>>
    tpu.enqueue_dma source(%dma_start3A_351 : memref<512x64xf32, #tpu.memory_space<vmem>>) target(%dma_start3A_347 : memref<512x64xf32, #tpu.memory_space<hbm>>) target_semaphore(%arg12 : memref<!tpu.dma_semaphore, #tpu.memory_space<semaphore_mem>>)
    %dma_wait3A_352 = arith.constant 1 : i32
    %dma_wait3A_353 = arith.constant 0 : i32
    %dma_wait3A_354 = arith.constant 0 : i32
    %dma_wait3A_355 = tpu.memref_slice %arg6[%dma_wait3A_352, %dma_wait3A_353, %dma_wait3A_354] : memref<3x512x64xf32, #tpu.memory_space<vmem>> -> memref<1x512x64xf32, #tpu.memory_space<vmem>>
    %dma_wait3A_356 = tpu.memref_squeeze %dma_wait3A_355 : memref<1x512x64xf32, #tpu.memory_space<vmem>> -> memref<512x64xf32, #tpu.memory_space<vmem>>
    %dma_wait3A_357 = arith.constant 0 : i32
    %dma_wait3A_358 = arith.constant 0 : i32
    %dma_wait3A_359 = tpu.memref_slice %arg4[%dma_wait3A_357, %dma_wait3A_358] : memref<819200x64xf32, #tpu.memory_space<hbm>> -> memref<512x64xf32, #tpu.memory_space<hbm>>
    %dma_wait3A_360 = arith.constant 0 : i32
    %dma_wait3A_361 = arith.constant 0 : i32
    %dma_wait3A_362 = tpu.memref_slice %arg4[%dma_wait3A_360, %dma_wait3A_361] : memref<819200x64xf32, #tpu.memory_space<hbm>> -> memref<512x64xf32, #tpu.memory_space<hbm>>
    %dma_wait3A_363 = arith.constant 0 : i32
    %dma_wait3A_364 = arith.constant 0 : i32
    %dma_wait3A_365 = tpu.memref_slice %arg6[%dma_wait3A_352, %dma_wait3A_363, %dma_wait3A_364] : memref<3x512x64xf32, #tpu.memory_space<vmem>> -> memref<1x512x64xf32, #tpu.memory_space<vmem>>
    %dma_wait3A_366 = tpu.memref_squeeze %dma_wait3A_365 : memref<1x512x64xf32, #tpu.memory_space<vmem>> -> memref<512x64xf32, #tpu.memory_space<vmem>>
    tpu.wait_dma2 semaphore(%arg11 : memref<!tpu.dma_semaphore, #tpu.memory_space<semaphore_mem>>) src(%dma_wait3A_366 : memref<512x64xf32, #tpu.memory_space<vmem>>) dst(%dma_wait3A_362 : memref<512x64xf32, #tpu.memory_space<hbm>>)
    %dma_start3A_367 = arith.constant 196 : i32
    %dma_start3A_368 = arith.constant 1 : i32
    %dma_start3A_369 = arith.constant 0 : i32
    %dma_start3A_370 = arith.constant 0 : i32
    %dma_start3A_371 = tpu.memref_slice %arg6[%dma_start3A_368, %dma_start3A_369, %dma_start3A_370] : memref<3x512x64xf32, #tpu.memory_space<vmem>> -> memref<1x512x64xf32, #tpu.memory_space<vmem>>
    %dma_start3A_372 = tpu.memref_squeeze %dma_start3A_371 : memref<1x512x64xf32, #tpu.memory_space<vmem>> -> memref<512x64xf32, #tpu.memory_space<vmem>>
    %dma_start3A_373 = arith.constant 0 : i32
    %dma_start3A_374 = arith.constant 0 : i32
    %dma_start3A_375 = tpu.memref_slice %dma_start3A_372[%dma_start3A_373, %dma_start3A_374] : memref<512x64xf32, #tpu.memory_space<vmem>> -> memref<128x64xf32, #tpu.memory_space<vmem>>
    %dma_start3A_376 = arith.constant 0 : i32
    %dma_start3A_377 = tpu.memref_slice %arg5[%dma_start3A_367, %dma_start3A_376] : memref<200x128xi32, #tpu.memory_space<vmem>> -> memref<1x128xi32, #tpu.memory_space<vmem>>
    %dma_start3A_378 = tpu.memref_squeeze %dma_start3A_377 : memref<1x128xi32, #tpu.memory_space<vmem>> -> memref<128xi32, #tpu.memory_space<vmem>>
    %dma_start3A_379 = arith.constant 0 : i32
    %dma_start3A_380 = arith.constant 0 : i32
    %dma_start3A_381 = tpu.memref_slice %arg3[%dma_start3A_379, %dma_start3A_380] : memref<1000000x64xf32, #tpu.memory_space<hbm>> -> memref<1000000x64xf32, #tpu.memory_space<hbm>>
    tpu.enqueue_indirect_dma source(%dma_start3A_381 : memref<1000000x64xf32, #tpu.memory_space<hbm>>) target(%dma_start3A_375 : memref<128x64xf32, #tpu.memory_space<vmem>>) offsets(%dma_start3A_378 : memref<128xi32, #tpu.memory_space<vmem>>) semaphore(%arg8 : memref<!tpu.dma_semaphore, #tpu.memory_space<semaphore_mem>>)
    %dma_start3A_382 = arith.constant 197 : i32
    %dma_start3A_383 = arith.constant 1 : i32
    %dma_start3A_384 = arith.constant 0 : i32
    %dma_start3A_385 = arith.constant 0 : i32
    %dma_start3A_386 = tpu.memref_slice %arg6[%dma_start3A_383, %dma_start3A_384, %dma_start3A_385] : memref<3x512x64xf32, #tpu.memory_space<vmem>> -> memref<1x512x64xf32, #tpu.memory_space<vmem>>
    %dma_start3A_387 = tpu.memref_squeeze %dma_start3A_386 : memref<1x512x64xf32, #tpu.memory_space<vmem>> -> memref<512x64xf32, #tpu.memory_space<vmem>>
    %dma_start3A_388 = arith.constant 128 : i32
    %dma_start3A_389 = arith.constant 0 : i32
    %dma_start3A_390 = tpu.memref_slice %dma_start3A_387[%dma_start3A_388, %dma_start3A_389] : memref<512x64xf32, #tpu.memory_space<vmem>> -> memref<128x64xf32, #tpu.memory_space<vmem>>
    %dma_start3A_391 = arith.constant 0 : i32
    %dma_start3A_392 = tpu.memref_slice %arg5[%dma_start3A_382, %dma_start3A_391] : memref<200x128xi32, #tpu.memory_space<vmem>> -> memref<1x128xi32, #tpu.memory_space<vmem>>
    %dma_start3A_393 = tpu.memref_squeeze %dma_start3A_392 : memref<1x128xi32, #tpu.memory_space<vmem>> -> memref<128xi32, #tpu.memory_space<vmem>>
    %dma_start3A_394 = arith.constant 0 : i32
    %dma_start3A_395 = arith.constant 0 : i32
    %dma_start3A_396 = tpu.memref_slice %arg3[%dma_start3A_394, %dma_start3A_395] : memref<1000000x64xf32, #tpu.memory_space<hbm>> -> memref<1000000x64xf32, #tpu.memory_space<hbm>>
    tpu.enqueue_indirect_dma source(%dma_start3A_396 : memref<1000000x64xf32, #tpu.memory_space<hbm>>) target(%dma_start3A_390 : memref<128x64xf32, #tpu.memory_space<vmem>>) offsets(%dma_start3A_393 : memref<128xi32, #tpu.memory_space<vmem>>) semaphore(%arg8 : memref<!tpu.dma_semaphore, #tpu.memory_space<semaphore_mem>>)
    %dma_start3A_397 = arith.constant 198 : i32
    %dma_start3A_398 = arith.constant 1 : i32
    %dma_start3A_399 = arith.constant 0 : i32
    %dma_start3A_400 = arith.constant 0 : i32
    %dma_start3A_401 = tpu.memref_slice %arg6[%dma_start3A_398, %dma_start3A_399, %dma_start3A_400] : memref<3x512x64xf32, #tpu.memory_space<vmem>> -> memref<1x512x64xf32, #tpu.memory_space<vmem>>
    %dma_start3A_402 = tpu.memref_squeeze %dma_start3A_401 : memref<1x512x64xf32, #tpu.memory_space<vmem>> -> memref<512x64xf32, #tpu.memory_space<vmem>>
    %dma_start3A_403 = arith.constant 256 : i32
    %dma_start3A_404 = arith.constant 0 : i32
    %dma_start3A_405 = tpu.memref_slice %dma_start3A_402[%dma_start3A_403, %dma_start3A_404] : memref<512x64xf32, #tpu.memory_space<vmem>> -> memref<128x64xf32, #tpu.memory_space<vmem>>
    %dma_start3A_406 = arith.constant 0 : i32
    %dma_start3A_407 = tpu.memref_slice %arg5[%dma_start3A_397, %dma_start3A_406] : memref<200x128xi32, #tpu.memory_space<vmem>> -> memref<1x128xi32, #tpu.memory_space<vmem>>
    %dma_start3A_408 = tpu.memref_squeeze %dma_start3A_407 : memref<1x128xi32, #tpu.memory_space<vmem>> -> memref<128xi32, #tpu.memory_space<vmem>>
    %dma_start3A_409 = arith.constant 0 : i32
    %dma_start3A_410 = arith.constant 0 : i32
    %dma_start3A_411 = tpu.memref_slice %arg3[%dma_start3A_409, %dma_start3A_410] : memref<1000000x64xf32, #tpu.memory_space<hbm>> -> memref<1000000x64xf32, #tpu.memory_space<hbm>>
    tpu.enqueue_indirect_dma source(%dma_start3A_411 : memref<1000000x64xf32, #tpu.memory_space<hbm>>) target(%dma_start3A_405 : memref<128x64xf32, #tpu.memory_space<vmem>>) offsets(%dma_start3A_408 : memref<128xi32, #tpu.memory_space<vmem>>) semaphore(%arg8 : memref<!tpu.dma_semaphore, #tpu.memory_space<semaphore_mem>>)
    %dma_start3A_412 = arith.constant 199 : i32
    %dma_start3A_413 = arith.constant 1 : i32
    %dma_start3A_414 = arith.constant 0 : i32
    %dma_start3A_415 = arith.constant 0 : i32
    %dma_start3A_416 = tpu.memref_slice %arg6[%dma_start3A_413, %dma_start3A_414, %dma_start3A_415] : memref<3x512x64xf32, #tpu.memory_space<vmem>> -> memref<1x512x64xf32, #tpu.memory_space<vmem>>
    %dma_start3A_417 = tpu.memref_squeeze %dma_start3A_416 : memref<1x512x64xf32, #tpu.memory_space<vmem>> -> memref<512x64xf32, #tpu.memory_space<vmem>>
    %dma_start3A_418 = arith.constant 384 : i32
    %dma_start3A_419 = arith.constant 0 : i32
    %dma_start3A_420 = tpu.memref_slice %dma_start3A_417[%dma_start3A_418, %dma_start3A_419] : memref<512x64xf32, #tpu.memory_space<vmem>> -> memref<128x64xf32, #tpu.memory_space<vmem>>
    %dma_start3A_421 = arith.constant 0 : i32
    %dma_start3A_422 = tpu.memref_slice %arg5[%dma_start3A_412, %dma_start3A_421] : memref<200x128xi32, #tpu.memory_space<vmem>> -> memref<1x128xi32, #tpu.memory_space<vmem>>
    %dma_start3A_423 = tpu.memref_squeeze %dma_start3A_422 : memref<1x128xi32, #tpu.memory_space<vmem>> -> memref<128xi32, #tpu.memory_space<vmem>>
    %dma_start3A_424 = arith.constant 0 : i32
    %dma_start3A_425 = arith.constant 0 : i32
    %dma_start3A_426 = tpu.memref_slice %arg3[%dma_start3A_424, %dma_start3A_425] : memref<1000000x64xf32, #tpu.memory_space<hbm>> -> memref<1000000x64xf32, #tpu.memory_space<hbm>>
    tpu.enqueue_indirect_dma source(%dma_start3A_426 : memref<1000000x64xf32, #tpu.memory_space<hbm>>) target(%dma_start3A_420 : memref<128x64xf32, #tpu.memory_space<vmem>>) offsets(%dma_start3A_423 : memref<128xi32, #tpu.memory_space<vmem>>) semaphore(%arg8 : memref<!tpu.dma_semaphore, #tpu.memory_space<semaphore_mem>>)
    %dma_wait3A_427 = arith.constant 0 : i32
    %dma_wait3A_428 = arith.constant 0 : i32
    %dma_wait3A_429 = arith.constant 0 : i32
    %dma_wait3A_430 = arith.constant 0 : i32
    %dma_wait3A_431 = tpu.memref_slice %arg6[%dma_wait3A_428, %dma_wait3A_429, %dma_wait3A_430] : memref<3x512x64xf32, #tpu.memory_space<vmem>> -> memref<1x512x64xf32, #tpu.memory_space<vmem>>
    %dma_wait3A_432 = tpu.memref_squeeze %dma_wait3A_431 : memref<1x512x64xf32, #tpu.memory_space<vmem>> -> memref<512x64xf32, #tpu.memory_space<vmem>>
    %dma_wait3A_433 = arith.constant 0 : i32
    %dma_wait3A_434 = tpu.memref_slice %arg5[%dma_wait3A_427, %dma_wait3A_433] : memref<200x128xi32, #tpu.memory_space<vmem>> -> memref<1x128xi32, #tpu.memory_space<vmem>>
    %dma_wait3A_435 = tpu.memref_squeeze %dma_wait3A_434 : memref<1x128xi32, #tpu.memory_space<vmem>> -> memref<128xi32, #tpu.memory_space<vmem>>
    %dma_wait3A_436 = arith.constant 0 : i32
    %dma_wait3A_437 = arith.constant 0 : i32
    %dma_wait3A_438 = tpu.memref_slice %arg3[%dma_wait3A_436, %dma_wait3A_437] : memref<1000000x64xf32, #tpu.memory_space<hbm>> -> memref<1000000x64xf32, #tpu.memory_space<hbm>>
    tpu.wait_indirect_dma semaphore(%arg7 : memref<!tpu.dma_semaphore, #tpu.memory_space<semaphore_mem>>) src(%dma_wait3A_438 : memref<1000000x64xf32, #tpu.memory_space<hbm>>) dst(%dma_wait3A_432 : memref<512x64xf32, #tpu.memory_space<vmem>>)
    %parallel_loop3A_439 = arith.constant 0 : i32
    %parallel_loop3A_440 = arith.constant 512 : i32
    %parallel_loop3A_441 = arith.constant 1 : i32
    scf.for %parallel_loop3A_532 = %parallel_loop3A_439 to %parallel_loop3A_440 step %parallel_loop3A_441  : i32 {
      %parallel_loop3A_533 = arith.constant 0 : i32
      %parallel_loop3A_534 = arith.index_cast %parallel_loop3A_533 : i32 to index
      %parallel_loop3A_535 = arith.index_cast %parallel_loop3A_532 : i32 to index
      %parallel_loop3A_536 = arith.constant 0 : index
      %parallel_loop3A_537 = tpu.vector_load %arg6[%parallel_loop3A_534, %parallel_loop3A_535, %parallel_loop3A_536] {strides = array<i32>} : memref<3x512x64xf32, #tpu.memory_space<vmem>>, vector<1x1x16xf32>,
      %parallel_loop3A_538 = vector.shape_cast %parallel_loop3A_537 : vector<1x1x16xf32> to vector<16xf32>
      %parallel_loop3A_539 = arith.constant 8.000000e+00 : f32
      %parallel_loop3A_540 = vector.broadcast %parallel_loop3A_539 : f32 to vector<16xf32>
      %parallel_loop3A_541 = arith.mulf %parallel_loop3A_538, %parallel_loop3A_540 : vector<16xf32>
      %parallel_loop3A_542 = arith.constant 0 : i32
      %parallel_loop3A_543 = arith.index_cast %parallel_loop3A_542 : i32 to index
      %parallel_loop3A_544 = arith.index_cast %parallel_loop3A_532 : i32 to index
      %parallel_loop3A_545 = arith.constant 0 : index
      %parallel_loop3A_546 = tpu.vector_load %arg6[%parallel_loop3A_543, %parallel_loop3A_544, %parallel_loop3A_545] {strides = array<i32>} : memref<3x512x64xf32, #tpu.memory_space<vmem>>, vector<1x1x16xf32>,
      %parallel_loop3A_547 = vector.shape_cast %parallel_loop3A_546 : vector<1x1x16xf32> to vector<16xf32>
      %parallel_loop3A_548 = vector.shape_cast %parallel_loop3A_541 : vector<16xf32> to vector<1x1x16xf32>
      tpu.vector_store %arg6[%parallel_loop3A_543, %parallel_loop3A_544, %parallel_loop3A_545], %parallel_loop3A_548 {strides = array<i32>} : memref<3x512x64xf32, #tpu.memory_space<vmem>>, vector<1x1x16xf32>,
      %parallel_loop3A_549 = arith.constant 0 : i32
      %parallel_loop3A_550 = arith.index_cast %parallel_loop3A_549 : i32 to index
      %parallel_loop3A_551 = arith.index_cast %parallel_loop3A_532 : i32 to index
      %parallel_loop3A_552 = arith.constant 16 : index
      %parallel_loop3A_553 = tpu.vector_load %arg6[%parallel_loop3A_550, %parallel_loop3A_551, %parallel_loop3A_552] {strides = array<i32>} : memref<3x512x64xf32, #tpu.memory_space<vmem>>, vector<1x1x16xf32>,
      %parallel_loop3A_554 = vector.shape_cast %parallel_loop3A_553 : vector<1x1x16xf32> to vector<16xf32>
      %parallel_loop3A_555 = arith.constant 8.000000e+00 : f32
      %parallel_loop3A_556 = vector.broadcast %parallel_loop3A_555 : f32 to vector<16xf32>
      %parallel_loop3A_557 = arith.mulf %parallel_loop3A_554, %parallel_loop3A_556 : vector<16xf32>
      %parallel_loop3A_558 = arith.constant 0 : i32
      %parallel_loop3A_559 = arith.index_cast %parallel_loop3A_558 : i32 to index
      %parallel_loop3A_560 = arith.index_cast %parallel_loop3A_532 : i32 to index
      %parallel_loop3A_561 = arith.constant 16 : index
      %parallel_loop3A_562 = tpu.vector_load %arg6[%parallel_loop3A_559, %parallel_loop3A_560, %parallel_loop3A_561] {strides = array<i32>} : memref<3x512x64xf32, #tpu.memory_space<vmem>>, vector<1x1x16xf32>,
      %parallel_loop3A_563 = vector.shape_cast %parallel_loop3A_562 : vector<1x1x16xf32> to vector<16xf32>
      %parallel_loop3A_564 = vector.shape_cast %parallel_loop3A_557 : vector<16xf32> to vector<1x1x16xf32>
      tpu.vector_store %arg6[%parallel_loop3A_559, %parallel_loop3A_560, %parallel_loop3A_561], %parallel_loop3A_564 {strides = array<i32>} : memref<3x512x64xf32, #tpu.memory_space<vmem>>, vector<1x1x16xf32>,
      %parallel_loop3A_565 = arith.constant 0 : i32
      %parallel_loop3A_566 = arith.index_cast %parallel_loop3A_565 : i32 to index
      %parallel_loop3A_567 = arith.index_cast %parallel_loop3A_532 : i32 to index
      %parallel_loop3A_568 = arith.constant 32 : index
      %parallel_loop3A_569 = tpu.vector_load %arg6[%parallel_loop3A_566, %parallel_loop3A_567, %parallel_loop3A_568] {strides = array<i32>} : memref<3x512x64xf32, #tpu.memory_space<vmem>>, vector<1x1x16xf32>,
      %parallel_loop3A_570 = vector.shape_cast %parallel_loop3A_569 : vector<1x1x16xf32> to vector<16xf32>
      %parallel_loop3A_571 = arith.constant 8.000000e+00 : f32
      %parallel_loop3A_572 = vector.broadcast %parallel_loop3A_571 : f32 to vector<16xf32>
      %parallel_loop3A_573 = arith.mulf %parallel_loop3A_570, %parallel_loop3A_572 : vector<16xf32>
      %parallel_loop3A_574 = arith.constant 0 : i32
      %parallel_loop3A_575 = arith.index_cast %parallel_loop3A_574 : i32 to index
      %parallel_loop3A_576 = arith.index_cast %parallel_loop3A_532 : i32 to index
      %parallel_loop3A_577 = arith.constant 32 : index
      %parallel_loop3A_578 = tpu.vector_load %arg6[%parallel_loop3A_575, %parallel_loop3A_576, %parallel_loop3A_577] {strides = array<i32>} : memref<3x512x64xf32, #tpu.memory_space<vmem>>, vector<1x1x16xf32>,
      %parallel_loop3A_579 = vector.shape_cast %parallel_loop3A_578 : vector<1x1x16xf32> to vector<16xf32>
      %parallel_loop3A_580 = vector.shape_cast %parallel_loop3A_573 : vector<16xf32> to vector<1x1x16xf32>
      tpu.vector_store %arg6[%parallel_loop3A_575, %parallel_loop3A_576, %parallel_loop3A_577], %parallel_loop3A_580 {strides = array<i32>} : memref<3x512x64xf32, #tpu.memory_space<vmem>>, vector<1x1x16xf32>,
      %parallel_loop3A_581 = arith.constant 0 : i32
      %parallel_loop3A_582 = arith.index_cast %parallel_loop3A_581 : i32 to index
      %parallel_loop3A_583 = arith.index_cast %parallel_loop3A_532 : i32 to index
      %parallel_loop3A_584 = arith.constant 48 : index
      %parallel_loop3A_585 = tpu.vector_load %arg6[%parallel_loop3A_582, %parallel_loop3A_583, %parallel_loop3A_584] {strides = array<i32>} : memref<3x512x64xf32, #tpu.memory_space<vmem>>, vector<1x1x16xf32>,
      %parallel_loop3A_586 = vector.shape_cast %parallel_loop3A_585 : vector<1x1x16xf32> to vector<16xf32>
      %parallel_loop3A_587 = arith.constant 8.000000e+00 : f32
      %parallel_loop3A_588 = vector.broadcast %parallel_loop3A_587 : f32 to vector<16xf32>
      %parallel_loop3A_589 = arith.mulf %parallel_loop3A_586, %parallel_loop3A_588 : vector<16xf32>
      %parallel_loop3A_590 = arith.constant 0 : i32
      %parallel_loop3A_591 = arith.index_cast %parallel_loop3A_590 : i32 to index
      %parallel_loop3A_592 = arith.index_cast %parallel_loop3A_532 : i32 to index
      %parallel_loop3A_593 = arith.constant 48 : index
      %parallel_loop3A_594 = tpu.vector_load %arg6[%parallel_loop3A_591, %parallel_loop3A_592, %parallel_loop3A_593] {strides = array<i32>} : memref<3x512x64xf32, #tpu.memory_space<vmem>>, vector<1x1x16xf32>,
      %parallel_loop3A_595 = vector.shape_cast %parallel_loop3A_594 : vector<1x1x16xf32> to vector<16xf32>
      %parallel_loop3A_596 = vector.shape_cast %parallel_loop3A_589 : vector<16xf32> to vector<1x1x16xf32>
      tpu.vector_store %arg6[%parallel_loop3A_591, %parallel_loop3A_592, %parallel_loop3A_593], %parallel_loop3A_596 {strides = array<i32>} : memref<3x512x64xf32, #tpu.memory_space<vmem>>, vector<1x1x16xf32>,
    } {sc.loop_unroll_factor = 8 : i64, sc.parallel_access}
    %add3A_442 = arith.constant 24576 : i32
    %add3A_443 = arith.addi %mul3A_2, %add3A_442 : i32
    %dma_start3A_444 = arith.constant 0 : i32
    %dma_start3A_445 = arith.constant 0 : i32
    %dma_start3A_446 = arith.constant 0 : i32
    %dma_start3A_447 = tpu.memref_slice %arg6[%dma_start3A_444, %dma_start3A_445, %dma_start3A_446] : memref<3x512x64xf32, #tpu.memory_space<vmem>> -> memref<1x512x64xf32, #tpu.memory_space<vmem>>
    %dma_start3A_448 = tpu.memref_squeeze %dma_start3A_447 : memref<1x512x64xf32, #tpu.memory_space<vmem>> -> memref<512x64xf32, #tpu.memory_space<vmem>>
    %dma_start3A_449 = arith.constant 0 : i32
    %dma_start3A_450 = tpu.memref_slice %arg4[%add3A_443, %dma_start3A_449] : memref<819200x64xf32, #tpu.memory_space<hbm>> -> memref<512x64xf32, #tpu.memory_space<hbm>>
    %dma_start3A_451 = arith.constant 0 : i32
    %dma_start3A_452 = tpu.memref_slice %arg4[%add3A_443, %dma_start3A_451] : memref<819200x64xf32, #tpu.memory_space<hbm>> -> memref<512x64xf32, #tpu.memory_space<hbm>>
    %dma_start3A_453 = arith.constant 0 : i32
    %dma_start3A_454 = arith.constant 0 : i32
    %dma_start3A_455 = tpu.memref_slice %arg6[%dma_start3A_444, %dma_start3A_453, %dma_start3A_454] : memref<3x512x64xf32, #tpu.memory_space<vmem>> -> memref<1x512x64xf32, #tpu.memory_space<vmem>>
    %dma_start3A_456 = tpu.memref_squeeze %dma_start3A_455 : memref<1x512x64xf32, #tpu.memory_space<vmem>> -> memref<512x64xf32, #tpu.memory_space<vmem>>
    tpu.enqueue_dma source(%dma_start3A_456 : memref<512x64xf32, #tpu.memory_space<vmem>>) target(%dma_start3A_452 : memref<512x64xf32, #tpu.memory_space<hbm>>) target_semaphore(%arg10 : memref<!tpu.dma_semaphore, #tpu.memory_space<semaphore_mem>>)
    %dma_wait3A_457 = arith.constant 0 : i32
    %dma_wait3A_458 = arith.constant 1 : i32
    %dma_wait3A_459 = arith.constant 0 : i32
    %dma_wait3A_460 = arith.constant 0 : i32
    %dma_wait3A_461 = tpu.memref_slice %arg6[%dma_wait3A_458, %dma_wait3A_459, %dma_wait3A_460] : memref<3x512x64xf32, #tpu.memory_space<vmem>> -> memref<1x512x64xf32, #tpu.memory_space<vmem>>
    %dma_wait3A_462 = tpu.memref_squeeze %dma_wait3A_461 : memref<1x512x64xf32, #tpu.memory_space<vmem>> -> memref<512x64xf32, #tpu.memory_space<vmem>>
    %dma_wait3A_463 = arith.constant 0 : i32
    %dma_wait3A_464 = tpu.memref_slice %arg5[%dma_wait3A_457, %dma_wait3A_463] : memref<200x128xi32, #tpu.memory_space<vmem>> -> memref<1x128xi32, #tpu.memory_space<vmem>>
    %dma_wait3A_465 = tpu.memref_squeeze %dma_wait3A_464 : memref<1x128xi32, #tpu.memory_space<vmem>> -> memref<128xi32, #tpu.memory_space<vmem>>
    %dma_wait3A_466 = arith.constant 0 : i32
    %dma_wait3A_467 = arith.constant 0 : i32
    %dma_wait3A_468 = tpu.memref_slice %arg3[%dma_wait3A_466, %dma_wait3A_467] : memref<1000000x64xf32, #tpu.memory_space<hbm>> -> memref<1000000x64xf32, #tpu.memory_space<hbm>>
    tpu.wait_indirect_dma semaphore(%arg8 : memref<!tpu.dma_semaphore, #tpu.memory_space<semaphore_mem>>) src(%dma_wait3A_468 : memref<1000000x64xf32, #tpu.memory_space<hbm>>) dst(%dma_wait3A_462 : memref<512x64xf32, #tpu.memory_space<vmem>>)
    %parallel_loop3A_469 = arith.constant 0 : i32
    %parallel_loop3A_470 = arith.constant 512 : i32
    %parallel_loop3A_471 = arith.constant 1 : i32
    scf.for %parallel_loop3A_532 = %parallel_loop3A_469 to %parallel_loop3A_470 step %parallel_loop3A_471  : i32 {
      %parallel_loop3A_533 = arith.constant 1 : i32
      %parallel_loop3A_534 = arith.index_cast %parallel_loop3A_533 : i32 to index
      %parallel_loop3A_535 = arith.index_cast %parallel_loop3A_532 : i32 to index
      %parallel_loop3A_536 = arith.constant 0 : index
      %parallel_loop3A_537 = tpu.vector_load %arg6[%parallel_loop3A_534, %parallel_loop3A_535, %parallel_loop3A_536] {strides = array<i32>} : memref<3x512x64xf32, #tpu.memory_space<vmem>>, vector<1x1x16xf32>,
      %parallel_loop3A_538 = vector.shape_cast %parallel_loop3A_537 : vector<1x1x16xf32> to vector<16xf32>
      %parallel_loop3A_539 = arith.constant 8.000000e+00 : f32
      %parallel_loop3A_540 = vector.broadcast %parallel_loop3A_539 : f32 to vector<16xf32>
      %parallel_loop3A_541 = arith.mulf %parallel_loop3A_538, %parallel_loop3A_540 : vector<16xf32>
      %parallel_loop3A_542 = arith.constant 1 : i32
      %parallel_loop3A_543 = arith.index_cast %parallel_loop3A_542 : i32 to index
      %parallel_loop3A_544 = arith.index_cast %parallel_loop3A_532 : i32 to index
      %parallel_loop3A_545 = arith.constant 0 : index
      %parallel_loop3A_546 = tpu.vector_load %arg6[%parallel_loop3A_543, %parallel_loop3A_544, %parallel_loop3A_545] {strides = array<i32>} : memref<3x512x64xf32, #tpu.memory_space<vmem>>, vector<1x1x16xf32>,
      %parallel_loop3A_547 = vector.shape_cast %parallel_loop3A_546 : vector<1x1x16xf32> to vector<16xf32>
      %parallel_loop3A_548 = vector.shape_cast %parallel_loop3A_541 : vector<16xf32> to vector<1x1x16xf32>
      tpu.vector_store %arg6[%parallel_loop3A_543, %parallel_loop3A_544, %parallel_loop3A_545], %parallel_loop3A_548 {strides = array<i32>} : memref<3x512x64xf32, #tpu.memory_space<vmem>>, vector<1x1x16xf32>,
      %parallel_loop3A_549 = arith.constant 1 : i32
      %parallel_loop3A_550 = arith.index_cast %parallel_loop3A_549 : i32 to index
      %parallel_loop3A_551 = arith.index_cast %parallel_loop3A_532 : i32 to index
      %parallel_loop3A_552 = arith.constant 16 : index
      %parallel_loop3A_553 = tpu.vector_load %arg6[%parallel_loop3A_550, %parallel_loop3A_551, %parallel_loop3A_552] {strides = array<i32>} : memref<3x512x64xf32, #tpu.memory_space<vmem>>, vector<1x1x16xf32>,
      %parallel_loop3A_554 = vector.shape_cast %parallel_loop3A_553 : vector<1x1x16xf32> to vector<16xf32>
      %parallel_loop3A_555 = arith.constant 8.000000e+00 : f32
      %parallel_loop3A_556 = vector.broadcast %parallel_loop3A_555 : f32 to vector<16xf32>
      %parallel_loop3A_557 = arith.mulf %parallel_loop3A_554, %parallel_loop3A_556 : vector<16xf32>
      %parallel_loop3A_558 = arith.constant 1 : i32
      %parallel_loop3A_559 = arith.index_cast %parallel_loop3A_558 : i32 to index
      %parallel_loop3A_560 = arith.index_cast %parallel_loop3A_532 : i32 to index
      %parallel_loop3A_561 = arith.constant 16 : index
      %parallel_loop3A_562 = tpu.vector_load %arg6[%parallel_loop3A_559, %parallel_loop3A_560, %parallel_loop3A_561] {strides = array<i32>} : memref<3x512x64xf32, #tpu.memory_space<vmem>>, vector<1x1x16xf32>,
      %parallel_loop3A_563 = vector.shape_cast %parallel_loop3A_562 : vector<1x1x16xf32> to vector<16xf32>
      %parallel_loop3A_564 = vector.shape_cast %parallel_loop3A_557 : vector<16xf32> to vector<1x1x16xf32>
      tpu.vector_store %arg6[%parallel_loop3A_559, %parallel_loop3A_560, %parallel_loop3A_561], %parallel_loop3A_564 {strides = array<i32>} : memref<3x512x64xf32, #tpu.memory_space<vmem>>, vector<1x1x16xf32>,
      %parallel_loop3A_565 = arith.constant 1 : i32
      %parallel_loop3A_566 = arith.index_cast %parallel_loop3A_565 : i32 to index
      %parallel_loop3A_567 = arith.index_cast %parallel_loop3A_532 : i32 to index
      %parallel_loop3A_568 = arith.constant 32 : index
      %parallel_loop3A_569 = tpu.vector_load %arg6[%parallel_loop3A_566, %parallel_loop3A_567, %parallel_loop3A_568] {strides = array<i32>} : memref<3x512x64xf32, #tpu.memory_space<vmem>>, vector<1x1x16xf32>,
      %parallel_loop3A_570 = vector.shape_cast %parallel_loop3A_569 : vector<1x1x16xf32> to vector<16xf32>
      %parallel_loop3A_571 = arith.constant 8.000000e+00 : f32
      %parallel_loop3A_572 = vector.broadcast %parallel_loop3A_571 : f32 to vector<16xf32>
      %parallel_loop3A_573 = arith.mulf %parallel_loop3A_570, %parallel_loop3A_572 : vector<16xf32>
      %parallel_loop3A_574 = arith.constant 1 : i32
      %parallel_loop3A_575 = arith.index_cast %parallel_loop3A_574 : i32 to index
      %parallel_loop3A_576 = arith.index_cast %parallel_loop3A_532 : i32 to index
      %parallel_loop3A_577 = arith.constant 32 : index
      %parallel_loop3A_578 = tpu.vector_load %arg6[%parallel_loop3A_575, %parallel_loop3A_576, %parallel_loop3A_577] {strides = array<i32>} : memref<3x512x64xf32, #tpu.memory_space<vmem>>, vector<1x1x16xf32>,
      %parallel_loop3A_579 = vector.shape_cast %parallel_loop3A_578 : vector<1x1x16xf32> to vector<16xf32>
      %parallel_loop3A_580 = vector.shape_cast %parallel_loop3A_573 : vector<16xf32> to vector<1x1x16xf32>
      tpu.vector_store %arg6[%parallel_loop3A_575, %parallel_loop3A_576, %parallel_loop3A_577], %parallel_loop3A_580 {strides = array<i32>} : memref<3x512x64xf32, #tpu.memory_space<vmem>>, vector<1x1x16xf32>,
      %parallel_loop3A_581 = arith.constant 1 : i32
      %parallel_loop3A_582 = arith.index_cast %parallel_loop3A_581 : i32 to index
      %parallel_loop3A_583 = arith.index_cast %parallel_loop3A_532 : i32 to index
      %parallel_loop3A_584 = arith.constant 48 : index
      %parallel_loop3A_585 = tpu.vector_load %arg6[%parallel_loop3A_582, %parallel_loop3A_583, %parallel_loop3A_584] {strides = array<i32>} : memref<3x512x64xf32, #tpu.memory_space<vmem>>, vector<1x1x16xf32>,
      %parallel_loop3A_586 = vector.shape_cast %parallel_loop3A_585 : vector<1x1x16xf32> to vector<16xf32>
      %parallel_loop3A_587 = arith.constant 8.000000e+00 : f32
      %parallel_loop3A_588 = vector.broadcast %parallel_loop3A_587 : f32 to vector<16xf32>
      %parallel_loop3A_589 = arith.mulf %parallel_loop3A_586, %parallel_loop3A_588 : vector<16xf32>
      %parallel_loop3A_590 = arith.constant 1 : i32
      %parallel_loop3A_591 = arith.index_cast %parallel_loop3A_590 : i32 to index
      %parallel_loop3A_592 = arith.index_cast %parallel_loop3A_532 : i32 to index
      %parallel_loop3A_593 = arith.constant 48 : index
      %parallel_loop3A_594 = tpu.vector_load %arg6[%parallel_loop3A_591, %parallel_loop3A_592, %parallel_loop3A_593] {strides = array<i32>} : memref<3x512x64xf32, #tpu.memory_space<vmem>>, vector<1x1x16xf32>,
      %parallel_loop3A_595 = vector.shape_cast %parallel_loop3A_594 : vector<1x1x16xf32> to vector<16xf32>
      %parallel_loop3A_596 = vector.shape_cast %parallel_loop3A_589 : vector<16xf32> to vector<1x1x16xf32>
      tpu.vector_store %arg6[%parallel_loop3A_591, %parallel_loop3A_592, %parallel_loop3A_593], %parallel_loop3A_596 {strides = array<i32>} : memref<3x512x64xf32, #tpu.memory_space<vmem>>, vector<1x1x16xf32>,
    } {sc.loop_unroll_factor = 8 : i64, sc.parallel_access}
    %add3A_472 = arith.constant 25088 : i32
    %add3A_473 = arith.addi %mul3A_2, %add3A_472 : i32
    %dma_start3A_474 = arith.constant 1 : i32
    %dma_start3A_475 = arith.constant 0 : i32
    %dma_start3A_476 = arith.constant 0 : i32
    %dma_start3A_477 = tpu.memref_slice %arg6[%dma_start3A_474, %dma_start3A_475, %dma_start3A_476] : memref<3x512x64xf32, #tpu.memory_space<vmem>> -> memref<1x512x64xf32, #tpu.memory_space<vmem>>
    %dma_start3A_478 = tpu.memref_squeeze %dma_start3A_477 : memref<1x512x64xf32, #tpu.memory_space<vmem>> -> memref<512x64xf32, #tpu.memory_space<vmem>>
    %dma_start3A_479 = arith.constant 0 : i32
    %dma_start3A_480 = tpu.memref_slice %arg4[%add3A_473, %dma_start3A_479] : memref<819200x64xf32, #tpu.memory_space<hbm>> -> memref<512x64xf32, #tpu.memory_space<hbm>>
    %dma_start3A_481 = arith.constant 0 : i32
    %dma_start3A_482 = tpu.memref_slice %arg4[%add3A_473, %dma_start3A_481] : memref<819200x64xf32, #tpu.memory_space<hbm>> -> memref<512x64xf32, #tpu.memory_space<hbm>>
    %dma_start3A_483 = arith.constant 0 : i32
    %dma_start3A_484 = arith.constant 0 : i32
    %dma_start3A_485 = tpu.memref_slice %arg6[%dma_start3A_474, %dma_start3A_483, %dma_start3A_484] : memref<3x512x64xf32, #tpu.memory_space<vmem>> -> memref<1x512x64xf32, #tpu.memory_space<vmem>>
    %dma_start3A_486 = tpu.memref_squeeze %dma_start3A_485 : memref<1x512x64xf32, #tpu.memory_space<vmem>> -> memref<512x64xf32, #tpu.memory_space<vmem>>
    tpu.enqueue_dma source(%dma_start3A_486 : memref<512x64xf32, #tpu.memory_space<vmem>>) target(%dma_start3A_482 : memref<512x64xf32, #tpu.memory_space<hbm>>) target_semaphore(%arg11 : memref<!tpu.dma_semaphore, #tpu.memory_space<semaphore_mem>>)
    %dma_wait3A_487 = arith.constant 0 : i32
    %dma_wait3A_488 = arith.constant 0 : i32
    %dma_wait3A_489 = arith.constant 0 : i32
    %dma_wait3A_490 = tpu.memref_slice %arg6[%dma_wait3A_487, %dma_wait3A_488, %dma_wait3A_489] : memref<3x512x64xf32, #tpu.memory_space<vmem>> -> memref<1x512x64xf32, #tpu.memory_space<vmem>>
    %dma_wait3A_491 = tpu.memref_squeeze %dma_wait3A_490 : memref<1x512x64xf32, #tpu.memory_space<vmem>> -> memref<512x64xf32, #tpu.memory_space<vmem>>
    %dma_wait3A_492 = arith.constant 0 : i32
    %dma_wait3A_493 = arith.constant 0 : i32
    %dma_wait3A_494 = tpu.memref_slice %arg4[%dma_wait3A_492, %dma_wait3A_493] : memref<819200x64xf32, #tpu.memory_space<hbm>> -> memref<512x64xf32, #tpu.memory_space<hbm>>
    %dma_wait3A_495 = arith.constant 0 : i32
    %dma_wait3A_496 = arith.constant 0 : i32
    %dma_wait3A_497 = tpu.memref_slice %arg4[%dma_wait3A_495, %dma_wait3A_496] : memref<819200x64xf32, #tpu.memory_space<hbm>> -> memref<512x64xf32, #tpu.memory_space<hbm>>
    %dma_wait3A_498 = arith.constant 0 : i32
    %dma_wait3A_499 = arith.constant 0 : i32
    %dma_wait3A_500 = tpu.memref_slice %arg6[%dma_wait3A_487, %dma_wait3A_498, %dma_wait3A_499] : memref<3x512x64xf32, #tpu.memory_space<vmem>> -> memref<1x512x64xf32, #tpu.memory_space<vmem>>
    %dma_wait3A_501 = tpu.memref_squeeze %dma_wait3A_500 : memref<1x512x64xf32, #tpu.memory_space<vmem>> -> memref<512x64xf32, #tpu.memory_space<vmem>>
    tpu.wait_dma2 semaphore(%arg10 : memref<!tpu.dma_semaphore, #tpu.memory_space<semaphore_mem>>) src(%dma_wait3A_501 : memref<512x64xf32, #tpu.memory_space<vmem>>) dst(%dma_wait3A_497 : memref<512x64xf32, #tpu.memory_space<hbm>>)
    %dma_wait3A_502 = arith.constant 1 : i32
    %dma_wait3A_503 = arith.constant 0 : i32
    %dma_wait3A_504 = arith.constant 0 : i32
    %dma_wait3A_505 = tpu.memref_slice %arg6[%dma_wait3A_502, %dma_wait3A_503, %dma_wait3A_504] : memref<3x512x64xf32, #tpu.memory_space<vmem>> -> memref<1x512x64xf32, #tpu.memory_space<vmem>>
    %dma_wait3A_506 = tpu.memref_squeeze %dma_wait3A_505 : memref<1x512x64xf32, #tpu.memory_space<vmem>> -> memref<512x64xf32, #tpu.memory_space<vmem>>
    %dma_wait3A_507 = arith.constant 0 : i32
    %dma_wait3A_508 = arith.constant 0 : i32
    %dma_wait3A_509 = tpu.memref_slice %arg4[%dma_wait3A_507, %dma_wait3A_508] : memref<819200x64xf32, #tpu.memory_space<hbm>> -> memref<512x64xf32, #tpu.memory_space<hbm>>
    %dma_wait3A_510 = arith.constant 0 : i32
    %dma_wait3A_511 = arith.constant 0 : i32
    %dma_wait3A_512 = tpu.memref_slice %arg4[%dma_wait3A_510, %dma_wait3A_511] : memref<819200x64xf32, #tpu.memory_space<hbm>> -> memref<512x64xf32, #tpu.memory_space<hbm>>
    %dma_wait3A_513 = arith.constant 0 : i32
    %dma_wait3A_514 = arith.constant 0 : i32
    %dma_wait3A_515 = tpu.memref_slice %arg6[%dma_wait3A_502, %dma_wait3A_513, %dma_wait3A_514] : memref<3x512x64xf32, #tpu.memory_space<vmem>> -> memref<1x512x64xf32, #tpu.memory_space<vmem>>
    %dma_wait3A_516 = tpu.memref_squeeze %dma_wait3A_515 : memref<1x512x64xf32, #tpu.memory_space<vmem>> -> memref<512x64xf32, #tpu.memory_space<vmem>>
    tpu.wait_dma2 semaphore(%arg11 : memref<!tpu.dma_semaphore, #tpu.memory_space<semaphore_mem>>) src(%dma_wait3A_516 : memref<512x64xf32, #tpu.memory_space<vmem>>) dst(%dma_wait3A_512 : memref<512x64xf32, #tpu.memory_space<hbm>>)
    %dma_wait3A_517 = arith.constant 2 : i32
    %dma_wait3A_518 = arith.constant 0 : i32
    %dma_wait3A_519 = arith.constant 0 : i32
    %dma_wait3A_520 = tpu.memref_slice %arg6[%dma_wait3A_517, %dma_wait3A_518, %dma_wait3A_519] : memref<3x512x64xf32, #tpu.memory_space<vmem>> -> memref<1x512x64xf32, #tpu.memory_space<vmem>>
    %dma_wait3A_521 = tpu.memref_squeeze %dma_wait3A_520 : memref<1x512x64xf32, #tpu.memory_space<vmem>> -> memref<512x64xf32, #tpu.memory_space<vmem>>
    %dma_wait3A_522 = arith.constant 0 : i32
    %dma_wait3A_523 = arith.constant 0 : i32
    %dma_wait3A_524 = tpu.memref_slice %arg4[%dma_wait3A_522, %dma_wait3A_523] : memref<819200x64xf32, #tpu.memory_space<hbm>> -> memref<512x64xf32, #tpu.memory_space<hbm>>
    %dma_wait3A_525 = arith.constant 0 : i32
    %dma_wait3A_526 = arith.constant 0 : i32
    %dma_wait3A_527 = tpu.memref_slice %arg4[%dma_wait3A_525, %dma_wait3A_526] : memref<819200x64xf32, #tpu.memory_space<hbm>> -> memref<512x64xf32, #tpu.memory_space<hbm>>
    %dma_wait3A_528 = arith.constant 0 : i32
    %dma_wait3A_529 = arith.constant 0 : i32
    %dma_wait3A_530 = tpu.memref_slice %arg6[%dma_wait3A_517, %dma_wait3A_528, %dma_wait3A_529] : memref<3x512x64xf32, #tpu.memory_space<vmem>> -> memref<1x512x64xf32, #tpu.memory_space<vmem>>
    %dma_wait3A_531 = tpu.memref_squeeze %dma_wait3A_530 : memref<1x512x64xf32, #tpu.memory_space<vmem>> -> memref<512x64xf32, #tpu.memory_space<vmem>>
    tpu.wait_dma2 semaphore(%arg12 : memref<!tpu.dma_semaphore, #tpu.memory_space<semaphore_mem>>) src(%dma_wait3A_531 : memref<512x64xf32, #tpu.memory_space<vmem>>) dst(%dma_wait3A_527 : memref<512x64xf32, #tpu.memory_space<hbm>>)
    return
  }
}

</mosaic_0001>

<sc_bundles>
// kernel: kernel.3.cloned.1.call-start
scs
__scs_entry_jumppad:
0x0: {  	(pc) =	sbr.rel $0x88, $3  }
0x1: {  	(tag) =	ssettag $0x0;
	lr =	simm.s32 $0x1  }
0x2: {  	[smem:$0x3F9F] =	sst lr;
	_ =	strace $0xD0000000  }
0x3: {  	_ = 	snop  }
0x4: {  	_ = 	snop  }
0x5: {  	_ = 	snop  }
0x6: {  	_ = 	snop  }
0x7: {  	_ = 	snop  }
__scs_overlays_trampoline_lowered:
0x8: {  	[smem:$0x3FAE] =	sst s0  }
0x9: {  	[smem:$0x3FAF] =	sst s1  }
0xa: {  	[smem:$0x3FB0] =	sst s2  }
0xb: {  	[smem:$0x3FB1] =	sst s3  }
0xc: {  	[smem:$0x3FB2] =	sst s4  }
0xd: {  	[smem:$0x3FB3] =	sst s5  }
0xe: {  	[smem:$0x3FB4] =	sst s6  }
0xf: {  	[smem:$0x3FB5] =	sst s7  }
0x10: {  	[smem:$0x3FB6] =	sst s8  }
0x11: {  	[smem:$0x3FB7] =	sst s9;
	s0 =	simm.s32 @!p0 $0x0  }
0x12: {  	s1 =	sld [smem:$0x3F9D];
	s0 =	simm.s32 @p0 $0x1  }
0x13: {  	[smem:$0x3FB8] =	sst s0;
	s0 =	simm.s32 @!p1 $0x0  }
0x14: {  	s2 =	sld [smem:$0x3F9C];
	s0 =	simm.s32 @p1 $0x1  }
0x15: {  	[smem:$0x3FB9] =	sst s0;
	s0 =	simm.s32 @!p2 $0x0  }
0x16: {  	s3 =	sld [smem:$0x3FDB];
	s0 =	simm.s32 @p2 $0x1  }
0x17: {  	s4 =	simm.s32 $0x1BF5;
	[smem:$0x3FBB] =	sst s0  }
0x18: {  	s0 =	sld [smem:$0x3F9E];
	_ =	swait.ge [sflag:s4], $0x0  }
0x19: {  	s7 =	sld [smem:$0x3F9F]  }
0x1a: {  	s8 =	sadd.s32 $0xFFFFE003, lr  }
0x1b: {  	s9 =	sadd.s32 $0xFFFFFEF7, lr;
	s5 =	simm.s32 $0xFFFFFFFF;
	p2 =	slt.u32 s8, $0xFFFFF086  }
0x1c: {  	p1 =	slt.u32 s9, $0xF7A;
	s5 =	simm.s32 @!p2 $0x0  }
0x1d: {  	s5 =	simm.s32 @p1 $0x1;
	p0 =	seq.s32 s7, s2  }
0x1e: {  	s7 =	smul.u32 @!p0 $0xF7A, s2;
	p2 =	seq.s32 @!p0 s5, $0x0  }
0x1f: {  	s9 =	smul.u32 $0xF7A, s1;
	s8 =	simm.s32 @!p0 $0x1BF5;
	p2 =	por !p2, p0  }
0x20: {  	[sflag:s8] =	ssyncset.s32 @!p0 $0xFFFFF086;
	s6 =	sadd.s32 @!p0 s3, s7;
	s7 =	simm.s32 @!p0 $0x108  }
0x21: {  	s3 =	sadd.s32 s3, s9;
	s6 =	sadd.s32 @!p0 $0x88, s6;
	s7 =	simm.s32 @p2 $0x1082  }
0x22: {  	[simem:s7], [sflag:s8] =	dma.local @!p0 [hbm:s6], $0xF7A  }
0x23: {  	s9 =	sor.u32 $0xD0000000, s2;
	s6 =	simm.s32 $0x108;
	_ =	swait.ge @!p0 [sflag:s8], $0x0  }
0x24: {  	s3 =	sadd.s32 $0x88, s3;
	s6 =	simm.s32 @!p1 $0x1082;
	[sflag:s4] =	ssyncset.s32 $0xFFFFF086  }
0x25: {  	[simem:s6], [sflag:s4] =	dma.local [hbm:s3], $0xF7A  }
0x26: {  	[smem:$0x3F9F] =	sst s1;
	(tag) =	ssettag s2;
	_ =	strace s9  }
0x27: {  	s1 =	sld [smem:$0x3FAF]  }
0x28: {  	s2 =	sld [smem:$0x3FB0]  }
0x29: {  	s4 =	sld [smem:$0x3FB2]  }
0x2a: {  	p0 =	seq.s32 s5, $0x0;
	s5 =	sld [smem:$0x3FB3]  }
0x2b: {  	s6 =	sld [smem:$0x3FB4]  }
0x2c: {  	s7 =	sld [smem:$0x3FB5]  }
0x2d: {  	s3 =	simm.s32 $0x108;
	s8 =	sld [smem:$0x3FB6]  }
0x2e: {  	s3 =	simm.s32 @!p0 $0x1082;
	s9 =	sld [smem:$0x3FB7]  }
0x2f: {  	lr =	sadd.s32 s0, s3;
	s0 =	sld [smem:$0x3FAE]  }
0x30: {  	s3 =	sld [smem:$0x3FB1]  }
0x31: {  	[smem:$0x3FBA] =	sst s10  }
0x32: {  	s10 =	sld [smem:$0x3FB8];
	_ =	sdelay $0x3  }
0x33: {  	p0 =	seq.s32 s10, $0x1;
	s10 =	sld [smem:$0x3FBA];
	_ =	sdelay $0x3  }
0x34: {  	[smem:$0x3FBA] =	sst s10  }
0x35: {  	s10 =	sld [smem:$0x3FB9];
	_ =	sdelay $0x3  }
0x36: {  	p1 =	seq.s32 s10, $0x1;
	s10 =	sld [smem:$0x3FBA];
	_ =	sdelay $0x3  }
0x37: {  	[smem:$0x3FBA] =	sst s10  }
0x38: {  	s10 =	sld [smem:$0x3FBB]  }
0x39: {  	_ = 	snop;
	(pc) =	sbr.ind lr, $3  }
0x3a: {  	_ = 	snop  }
0x3b: {  	_ = 	snop  }
0x3c: {  	p2 =	seq.s32 s10, $0x1;
	s10 =	sld [smem:$0x3FBA]  }
0x3d: {  	_ =	shalt  }
0x3e: {  	_ =	shalt  }
0x3f: {  	_ =	shalt  }
0x40: {  	_ =	shalt  }
0x41: {  	_ =	shalt  }
0x42: {  	_ =	shalt  }
0x43: {  	_ =	shalt  }
0x44: {  	_ =	shalt  }
0x45: {  	_ =	shalt  }
0x46: {  	_ =	shalt  }
0x47: {  	_ =	shalt  }
0x48: {  	_ =	shalt  }
0x49: {  	_ =	shalt  }
0x4a: {  	_ =	shalt  }
0x4b: {  	_ =	shalt  }
0x4c: {  	_ =	shalt  }
0x4d: {  	_ =	shalt  }
0x4e: {  	_ =	shalt  }
0x4f: {  	_ =	shalt  }
0x50: {  	_ =	shalt  }
0x51: {  	_ =	shalt  }
0x52: {  	_ =	shalt  }
0x53: {  	_ =	shalt  }
0x54: {  	_ =	shalt  }
0x55: {  	_ =	shalt  }
0x56: {  	_ =	shalt  }
0x57: {  	_ =	shalt  }
0x58: {  	_ =	shalt  }
0x59: {  	_ =	shalt  }
0x5a: {  	_ =	shalt  }
0x5b: {  	_ =	shalt  }
0x5c: {  	_ =	shalt  }
0x5d: {  	_ =	shalt  }
0x5e: {  	_ =	shalt  }
0x5f: {  	_ =	shalt  }
0x60: {  	_ =	shalt  }
0x61: {  	_ =	shalt  }
0x62: {  	_ =	shalt  }
0x63: {  	_ =	shalt  }
0x64: {  	_ =	shalt  }
0x65: {  	_ =	shalt  }
0x66: {  	_ =	shalt  }
0x67: {  	_ =	shalt  }
0x68: {  	_ =	shalt  }
0x69: {  	_ =	shalt  }
0x6a: {  	_ =	shalt  }
0x6b: {  	_ =	shalt  }
0x6c: {  	_ =	shalt  }
0x6d: {  	_ =	shalt  }
0x6e: {  	_ =	shalt  }
0x6f: {  	_ =	shalt  }
0x70: {  	_ =	shalt  }
0x71: {  	_ =	shalt  }
0x72: {  	_ =	shalt  }
0x73: {  	_ =	shalt  }
0x74: {  	_ =	shalt  }
0x75: {  	_ =	shalt  }
0x76: {  	_ =	shalt  }
0x77: {  	_ =	shalt  }
0x78: {  	_ =	shalt  }
0x79: {  	_ =	shalt  }
0x7a: {  	_ =	shalt  }
0x7b: {  	_ =	shalt  }
0x7c: {  	_ =	shalt  }
0x7d: {  	_ =	shalt  }
0x7e: {  	_ =	shalt  }
0x7f: {  	_ =	shalt  }
0x80: {  	_ =	shalt  }
0x81: {  	_ =	shalt  }
0x82: {  	_ =	shalt  }
0x83: {  	_ =	shalt  }
0x84: {  	_ =	shalt  }
0x85: {  	_ =	shalt  }
0x86: {  	_ =	shalt  }
0x87: {  	_ =	shalt  }
.Lfunc_end0:
.L_simem_size_0:
called_computation.1_lowered:
.L_overlay_start_0:
0x88: {  	s2 =	sld [smem:$0x3FD9]  }
0x89: {  	s3 =	sld [smem:$0x3FFE];
	_ =	sdelay $0x1  }
0x8a: {  	s1 =	srdreg.scid  }
0x8b: {  	s0 =	sand.u32 $0x1, s1  }
0x8c: {  	s17 =	sshll.u32 s0, $0xA;
	s2 =	sadd.s32 s3, s2  }
0x8d: {  	s2 =	sadd.s32 s2, s17  }
0x8e: {  	[smem:$0x3FC6] =	sst s2  }
0x8f: {  	_ = 	snop  }
0x90: {  	s2 =	sld [smem:$0x3FD0];
	(tm) =	ssettm $0x1  }
0x91: {  	s18 =	sld [smem:$0x3FFB];
	_ =	sdelay $0x3  }
0x92: {  	_ =	strace s18  }
0x93: {  	s3 =	sld [smem:$0x3FFC];
	_ =	sdelay $0x3  }
0x94: {  	_ =	strace s3  }
0x95: {  	s3 =	sld [smem:$0x3FFD];
	_ =	sdelay $0x3  }
0x96: {  	_ =	strace s3  }
0x97: {  	_ =	strace $0x8FFFFFFF  }
0x98: {  	s19 =	sld [smem:$0x3FDB];
	_ =	sdelay $0x1  }
0x99: {  	s4 =	simm.s32 $_scs_section_size  }
0x9a: {  	s5 =	simm.s32 $_size__tile_overlayer_lowered;
	s6 =	simm.s32 $_tile_overlayer_lowered  }
0x9b: {  	s22 =	simm.s32 $0x1BFF;
	s21 =	sshll.u32 s6, $0x1;
	s3 =	sadd.s32 s4, s19  }
0x9c: {  	s7 =	simm.s32 $0x0;
	s20 =	sshll.u32 s5, $0x1;
	s5 =	sadd.s32 s21, s3  }
0x9d: {  	[timem:s7], [sflag:s22] =	dma.local [hbm:s5], s20  }
0x9e: {  	_ =	swait.ge [sflag:s22], s20  }
0x9f: {  	s4 =	ssub.s32 $0x0, s20;
	[sflag:s22] =	ssyncset.done $0x0  }
0xa0: {  	[sflag:s22] =	ssyncadd.s32 s4;
	_ =	sdelay $0x1  }
0xa1: {  	s23 =	simm.s32 $0x1B8B  }
0xa2: {  	_ =	swait.ge [sflag:s23], $0x1  }
0xa3: {  	[sflag:s23] =	ssyncset.done $0x0  }
0xa4: {  	s25 =	simm.s32 $0x1B8E;
	s24 =	sld [smem:$0x3FFE];
	[sflag:s23] =	ssyncadd.s32 $0xFFFFFFFF  }
0xa5: {  	s26 =	simm.s32 $execute0_lowered;
	[smem:$0x3FD2] =	sst s25  }
0xa6: {  	s5 =	sshll.u32 s26, $0x1;
	_ =	strace $0x80000046;
	[dreg:$0x1] =	wrdreg $0xFFFFFFFF  }
0xa7: {  	s28 =	simm.s32 $_size_execute0_lowered;
	s3 =	sadd.s32 s3, s5;
	[dreg:$0x0] =	wrdreg $0x0  }
0xa8: {  	s5 =	sshll.u32 s28, $0x1;
	[dreg:$0x2] =	wrdreg s3  }
0xa9: {  	[dreg:$0x3] =	wrdreg s5  }
0xaa: {  	[dreg:$0x4] =	wrdreg $0xC0  }
0xab: {  	_ =	task [dreg:s7], $0x5FFFF  }
0xac: {  	[dreg:$0x1] =	wrdreg $0xFFFFFFFF  }
0xad: {  	[dreg:$0x0] =	wrdreg $0x60  }
0xae: {  	[dreg:$0x2] =	wrdreg s24  }
0xaf: {  	[dreg:$0x3] =	wrdreg s2  }
0xb0: {  	[dreg:$0x4] =	wrdreg $0x9  }
0xb1: {  	_ =	task.clear_ibuf [dreg:s7], $0x5FFFF;
	_ =	strace $0x90000046  }
0xb2: {  	s29 =	simm.s32 $0x9;
	_ =	strace $0x80000048  }
0xb3: {  	_ =	swait.ge [sflag:s29], $0x1  }
0xb4: {  	[sflag:s29] =	ssyncadd.s32 $0xFFFFFFFF  }
0xb5: {  	_ =	strace $0x90000048  }
0xb6: {  	_ =	sfence  }
0xb7: {  	s30 =	sld [smem:$0x0];
	_ =	sdelay $0x2  }
0xb8: {  	s31 =	sshll.u32 s1, $0xD;
	s1 =	sshrl.u32 s1, $0x2  }
0xb9: {  	s3 =	sand.u32 $0x4000, s31;
	s1 =	sadd.s32 s1, s30  }
0xba: {  	s0 =	sor.u32 s3, s0;
	s1 =	sshll.u32 s1, $0x11  }
0xbb: {  	s0 =	sor.u32 s1, s0  }
0xbc: {  	s0 =	sadd.s32 $0x8F2B, s0  }
0xbd: {  	[sflag:s0] =	ssyncadd.remote.s32 $0x1  }
0xbe: {  	_ =	sfence.sel $0xFFFF  }
0xbf: {  	[dreg:$0x0] =	wrdreg $0xFFFFFFFF;
	(pc) =	sbr.abs _section_cstart, $3  }
0xc0: {  	[dreg:$0x1] =	wrdreg $0xFFFFFFFF  }
0xc1: {  	_ =	task.clear_ibuf [dreg:s7], $0x2FFFF;
	_ =	strace $0x9FFFFFFF  }
0xc2: {  	(tm) =	ssettm $0x7FFFFFFF  }
0xc3: {  	_ =	shalt  }
tec
execute0_lowered:
.L_overlay_start_1:
0x0: {  	(tag) =	ssettag $0x1  }
0x1: {  	s0 =	srdreg.scid  }
0x2: {  	s2 =	stileid.u32;
	s1 =	rddreg [dreg:$0x0]  }
0x3: {  	s16 =	simm.s32 $0x80;
	s17 =	simm.s32 $0x6400;
	s18 =	simm.s32 $0x8400  }
0x4: {  	s20 =	simm.s32 $0xA400;
	s29 =	simm.s32 $0x12400;
	s31 =	simm.s32 $0x14400  }
0x5: {  	s19 =	simm.s32 $0x16400;
	s0 =	sand.u32 $0x1, s0;
	s3 =	sshll.u32 s2, $0x1  }
0x6: {  	s28 =	simm.s32 $0x1A400;
	s30 =	simm.s32 $0x3;
	s6 =	sor.u32 s0, s3  }
0x7: {  	s11 =	simm.s32 $0x0;
	s2 =	rddreg [dreg:$0x1];
	s5 =	smul.u32 $0xC80, s6  }
0x8: {  	s3 =	simm.s32 $0x0;
	s0 =	ssub.s32 $0x2, s0;
	s7 =	smul.u32 $0x32000, s6  }
0x9: {  	[smem:$0x7FF] =	sst s3;
	s8 =	sshrl.u32 s0, $0x1;
	s4 =	smul.u32 $0x190000, s6  }
0xa: {  	s21 =	smul.u32 $0x6400, s6;
	_ =	strace $0x80000047;
	s0 =	ssub.s32 s0, s8  }
0xb: {  	s8 =	simm.s32 $0x6;
	s9 =	sadd.s32 s5, s1;
	s5 =	sadd.s32 $0xF42E00, s1  }
0xc: {  	s7 =	sadd.s32 s2, s7;
	s22 =	sshrl.u32 s4, $0x3;
	s10 =	sadd.s32 $0x600, s21  }
0xd: {  	s0 =	smax.u32 s0, $0x1;
	s1 =	simm.s32 $0x1;
	[dreg:$0x3] =	wrdreg s7  }
0xe: {  	s23 =	sadd.s32 $0xA00, s9;
	s7 =	sadd.s32 $0x1000, s7;
	[dreg:$0x9] =	wrdreg s0  }
0xf: {  	s6 =	sadd.s32 s2, s22;
	s9 =	sadd.s32 $0x400, s21;
	[dreg:$0x4] =	wrdreg s23  }
0x10: {  	s22 =	simm.s32 $0xC400;
	[dreg:$0x5] =	wrdreg s7;
	s24 =	sadd.s32 $0x2F000, s6  }
0x11: {  	s0 =	simm.s32 $0x1C400;
	s25 =	sadd.s32 $0x30000, s6;
	[dreg:$0x6] =	wrdreg s24  }
0x12: {  	s21 =	simm.s32 $0x2;
	s26 =	sadd.s32 $0x31000, s6;
	[dreg:$0x7] =	wrdreg s25  }
0x13: {  	s23 =	simm.s32 $0x18400;
	s7 =	simm.s32 $0x5;
	[dreg:$0x8] =	wrdreg s26  }
0x14: {  	s24 =	simm.s32 $0xE400;
	s26 =	simm.s32 $0x10400;
	s25 =	simm.s32 $0x4  }
.LBB2_1:
0x15: {  	s6 =	rddreg [dreg:$0x4];
	s13 =	simm.s32 $0x7  }
0x16: {  	[tilespmem:s3], [sflag:$0x7] =	stream.linear.gather [hbm4b:s6+s3], $0x6400, $0x38;
	[tilespmem:$0x1E400] =	vst v63  }
0x17: {  	_ =	swait.ge [sflag:s13], $0x6400  }
0x18: {  	[sflag:s13] =	ssyncset.done $0x0  }
0x19: {  	[sflag:s13] =	ssyncadd.s32 $0xFFFF9C00  }
0x1a: {  	[tilespmem:s17], [sflag:$0x1] =	stream.indirect.gather [hbm4b:s5+s16], $0x40, s3, s16, $0xb8;
	[tilespmem:$0x1E400] =	vst v63  }
0x1b: {  	_ = 	snop  }
0x1c: {  	[tilespmem:s18], [sflag:$0x1] =	stream.indirect.gather [hbm4b:s5+s16], $0x40, s16, s16, $0xb8;
	[tilespmem:$0x1E400] =	vst v63  }
0x1d: {  	s14 =	simm.s32 $0x100  }
0x1e: {  	[tilespmem:s20], [sflag:$0x1] =	stream.indirect.gather [hbm4b:s5+s16], $0x40, s14, s16, $0xb8;
	[tilespmem:$0x1E400] =	vst v63  }
0x1f: {  	s15 =	simm.s32 $0x180  }
0x20: {  	[tilespmem:s22], [sflag:$0x1] =	stream.indirect.gather [hbm4b:s5+s16], $0x40, s15, s16, $0xb8;
	[tilespmem:$0x1E400] =	vst v63  }
0x21: {  	s12 =	simm.s32 $0x200  }
0x22: {  	[tilespmem:s24], [sflag:$0x2] =	stream.indirect.gather [hbm4b:s5+s16], $0x40, s12, s16, $0xb8;
	[tilespmem:$0x1E400] =	vst v63  }
0x23: {  	s13 =	simm.s32 $0x280  }
0x24: {  	[tilespmem:s26], [sflag:$0x2] =	stream.indirect.gather [hbm4b:s5+s16], $0x40, s13, s16, $0xb8;
	[tilespmem:$0x1E400] =	vst v63  }
0x25: {  	s14 =	simm.s32 $0x300  }
0x26: {  	[tilespmem:s29], [sflag:$0x2] =	stream.indirect.gather [hbm4b:s5+s16], $0x40, s14, s16, $0xb8;
	[tilespmem:$0x1E400] =	vst v63  }
0x27: {  	s15 =	simm.s32 $0x380  }
0x28: {  	[tilespmem:s31], [sflag:$0x2] =	stream.indirect.gather [hbm4b:s5+s16], $0x40, s15, s16, $0xb8;
	[tilespmem:$0x1E400] =	vst v63  }
0x29: {  	_ =	swait.ge [sflag:s1], $0x8000  }
0x2a: {  	[sflag:s1] =	ssyncset.done $0x0  }
0x2b: {  	s6 =	simm.s32 $0x6500;
	[sflag:s1] =	ssyncadd.s32 $0xFFFF8000  }
0x2c: {  	v0 =	vld [tilespmem:s6+$0xF0]  }
0x2d: {  	v1 =	vld [tilespmem:s6+$0xFFFFFF10]  }
0x2e: {  	v2 =	vld [tilespmem:s6+$0xFFFFFF20]  }
0x2f: {  	v3 =	vld [tilespmem:s6+$0xFFFFFF30]  }
0x30: {  	v4 =	vld [tilespmem:s6+$0xFFFFFF40]  }
0x31: {  	v5 =	vld [tilespmem:s6+$0xFFFFFF50];
	v0 =	vmul.f32 $8.000000000e+00, v0  }
0x32: {  	v6 =	vld [tilespmem:s6+$0xFFFFFF60];
	v1 =	vmul.f32 $8.000000000e+00, v1  }
0x33: {  	v7 =	vld [tilespmem:s6+$0xFFFFFF70];
	v2 =	vmul.f32 $8.000000000e+00, v2;
	[tilespmem:s6+$0xF0] =	vst v0  }
0x34: {  	[tilespmem:s6+$0xFFFFFF10] =	vst v1;
	v0 =	vmul.f32 $8.000000000e+00, v3;
	v1 =	vld [tilespmem:s6+$0xFFFFFF80]  }
0x35: {  	[tilespmem:s6+$0xFFFFFF20] =	vst v2;
	v2 =	vmul.f32 $8.000000000e+00, v4;
	v3 =	vld [tilespmem:s6+$0xFFFFFF90]  }
0x36: {  	v4 =	vld [tilespmem:s6+$0xFFFFFFA0];
	[tilespmem:s6+$0xFFFFFF30] =	vst v0;
	v0 =	vmul.f32 $8.000000000e+00, v5  }
0x37: {  	[tilespmem:s6+$0xFFFFFF40] =	vst v2;
	v2 =	vmul.f32 $8.000000000e+00, v6;
	v5 =	vld [tilespmem:s6+$0xFFFFFFB0]  }
0x38: {  	v6 =	vld [tilespmem:s6+$0xFFFFFFC0];
	[tilespmem:s6+$0xFFFFFF50] =	vst v0;
	v0 =	vmul.f32 $8.000000000e+00, v7  }
0x39: {  	[tilespmem:s6+$0xFFFFFF60] =	vst v2;
	v2 =	vld [tilespmem:s6+$0xFFFFFFD0];
	v1 =	vmul.f32 $8.000000000e+00, v1  }
0x3a: {  	[tilespmem:s6+$0xFFFFFF70] =	vst v0;
	v0 =	vmul.f32 $8.000000000e+00, v3;
	v3 =	vld [tilespmem:s6+$0xFFFFFFE0]  }
0x3b: {  	[tilespmem:s6+$0xFFFFFF80] =	vst v1;
	v1 =	vmul.f32 $8.000000000e+00, v4;
	v4 =	vld [tilespmem:s6+$0xFFFFFFF0]  }
0x3c: {  	[tilespmem:s6+$0xFFFFFF90] =	vst v0;
	v0 =	vmul.f32 $8.000000000e+00, v5;
	v5 =	vld [tilespmem:s6+$0x0]  }
0x3d: {  	[tilespmem:s6+$0xFFFFFFA0] =	vst v1;
	v1 =	vmul.f32 $8.000000000e+00, v6;
	v6 =	vld [tilespmem:s6+$0x10]  }
0x3e: {  	[tilespmem:s6+$0xFFFFFFB0] =	vst v0;
	v0 =	vmul.f32 $8.000000000e+00, v2;
	v2 =	vld [tilespmem:s6+$0x20]  }
0x3f: {  	[tilespmem:s6+$0xFFFFFFC0] =	vst v1;
	v1 =	vmul.f32 $8.000000000e+00, v3;
	v3 =	vld [tilespmem:s6+$0x30]  }
0x40: {  	[tilespmem:s6+$0xFFFFFFD0] =	vst v0;
	v0 =	vmul.f32 $8.000000000e+00, v4;
	v4 =	vld [tilespmem:s6+$0x40]  }
0x41: {  	[tilespmem:s6+$0xFFFFFFE0] =	vst v1;
	v1 =	vmul.f32 $8.000000000e+00, v5;
	v5 =	vld [tilespmem:s6+$0x50]  }
0x42: {  	[tilespmem:s6+$0xFFFFFFF0] =	vst v0;
	v0 =	vmul.f32 $8.000000000e+00, v6;
	v6 =	vld [tilespmem:s6+$0x60]  }
0x43: {  	[tilespmem:s6+$0x0] =	vst v1;
	v1 =	vmul.f32 $8.000000000e+00, v2;
	v2 =	vld [tilespmem:s6+$0x70]  }
0x44: {  	[tilespmem:s6+$0x10] =	vst v0;
	v0 =	vmul.f32 $8.000000000e+00, v3;
	v3 =	vld [tilespmem:s6+$0x80]  }
0x45: {  	[tilespmem:s6+$0x20] =	vst v1;
	v1 =	vmul.f32 $8.000000000e+00, v4;
	v4 =	vld [tilespmem:s6+$0x90]  }
0x46: {  	v7 =	vld [tilespmem:s6+$0xA0];
	[tilespmem:s6+$0x30] =	vst v0;
	v5 =	vmul.f32 $8.000000000e+00, v5  }
0x47: {  	v0 =	vld [tilespmem:s6+$0xB0];
	[tilespmem:s6+$0x40] =	vst v1;
	v6 =	vmul.f32 $8.000000000e+00, v6  }
0x48: {  	v1 =	vld [tilespmem:s6+$0xC0];
	[tilespmem:s6+$0x50] =	vst v5;
	v5 =	vmul.f32 $8.000000000e+00, v2  }
0x49: {  	v2 =	vld [tilespmem:s6+$0xD0];
	[tilespmem:s6+$0x60] =	vst v6;
	v6 =	vmul.f32 $8.000000000e+00, v3  }
0x4a: {  	v3 =	vld [tilespmem:s6+$0xE0];
	[tilespmem:s6+$0x70] =	vst v5;
	v5 =	vmul.f32 $8.000000000e+00, v4  }
0x4b: {  	s12 =	simm.s32 $0x0;
	s13 =	simm.s32 $0x6700;
	v4 =	vld [tilespmem:s6+$0xFFFFFF00];
	[tilespmem:s6+$0x80] =	vst v6;
	v6 =	vmul.f32 $8.000000000e+00, v7  }
.LBB2_2:
0x4c: {  	v7 =	vld [tilespmem:s13+$0xF0];
	s12 =	sadd.s32 $0x8, s12;
	[tilespmem:s6+$0x90] =	vst v5;
	v0 =	vmul.f32 $8.000000000e+00, v0  }
0x4d: {  	v5 =	vld [tilespmem:s13+$0xFFFFFF10];
	p0 =	slt.u32 s12, $0x1F8;
	[tilespmem:s6+$0xA0] =	vst v6;
	v1 =	vmul.f32 $8.000000000e+00, v1  }
0x4e: {  	v6 =	vld [tilespmem:s13+$0xFFFFFF20];
	[tilespmem:s6+$0xB0] =	vst v0;
	v0 =	vmul.f32 $8.000000000e+00, v2  }
0x4f: {  	v2 =	vld [tilespmem:s13+$0xFFFFFF30];
	[tilespmem:s6+$0xC0] =	vst v1;
	v1 =	vmul.f32 $8.000000000e+00, v3  }
0x50: {  	v3 =	vld [tilespmem:s13+$0xFFFFFF40];
	v4 =	vmul.f32 $8.000000000e+00, v4;
	[tilespmem:s6+$0xD0] =	vst v0  }
0x51: {  	v0 =	vld [tilespmem:s13+$0xFFFFFF50];
	v7 =	vmul.f32 $8.000000000e+00, v7;
	[tilespmem:s6+$0xE0] =	vst v1  }
0x52: {  	v1 =	vmul.f32 $8.000000000e+00, v5;
	v5 =	vld [tilespmem:s13+$0xFFFFFF60];
	[tilespmem:s6+$0xFFFFFF00] =	vst v4;
	s6 =	smov.u32 s13  }
0x53: {  	v4 =	vmul.f32 $8.000000000e+00, v6;
	v6 =	vld [tilespmem:s13+$0xFFFFFF70];
	[tilespmem:s13+$0xF0] =	vst v7  }
0x54: {  	[tilespmem:s13+$0xFFFFFF10] =	vst v1;
	v1 =	vmul.f32 $8.000000000e+00, v2;
	v2 =	vld [tilespmem:s13+$0xFFFFFF80]  }
0x55: {  	[tilespmem:s13+$0xFFFFFF20] =	vst v4;
	v3 =	vmul.f32 $8.000000000e+00, v3;
	v4 =	vld [tilespmem:s13+$0xFFFFFF90]  }
0x56: {  	[tilespmem:s13+$0xFFFFFF30] =	vst v1;
	v0 =	vmul.f32 $8.000000000e+00, v0;
	v1 =	vld [tilespmem:s13+$0xFFFFFFA0]  }
0x57: {  	[tilespmem:s13+$0xFFFFFF40] =	vst v3;
	v3 =	vmul.f32 $8.000000000e+00, v5;
	v5 =	vld [tilespmem:s13+$0xFFFFFFB0]  }
0x58: {  	[tilespmem:s13+$0xFFFFFF50] =	vst v0;
	v0 =	vmul.f32 $8.000000000e+00, v6;
	v6 =	vld [tilespmem:s13+$0xFFFFFFC0]  }
0x59: {  	[tilespmem:s13+$0xFFFFFF60] =	vst v3;
	v2 =	vmul.f32 $8.000000000e+00, v2;
	v3 =	vld [tilespmem:s13+$0xFFFFFFD0]  }
0x5a: {  	[tilespmem:s13+$0xFFFFFF70] =	vst v0;
	v0 =	vmul.f32 $8.000000000e+00, v4;
	v4 =	vld [tilespmem:s13+$0xFFFFFFE0]  }
0x5b: {  	[tilespmem:s13+$0xFFFFFF80] =	vst v2;
	v1 =	vmul.f32 $8.000000000e+00, v1;
	v2 =	vld [tilespmem:s13+$0xFFFFFFF0]  }
0x5c: {  	[tilespmem:s13+$0xFFFFFF90] =	vst v0;
	v0 =	vmul.f32 $8.000000000e+00, v5;
	v5 =	vld [tilespmem:s13+$0x0]  }
0x5d: {  	[tilespmem:s13+$0xFFFFFFA0] =	vst v1;
	v1 =	vmul.f32 $8.000000000e+00, v6;
	v6 =	vld [tilespmem:s13+$0x10]  }
0x5e: {  	[tilespmem:s13+$0xFFFFFFB0] =	vst v0;
	v0 =	vmul.f32 $8.000000000e+00, v3;
	v3 =	vld [tilespmem:s13+$0x20]  }
0x5f: {  	[tilespmem:s13+$0xFFFFFFC0] =	vst v1;
	v1 =	vmul.f32 $8.000000000e+00, v4;
	v4 =	vld [tilespmem:s13+$0x30]  }
0x60: {  	[tilespmem:s13+$0xFFFFFFD0] =	vst v0;
	v0 =	vmul.f32 $8.000000000e+00, v2;
	v2 =	vld [tilespmem:s13+$0x40]  }
0x61: {  	[tilespmem:s13+$0xFFFFFFE0] =	vst v1;
	v1 =	vmul.f32 $8.000000000e+00, v5;
	v5 =	vld [tilespmem:s13+$0x50]  }
0x62: {  	[tilespmem:s13+$0xFFFFFFF0] =	vst v0;
	v0 =	vmul.f32 $8.000000000e+00, v6;
	v6 =	vld [tilespmem:s13+$0x60]  }
0x63: {  	[tilespmem:s13+$0x0] =	vst v1;
	v1 =	vmul.f32 $8.000000000e+00, v3;
	v3 =	vld [tilespmem:s13+$0x70]  }
0x64: {  	[tilespmem:s13+$0x10] =	vst v0;
	v0 =	vmul.f32 $8.000000000e+00, v4;
	v4 =	vld [tilespmem:s13+$0x80]  }
0x65: {  	[tilespmem:s13+$0x20] =	vst v1;
	v1 =	vmul.f32 $8.000000000e+00, v2;
	v7 =	vld [tilespmem:s13+$0x90]  }
0x66: {  	[tilespmem:s13+$0x30] =	vst v0;
	v2 =	vmul.f32 $8.000000000e+00, v5;
	v8 =	vld [tilespmem:s13+$0xA0]  }
.Ltmp0:
0x67: {  	[tilespmem:s13+$0x40] =	vst v1;
	v5 =	vmul.f32 $8.000000000e+00, v6;
	v0 =	vld [tilespmem:s13+$0xB0];
	(pc) =	sbr.rel @p0 .LBB2_2-.Ltmp0, $4  }
0x68: {  	[tilespmem:s13+$0x50] =	vst v2;
	v3 =	vmul.f32 $8.000000000e+00, v3;
	v1 =	vld [tilespmem:s13+$0xC0]  }
0x69: {  	[tilespmem:s13+$0x60] =	vst v5;
	v6 =	vmul.f32 $8.000000000e+00, v4;
	v2 =	vld [tilespmem:s13+$0xD0]  }
0x6a: {  	[tilespmem:s13+$0x70] =	vst v3;
	v5 =	vmul.f32 $8.000000000e+00, v7;
	v3 =	vld [tilespmem:s13+$0xE0]  }
0x6b: {  	s13 =	sadd.s32 $0x200, s13;
	v4 =	vld [tilespmem:s6+$0xFFFFFF00];
	[tilespmem:s6+$0x80] =	vst v6;
	v6 =	vmul.f32 $8.000000000e+00, v8  }
0x6c: {  	[tilespmem:s6+$0x90] =	vst v5;
	v0 =	vmul.f32 $8.000000000e+00, v0  }
0x6d: {  	[tilespmem:s6+$0xA0] =	vst v6;
	v1 =	vmul.f32 $8.000000000e+00, v1  }
0x6e: {  	[tilespmem:s6+$0xB0] =	vst v0;
	v0 =	vmul.f32 $8.000000000e+00, v2  }
0x6f: {  	[tilespmem:s6+$0xC0] =	vst v1;
	v1 =	vmul.f32 $8.000000000e+00, v3  }
0x70: {  	v2 =	vmul.f32 $8.000000000e+00, v4;
	[tilespmem:s6+$0xD0] =	vst v0  }
0x71: {  	[tilespmem:s6+$0xE0] =	vst v1  }
0x72: {  	[tilespmem:s6+$0xFFFFFF00] =	vst v2  }
0x73: {  	s6 =	rddreg [dreg:$0x3]  }
0x74: {  	[hbm4b:s6+s3] =	stream.linear.scatter [tilespmem:s17], [sflag:$0x4], $0x8000, $0x38;
	[tilespmem:$0x1E400] =	vst v63  }
0x75: {  	s12 =	simm.s32 $0x400  }
0x76: {  	[tilespmem:s19], [sflag:$0x3] =	stream.indirect.gather [hbm4b:s5+s16], $0x40, s12, s16, $0xb8;
	[tilespmem:$0x1E400] =	vst v63  }
0x77: {  	s13 =	simm.s32 $0x480  }
0x78: {  	[tilespmem:s23], [sflag:$0x3] =	stream.indirect.gather [hbm4b:s5+s16], $0x40, s13, s16, $0xb8;
	[tilespmem:$0x1E400] =	vst v63  }
0x79: {  	s14 =	simm.s32 $0x500  }
0x7a: {  	[tilespmem:s28], [sflag:$0x3] =	stream.indirect.gather [hbm4b:s5+s16], $0x40, s14, s16, $0xb8;
	[tilespmem:$0x1E400] =	vst v63  }
0x7b: {  	s15 =	simm.s32 $0x580  }
0x7c: {  	[tilespmem:s0], [sflag:$0x3] =	stream.indirect.gather [hbm4b:s5+s16], $0x40, s15, s16, $0xb8;
	[tilespmem:$0x1E400] =	vst v63  }
0x7d: {  	_ =	swait.ge [sflag:s21], $0x8000  }
0x7e: {  	[sflag:s21] =	ssyncset.done $0x0  }
0x7f: {  	s6 =	simm.s32 $0xE400;
	[sflag:s21] =	ssyncadd.s32 $0xFFFF8000  }
0x80: {  	v0 =	vld [tilespmem:s6+$0x1F0]  }
0x81: {  	v1 =	vld [tilespmem:s6+$0x10]  }
0x82: {  	v2 =	vld [tilespmem:s6+$0x20]  }
0x83: {  	v3 =	vld [tilespmem:s6+$0x30]  }
0x84: {  	v4 =	vld [tilespmem:s6+$0x40]  }
0x85: {  	v5 =	vld [tilespmem:s6+$0x50];
	v0 =	vmul.f32 $8.000000000e+00, v0  }
0x86: {  	v6 =	vld [tilespmem:s6+$0x60];
	v1 =	vmul.f32 $8.000000000e+00, v1  }
0x87: {  	v7 =	vld [tilespmem:s6+$0x70];
	v2 =	vmul.f32 $8.000000000e+00, v2;
	[tilespmem:s6+$0x1F0] =	vst v0  }
0x88: {  	[tilespmem:s6+$0x10] =	vst v1;
	v0 =	vmul.f32 $8.000000000e+00, v3;
	v1 =	vld [tilespmem:s6+$0x80]  }
0x89: {  	[tilespmem:s6+$0x20] =	vst v2;
	v2 =	vmul.f32 $8.000000000e+00, v4;
	v3 =	vld [tilespmem:s6+$0x90]  }
0x8a: {  	v4 =	vld [tilespmem:s6+$0xA0];
	[tilespmem:s6+$0x30] =	vst v0;
	v0 =	vmul.f32 $8.000000000e+00, v5  }
0x8b: {  	[tilespmem:s6+$0x40] =	vst v2;
	v2 =	vmul.f32 $8.000000000e+00, v6;
	v5 =	vld [tilespmem:s6+$0xB0]  }
0x8c: {  	v6 =	vld [tilespmem:s6+$0xC0];
	[tilespmem:s6+$0x50] =	vst v0;
	v0 =	vmul.f32 $8.000000000e+00, v7  }
0x8d: {  	[tilespmem:s6+$0x60] =	vst v2;
	v2 =	vld [tilespmem:s6+$0xD0];
	v1 =	vmul.f32 $8.000000000e+00, v1  }
0x8e: {  	[tilespmem:s6+$0x70] =	vst v0;
	v0 =	vmul.f32 $8.000000000e+00, v3;
	v3 =	vld [tilespmem:s6+$0xE0]  }
0x8f: {  	[tilespmem:s6+$0x80] =	vst v1;
	v1 =	vmul.f32 $8.000000000e+00, v4;
	v4 =	vld [tilespmem:s6+$0xF0]  }
0x90: {  	[tilespmem:s6+$0x90] =	vst v0;
	v0 =	vmul.f32 $8.000000000e+00, v5;
	v5 =	vld [tilespmem:s6+$0x100]  }
0x91: {  	[tilespmem:s6+$0xA0] =	vst v1;
	v1 =	vmul.f32 $8.000000000e+00, v6;
	v6 =	vld [tilespmem:s6+$0x110]  }
0x92: {  	[tilespmem:s6+$0xB0] =	vst v0;
	v0 =	vmul.f32 $8.000000000e+00, v2;
	v2 =	vld [tilespmem:s6+$0x120]  }
0x93: {  	[tilespmem:s6+$0xC0] =	vst v1;
	v1 =	vmul.f32 $8.000000000e+00, v3;
	v3 =	vld [tilespmem:s6+$0x130]  }
0x94: {  	[tilespmem:s6+$0xD0] =	vst v0;
	v0 =	vmul.f32 $8.000000000e+00, v4;
	v4 =	vld [tilespmem:s6+$0x140]  }
0x95: {  	[tilespmem:s6+$0xE0] =	vst v1;
	v1 =	vmul.f32 $8.000000000e+00, v5;
	v5 =	vld [tilespmem:s6+$0x150]  }
0x96: {  	[tilespmem:s6+$0xF0] =	vst v0;
	v0 =	vmul.f32 $8.000000000e+00, v6;
	v6 =	vld [tilespmem:s6+$0x160]  }
0x97: {  	[tilespmem:s6+$0x100] =	vst v1;
	v1 =	vmul.f32 $8.000000000e+00, v2;
	v2 =	vld [tilespmem:s6+$0x170]  }
0x98: {  	[tilespmem:s6+$0x110] =	vst v0;
	v0 =	vmul.f32 $8.000000000e+00, v3;
	v3 =	vld [tilespmem:s6+$0x180]  }
0x99: {  	[tilespmem:s6+$0x120] =	vst v1;
	v1 =	vmul.f32 $8.000000000e+00, v4;
	v4 =	vld [tilespmem:s6+$0x190]  }
0x9a: {  	v7 =	vld [tilespmem:s6+$0x1A0];
	[tilespmem:s6+$0x130] =	vst v0;
	v5 =	vmul.f32 $8.000000000e+00, v5  }
0x9b: {  	v0 =	vld [tilespmem:s6+$0x1B0];
	[tilespmem:s6+$0x140] =	vst v1;
	v6 =	vmul.f32 $8.000000000e+00, v6  }
0x9c: {  	v1 =	vld [tilespmem:s6+$0x1C0];
	[tilespmem:s6+$0x150] =	vst v5;
	v5 =	vmul.f32 $8.000000000e+00, v2  }
0x9d: {  	v2 =	vld [tilespmem:s6+$0x1D0];
	[tilespmem:s6+$0x160] =	vst v6;
	v6 =	vmul.f32 $8.000000000e+00, v3  }
0x9e: {  	v3 =	vld [tilespmem:s6+$0x1E0];
	[tilespmem:s6+$0x170] =	vst v5;
	v5 =	vmul.f32 $8.000000000e+00, v4  }
0x9f: {  	s12 =	simm.s32 $0x0;
	s13 =	simm.s32 $0xE600;
	v4 =	vld [tilespmem:s6+$0x0];
	[tilespmem:s6+$0x180] =	vst v6;
	v6 =	vmul.f32 $8.000000000e+00, v7  }
.LBB2_4:
0xa0: {  	v7 =	vld [tilespmem:s13+$0x1F0];
	s12 =	sadd.s32 $0x8, s12;
	[tilespmem:s6+$0x190] =	vst v5;
	v0 =	vmul.f32 $8.000000000e+00, v0  }
0xa1: {  	v5 =	vld [tilespmem:s13+$0x10];
	p0 =	slt.u32 s12, $0x1F8;
	[tilespmem:s6+$0x1A0] =	vst v6;
	v1 =	vmul.f32 $8.000000000e+00, v1  }
0xa2: {  	v6 =	vld [tilespmem:s13+$0x20];
	[tilespmem:s6+$0x1B0] =	vst v0;
	v0 =	vmul.f32 $8.000000000e+00, v2  }
0xa3: {  	v2 =	vld [tilespmem:s13+$0x30];
	[tilespmem:s6+$0x1C0] =	vst v1;
	v1 =	vmul.f32 $8.000000000e+00, v3  }
0xa4: {  	v3 =	vld [tilespmem:s13+$0x40];
	v4 =	vmul.f32 $8.000000000e+00, v4;
	[tilespmem:s6+$0x1D0] =	vst v0  }
0xa5: {  	v0 =	vld [tilespmem:s13+$0x50];
	v7 =	vmul.f32 $8.000000000e+00, v7;
	[tilespmem:s6+$0x1E0] =	vst v1  }
0xa6: {  	v1 =	vmul.f32 $8.000000000e+00, v5;
	v5 =	vld [tilespmem:s13+$0x60];
	[tilespmem:s6+$0x0] =	vst v4;
	s6 =	smov.u32 s13  }
0xa7: {  	v4 =	vmul.f32 $8.000000000e+00, v6;
	v6 =	vld [tilespmem:s13+$0x70];
	[tilespmem:s13+$0x1F0] =	vst v7  }
0xa8: {  	[tilespmem:s13+$0x10] =	vst v1;
	v1 =	vmul.f32 $8.000000000e+00, v2;
	v2 =	vld [tilespmem:s13+$0x80]  }
0xa9: {  	[tilespmem:s13+$0x20] =	vst v4;
	v3 =	vmul.f32 $8.000000000e+00, v3;
	v4 =	vld [tilespmem:s13+$0x90]  }
0xaa: {  	[tilespmem:s13+$0x30] =	vst v1;
	v0 =	vmul.f32 $8.000000000e+00, v0;
	v1 =	vld [tilespmem:s13+$0xA0]  }
0xab: {  	[tilespmem:s13+$0x40] =	vst v3;
	v3 =	vmul.f32 $8.000000000e+00, v5;
	v5 =	vld [tilespmem:s13+$0xB0]  }
0xac: {  	[tilespmem:s13+$0x50] =	vst v0;
	v0 =	vmul.f32 $8.000000000e+00, v6;
	v6 =	vld [tilespmem:s13+$0xC0]  }
0xad: {  	[tilespmem:s13+$0x60] =	vst v3;
	v2 =	vmul.f32 $8.000000000e+00, v2;
	v3 =	vld [tilespmem:s13+$0xD0]  }
0xae: {  	[tilespmem:s13+$0x70] =	vst v0;
	v0 =	vmul.f32 $8.000000000e+00, v4;
	v4 =	vld [tilespmem:s13+$0xE0]  }
0xaf: {  	[tilespmem:s13+$0x80] =	vst v2;
	v1 =	vmul.f32 $8.000000000e+00, v1;
	v2 =	vld [tilespmem:s13+$0xF0]  }
0xb0: {  	[tilespmem:s13+$0x90] =	vst v0;
	v0 =	vmul.f32 $8.000000000e+00, v5;
	v5 =	vld [tilespmem:s13+$0x100]  }
0xb1: {  	[tilespmem:s13+$0xA0] =	vst v1;
	v1 =	vmul.f32 $8.000000000e+00, v6;
	v6 =	vld [tilespmem:s13+$0x110]  }
0xb2: {  	[tilespmem:s13+$0xB0] =	vst v0;
	v0 =	vmul.f32 $8.000000000e+00, v3;
	v3 =	vld [tilespmem:s13+$0x120]  }
0xb3: {  	[tilespmem:s13+$0xC0] =	vst v1;
	v1 =	vmul.f32 $8.000000000e+00, v4;
	v4 =	vld [tilespmem:s13+$0x130]  }
0xb4: {  	[tilespmem:s13+$0xD0] =	vst v0;
	v0 =	vmul.f32 $8.000000000e+00, v2;
	v2 =	vld [tilespmem:s13+$0x140]  }
0xb5: {  	[tilespmem:s13+$0xE0] =	vst v1;
	v1 =	vmul.f32 $8.000000000e+00, v5;
	v5 =	vld [tilespmem:s13+$0x150]  }
0xb6: {  	[tilespmem:s13+$0xF0] =	vst v0;
	v0 =	vmul.f32 $8.000000000e+00, v6;
	v6 =	vld [tilespmem:s13+$0x160]  }
0xb7: {  	[tilespmem:s13+$0x100] =	vst v1;
	v1 =	vmul.f32 $8.000000000e+00, v3;
	v3 =	vld [tilespmem:s13+$0x170]  }
0xb8: {  	[tilespmem:s13+$0x110] =	vst v0;
	v0 =	vmul.f32 $8.000000000e+00, v4;
	v4 =	vld [tilespmem:s13+$0x180]  }
0xb9: {  	[tilespmem:s13+$0x120] =	vst v1;
	v1 =	vmul.f32 $8.000000000e+00, v2;
	v7 =	vld [tilespmem:s13+$0x190]  }
0xba: {  	[tilespmem:s13+$0x130] =	vst v0;
	v2 =	vmul.f32 $8.000000000e+00, v5;
	v8 =	vld [tilespmem:s13+$0x1A0]  }
.Ltmp1:
0xbb: {  	[tilespmem:s13+$0x140] =	vst v1;
	v5 =	vmul.f32 $8.000000000e+00, v6;
	v0 =	vld [tilespmem:s13+$0x1B0];
	(pc) =	sbr.rel @p0 .LBB2_4-.Ltmp1, $4  }
0xbc: {  	[tilespmem:s13+$0x150] =	vst v2;
	v3 =	vmul.f32 $8.000000000e+00, v3;
	v1 =	vld [tilespmem:s13+$0x1C0]  }
0xbd: {  	[tilespmem:s13+$0x160] =	vst v5;
	v6 =	vmul.f32 $8.000000000e+00, v4;
	v2 =	vld [tilespmem:s13+$0x1D0]  }
0xbe: {  	[tilespmem:s13+$0x170] =	vst v3;
	v5 =	vmul.f32 $8.000000000e+00, v7;
	v3 =	vld [tilespmem:s13+$0x1E0]  }
0xbf: {  	s13 =	sadd.s32 $0x200, s13;
	v4 =	vld [tilespmem:s6+$0x0];
	[tilespmem:s6+$0x180] =	vst v6;
	v6 =	vmul.f32 $8.000000000e+00, v8  }
0xc0: {  	[dreg:$0xa] =	wrdreg s11  }
0xc1: {  	v0 =	vmul.f32 $8.000000000e+00, v0;
	[tilespmem:s6+$0x190] =	vst v5  }
0xc2: {  	[tilespmem:s6+$0x1A0] =	vst v6;
	v1 =	vmul.f32 $8.000000000e+00, v1  }
0xc3: {  	[tilespmem:s6+$0x1B0] =	vst v0;
	v61 =	vmul.f32 $8.000000000e+00, v2  }
0xc4: {  	[tilespmem:s6+$0x1C0] =	vst v1;
	v62 =	vmul.f32 $8.000000000e+00, v3  }
0xc5: {  	v63 =	vmul.f32 $8.000000000e+00, v4;
	[tilespmem:s6+$0x1D0] =	vst v61  }
0xc6: {  	[tilespmem:s6+$0x1E0] =	vst v62  }
0xc7: {  	[tilespmem:s6+$0x0] =	vst v63  }
0xc8: {  	s12 =	simm.s32 $0x0;
	s6 =	rddreg [dreg:$0x5]  }
0xc9: {  	[hbm4b:s6+s12] =	stream.linear.scatter [tilespmem:s24], [sflag:$0x5], $0x8000, $0x38;
	[tilespmem:$0x1E400] =	vst v63  }
0xca: {  	_ =	swait.ge [sflag:s25], $0x8000  }
0xcb: {  	[sflag:s25] =	ssyncset.done $0x0  }
0xcc: {  	s11 =	simm.s32 $0x600;
	[sflag:s25] =	ssyncadd.s32 $0xFFFF8000  }
0xcd: {  	[tilespmem:s17], [sflag:$0x1] =	stream.indirect.gather [hbm4b:s5+s16], $0x40, s11, s16, $0xb8;
	[tilespmem:$0x1E400] =	vst v63  }
0xce: {  	s13 =	simm.s32 $0x680  }
0xcf: {  	[tilespmem:s18], [sflag:$0x1] =	stream.indirect.gather [hbm4b:s5+s16], $0x40, s13, s16, $0xb8;
	[tilespmem:$0x1E400] =	vst v63  }
0xd0: {  	s14 =	simm.s32 $0x700  }
0xd1: {  	[tilespmem:s20], [sflag:$0x1] =	stream.indirect.gather [hbm4b:s5+s16], $0x40, s14, s16, $0xb8;
	[tilespmem:$0x1E400] =	vst v63  }
0xd2: {  	s15 =	simm.s32 $0x780  }
0xd3: {  	[tilespmem:s22], [sflag:$0x1] =	stream.indirect.gather [hbm4b:s5+s16], $0x40, s15, s16, $0xb8;
	[tilespmem:$0x1E400] =	vst v63  }
.LBB2_6:
0xd4: {  	_ =	swait.ge [sflag:s30], $0x8000  }
0xd5: {  	[sflag:s30] =	ssyncset.done $0x0  }
0xd6: {  	s13 =	simm.s32 $0x16400;
	[sflag:s30] =	ssyncadd.s32 $0xFFFF8000  }
0xd7: {  	v0 =	vld [tilespmem:s13+$0x1F0]  }
0xd8: {  	v1 =	vld [tilespmem:s13+$0x10]  }
0xd9: {  	v2 =	vld [tilespmem:s13+$0x20]  }
0xda: {  	v3 =	vld [tilespmem:s13+$0x30]  }
0xdb: {  	v4 =	vld [tilespmem:s13+$0x40]  }
0xdc: {  	v5 =	vld [tilespmem:s13+$0x50];
	v0 =	vmul.f32 $8.000000000e+00, v0  }
0xdd: {  	v6 =	vld [tilespmem:s13+$0x60];
	v1 =	vmul.f32 $8.000000000e+00, v1  }
0xde: {  	v7 =	vld [tilespmem:s13+$0x70];
	v2 =	vmul.f32 $8.000000000e+00, v2;
	[tilespmem:s13+$0x1F0] =	vst v0  }
0xdf: {  	[tilespmem:s13+$0x10] =	vst v1;
	v0 =	vmul.f32 $8.000000000e+00, v3;
	v1 =	vld [tilespmem:s13+$0x80]  }
0xe0: {  	[tilespmem:s13+$0x20] =	vst v2;
	v2 =	vmul.f32 $8.000000000e+00, v4;
	v3 =	vld [tilespmem:s13+$0x90]  }
0xe1: {  	v4 =	vld [tilespmem:s13+$0xA0];
	[tilespmem:s13+$0x30] =	vst v0;
	v0 =	vmul.f32 $8.000000000e+00, v5  }
0xe2: {  	[tilespmem:s13+$0x40] =	vst v2;
	v2 =	vmul.f32 $8.000000000e+00, v6;
	v5 =	vld [tilespmem:s13+$0xB0]  }
0xe3: {  	v6 =	vld [tilespmem:s13+$0xC0];
	[tilespmem:s13+$0x50] =	vst v0;
	v0 =	vmul.f32 $8.000000000e+00, v7  }
0xe4: {  	[tilespmem:s13+$0x60] =	vst v2;
	v2 =	vld [tilespmem:s13+$0xD0];
	v1 =	vmul.f32 $8.000000000e+00, v1  }
0xe5: {  	[tilespmem:s13+$0x70] =	vst v0;
	v0 =	vmul.f32 $8.000000000e+00, v3;
	v3 =	vld [tilespmem:s13+$0xE0]  }
0xe6: {  	[tilespmem:s13+$0x80] =	vst v1;
	v1 =	vmul.f32 $8.000000000e+00, v4;
	v4 =	vld [tilespmem:s13+$0xF0]  }
0xe7: {  	[tilespmem:s13+$0x90] =	vst v0;
	v0 =	vmul.f32 $8.000000000e+00, v5;
	v5 =	vld [tilespmem:s13+$0x100]  }
0xe8: {  	[tilespmem:s13+$0xA0] =	vst v1;
	v1 =	vmul.f32 $8.000000000e+00, v6;
	v6 =	vld [tilespmem:s13+$0x110]  }
0xe9: {  	[tilespmem:s13+$0xB0] =	vst v0;
	v0 =	vmul.f32 $8.000000000e+00, v2;
	v2 =	vld [tilespmem:s13+$0x120]  }
0xea: {  	[tilespmem:s13+$0xC0] =	vst v1;
	v1 =	vmul.f32 $8.000000000e+00, v3;
	v3 =	vld [tilespmem:s13+$0x130]  }
0xeb: {  	[tilespmem:s13+$0xD0] =	vst v0;
	v0 =	vmul.f32 $8.000000000e+00, v4;
	v4 =	vld [tilespmem:s13+$0x140]  }
0xec: {  	[tilespmem:s13+$0xE0] =	vst v1;
	v1 =	vmul.f32 $8.000000000e+00, v5;
	v5 =	vld [tilespmem:s13+$0x150]  }
0xed: {  	[tilespmem:s13+$0xF0] =	vst v0;
	v0 =	vmul.f32 $8.000000000e+00, v6;
	v6 =	vld [tilespmem:s13+$0x160]  }
0xee: {  	[tilespmem:s13+$0x100] =	vst v1;
	v1 =	vmul.f32 $8.000000000e+00, v2;
	v2 =	vld [tilespmem:s13+$0x170]  }
0xef: {  	[tilespmem:s13+$0x110] =	vst v0;
	v0 =	vmul.f32 $8.000000000e+00, v3;
	v3 =	vld [tilespmem:s13+$0x180]  }
0xf0: {  	[tilespmem:s13+$0x120] =	vst v1;
	v1 =	vmul.f32 $8.000000000e+00, v4;
	v4 =	vld [tilespmem:s13+$0x190]  }
0xf1: {  	v7 =	vld [tilespmem:s13+$0x1A0];
	[tilespmem:s13+$0x130] =	vst v0;
	v5 =	vmul.f32 $8.000000000e+00, v5  }
0xf2: {  	v0 =	vld [tilespmem:s13+$0x1B0];
	[tilespmem:s13+$0x140] =	vst v1;
	v6 =	vmul.f32 $8.000000000e+00, v6  }
0xf3: {  	v1 =	vld [tilespmem:s13+$0x1C0];
	[tilespmem:s13+$0x150] =	vst v5;
	v5 =	vmul.f32 $8.000000000e+00, v2  }
0xf4: {  	v2 =	vld [tilespmem:s13+$0x1D0];
	[tilespmem:s13+$0x160] =	vst v6;
	v6 =	vmul.f32 $8.000000000e+00, v3  }
0xf5: {  	v3 =	vld [tilespmem:s13+$0x1E0];
	[tilespmem:s13+$0x170] =	vst v5;
	v5 =	vmul.f32 $8.000000000e+00, v4  }
0xf6: {  	s6 =	simm.s32 $0x0;
	s14 =	simm.s32 $0x16600;
	v4 =	vld [tilespmem:s13+$0x0];
	[tilespmem:s13+$0x180] =	vst v6;
	v6 =	vmul.f32 $8.000000000e+00, v7  }
.LBB2_7:
0xf7: {  	v7 =	vld [tilespmem:s14+$0x1F0];
	s6 =	sadd.s32 $0x8, s6;
	[tilespmem:s13+$0x190] =	vst v5;
	v0 =	vmul.f32 $8.000000000e+00, v0  }
0xf8: {  	v5 =	vld [tilespmem:s14+$0x10];
	p0 =	slt.u32 s6, $0x1F8;
	[tilespmem:s13+$0x1A0] =	vst v6;
	v1 =	vmul.f32 $8.000000000e+00, v1  }
0xf9: {  	v6 =	vld [tilespmem:s14+$0x20];
	[tilespmem:s13+$0x1B0] =	vst v0;
	v0 =	vmul.f32 $8.000000000e+00, v2  }
0xfa: {  	v2 =	vld [tilespmem:s14+$0x30];
	[tilespmem:s13+$0x1C0] =	vst v1;
	v1 =	vmul.f32 $8.000000000e+00, v3  }
0xfb: {  	v3 =	vld [tilespmem:s14+$0x40];
	v4 =	vmul.f32 $8.000000000e+00, v4;
	[tilespmem:s13+$0x1D0] =	vst v0  }
0xfc: {  	v0 =	vld [tilespmem:s14+$0x50];
	v7 =	vmul.f32 $8.000000000e+00, v7;
	[tilespmem:s13+$0x1E0] =	vst v1  }
0xfd: {  	v1 =	vmul.f32 $8.000000000e+00, v5;
	v5 =	vld [tilespmem:s14+$0x60];
	[tilespmem:s13+$0x0] =	vst v4;
	s13 =	smov.u32 s14  }
0xfe: {  	v4 =	vmul.f32 $8.000000000e+00, v6;
	v6 =	vld [tilespmem:s14+$0x70];
	[tilespmem:s14+$0x1F0] =	vst v7  }
0xff: {  	[tilespmem:s14+$0x10] =	vst v1;
	v1 =	vmul.f32 $8.000000000e+00, v2;
	v2 =	vld [tilespmem:s14+$0x80]  }
0x100: {  	[tilespmem:s14+$0x20] =	vst v4;
	v3 =	vmul.f32 $8.000000000e+00, v3;
	v4 =	vld [tilespmem:s14+$0x90]  }
0x101: {  	[tilespmem:s14+$0x30] =	vst v1;
	v0 =	vmul.f32 $8.000000000e+00, v0;
	v1 =	vld [tilespmem:s14+$0xA0]  }
0x102: {  	[tilespmem:s14+$0x40] =	vst v3;
	v3 =	vmul.f32 $8.000000000e+00, v5;
	v5 =	vld [tilespmem:s14+$0xB0]  }
0x103: {  	[tilespmem:s14+$0x50] =	vst v0;
	v0 =	vmul.f32 $8.000000000e+00, v6;
	v6 =	vld [tilespmem:s14+$0xC0]  }
0x104: {  	[tilespmem:s14+$0x60] =	vst v3;
	v2 =	vmul.f32 $8.000000000e+00, v2;
	v3 =	vld [tilespmem:s14+$0xD0]  }
0x105: {  	[tilespmem:s14+$0x70] =	vst v0;
	v0 =	vmul.f32 $8.000000000e+00, v4;
	v4 =	vld [tilespmem:s14+$0xE0]  }
0x106: {  	[tilespmem:s14+$0x80] =	vst v2;
	v1 =	vmul.f32 $8.000000000e+00, v1;
	v2 =	vld [tilespmem:s14+$0xF0]  }
0x107: {  	[tilespmem:s14+$0x90] =	vst v0;
	v0 =	vmul.f32 $8.000000000e+00, v5;
	v5 =	vld [tilespmem:s14+$0x100]  }
0x108: {  	[tilespmem:s14+$0xA0] =	vst v1;
	v1 =	vmul.f32 $8.000000000e+00, v6;
	v6 =	vld [tilespmem:s14+$0x110]  }
0x109: {  	[tilespmem:s14+$0xB0] =	vst v0;
	v0 =	vmul.f32 $8.000000000e+00, v3;
	v3 =	vld [tilespmem:s14+$0x120]  }
0x10a: {  	[tilespmem:s14+$0xC0] =	vst v1;
	v1 =	vmul.f32 $8.000000000e+00, v4;
	v4 =	vld [tilespmem:s14+$0x130]  }
0x10b: {  	[tilespmem:s14+$0xD0] =	vst v0;
	v0 =	vmul.f32 $8.000000000e+00, v2;
	v2 =	vld [tilespmem:s14+$0x140]  }
0x10c: {  	[tilespmem:s14+$0xE0] =	vst v1;
	v1 =	vmul.f32 $8.000000000e+00, v5;
	v5 =	vld [tilespmem:s14+$0x150]  }
0x10d: {  	[tilespmem:s14+$0xF0] =	vst v0;
	v0 =	vmul.f32 $8.000000000e+00, v6;
	v6 =	vld [tilespmem:s14+$0x160]  }
0x10e: {  	[tilespmem:s14+$0x100] =	vst v1;
	v1 =	vmul.f32 $8.000000000e+00, v3;
	v3 =	vld [tilespmem:s14+$0x170]  }
0x10f: {  	[tilespmem:s14+$0x110] =	vst v0;
	v0 =	vmul.f32 $8.000000000e+00, v4;
	v4 =	vld [tilespmem:s14+$0x180]  }
0x110: {  	[tilespmem:s14+$0x120] =	vst v1;
	v1 =	vmul.f32 $8.000000000e+00, v2;
	v7 =	vld [tilespmem:s14+$0x190]  }
0x111: {  	[tilespmem:s14+$0x130] =	vst v0;
	v2 =	vmul.f32 $8.000000000e+00, v5;
	v8 =	vld [tilespmem:s14+$0x1A0]  }
.Ltmp2:
0x112: {  	[tilespmem:s14+$0x140] =	vst v1;
	v5 =	vmul.f32 $8.000000000e+00, v6;
	v0 =	vld [tilespmem:s14+$0x1B0];
	(pc) =	sbr.rel @p0 .LBB2_7-.Ltmp2, $4  }
0x113: {  	[tilespmem:s14+$0x150] =	vst v2;
	v3 =	vmul.f32 $8.000000000e+00, v3;
	v1 =	vld [tilespmem:s14+$0x1C0]  }
0x114: {  	[tilespmem:s14+$0x160] =	vst v5;
	v6 =	vmul.f32 $8.000000000e+00, v4;
	v2 =	vld [tilespmem:s14+$0x1D0]  }
0x115: {  	[tilespmem:s14+$0x170] =	vst v3;
	v5 =	vmul.f32 $8.000000000e+00, v7;
	v3 =	vld [tilespmem:s14+$0x1E0]  }
0x116: {  	s14 =	sadd.s32 $0x200, s14;
	v4 =	vld [tilespmem:s13+$0x0];
	[tilespmem:s13+$0x180] =	vst v6;
	v6 =	vmul.f32 $8.000000000e+00, v8  }
0x117: {  	[tilespmem:s13+$0x190] =	vst v5;
	v0 =	vmul.f32 $8.000000000e+00, v0  }
0x118: {  	s14 =	smul.u32 $0x600, s12;
	[tilespmem:s13+$0x1A0] =	vst v6;
	v1 =	vmul.f32 $8.000000000e+00, v1  }
0x119: {  	[tilespmem:s13+$0x1B0] =	vst v0;
	v0 =	vmul.f32 $8.000000000e+00, v2  }
0x11a: {  	s6 =	sadd.s32 s14, s9;
	[tilespmem:s13+$0x1C0] =	vst v1;
	v1 =	vmul.f32 $8.000000000e+00, v3  }
0x11b: {  	s6 =	sshll.u32 s6, $0x3;
	v2 =	vmul.f32 $8.000000000e+00, v4;
	[tilespmem:s13+$0x1D0] =	vst v0  }
0x11c: {  	s6 =	sand.u32 $0x1FFFF000, s6;
	[tilespmem:s13+$0x1E0] =	vst v1  }
0x11d: {  	s11 =	smul.u32 $0x3, s12;
	s6 =	sadd.s32 s2, s6;
	[tilespmem:s13+$0x0] =	vst v2  }
0x11e: {  	[hbm4b:s6+s3] =	stream.linear.scatter [tilespmem:s19], [sflag:$0x6], $0x8000, $0x38;
	[tilespmem:$0x1E400] =	vst v63  }
0x11f: {  	s13 =	sadd.s32 $0x4, s11;
	_ =	swait.ge [sflag:s7], $0x8000  }
0x120: {  	s11 =	sshll.u32 s13, $0x9;
	[sflag:s7] =	ssyncset.done $0x0  }
0x121: {  	s6 =	sand.u32 $0x3FFFFE00, s11;
	[sflag:s7] =	ssyncadd.s32 $0xFFFF8000  }
0x122: {  	[tilespmem:s24], [sflag:$0x2] =	stream.indirect.gather [hbm4b:s5+s16], $0x40, s6, s16, $0xb8;
	[tilespmem:$0x1E400] =	vst v63  }
0x123: {  	s15 =	sor.u32 $0x80, s6  }
0x124: {  	[tilespmem:s26], [sflag:$0x2] =	stream.indirect.gather [hbm4b:s5+s16], $0x40, s15, s16, $0xb8;
	[tilespmem:$0x1E400] =	vst v63  }
0x125: {  	s15 =	sor.u32 $0x100, s6  }
0x126: {  	[tilespmem:s29], [sflag:$0x2] =	stream.indirect.gather [hbm4b:s5+s16], $0x40, s15, s16, $0xb8;
	[tilespmem:$0x1E400] =	vst v63  }
0x127: {  	s6 =	sor.u32 $0x180, s6  }
0x128: {  	[tilespmem:s31], [sflag:$0x2] =	stream.indirect.gather [hbm4b:s5+s16], $0x40, s6, s16, $0xb8;
	[tilespmem:$0x1E400] =	vst v63  }
0x129: {  	_ =	swait.ge [sflag:s1], $0x8000  }
0x12a: {  	[sflag:s1] =	ssyncset.done $0x0  }
0x12b: {  	s6 =	simm.s32 $0x6500;
	[sflag:s1] =	ssyncadd.s32 $0xFFFF8000  }
0x12c: {  	v0 =	vld [tilespmem:s6+$0xF0]  }
0x12d: {  	v1 =	vld [tilespmem:s6+$0xFFFFFF10]  }
0x12e: {  	v2 =	vld [tilespmem:s6+$0xFFFFFF20]  }
0x12f: {  	v3 =	vld [tilespmem:s6+$0xFFFFFF30]  }
0x130: {  	v4 =	vld [tilespmem:s6+$0xFFFFFF40]  }
0x131: {  	v5 =	vld [tilespmem:s6+$0xFFFFFF50];
	v0 =	vmul.f32 $8.000000000e+00, v0  }
0x132: {  	v6 =	vld [tilespmem:s6+$0xFFFFFF60];
	v1 =	vmul.f32 $8.000000000e+00, v1  }
0x133: {  	v7 =	vld [tilespmem:s6+$0xFFFFFF70];
	v2 =	vmul.f32 $8.000000000e+00, v2;
	[tilespmem:s6+$0xF0] =	vst v0  }
0x134: {  	[tilespmem:s6+$0xFFFFFF10] =	vst v1;
	v0 =	vmul.f32 $8.000000000e+00, v3;
	v1 =	vld [tilespmem:s6+$0xFFFFFF80]  }
0x135: {  	[tilespmem:s6+$0xFFFFFF20] =	vst v2;
	v2 =	vmul.f32 $8.000000000e+00, v4;
	v3 =	vld [tilespmem:s6+$0xFFFFFF90]  }
0x136: {  	v4 =	vld [tilespmem:s6+$0xFFFFFFA0];
	[tilespmem:s6+$0xFFFFFF30] =	vst v0;
	v0 =	vmul.f32 $8.000000000e+00, v5  }
0x137: {  	[tilespmem:s6+$0xFFFFFF40] =	vst v2;
	v2 =	vmul.f32 $8.000000000e+00, v6;
	v5 =	vld [tilespmem:s6+$0xFFFFFFB0]  }
0x138: {  	v6 =	vld [tilespmem:s6+$0xFFFFFFC0];
	[tilespmem:s6+$0xFFFFFF50] =	vst v0;
	v0 =	vmul.f32 $8.000000000e+00, v7  }
0x139: {  	[tilespmem:s6+$0xFFFFFF60] =	vst v2;
	v2 =	vld [tilespmem:s6+$0xFFFFFFD0];
	v1 =	vmul.f32 $8.000000000e+00, v1  }
0x13a: {  	[tilespmem:s6+$0xFFFFFF70] =	vst v0;
	v0 =	vmul.f32 $8.000000000e+00, v3;
	v3 =	vld [tilespmem:s6+$0xFFFFFFE0]  }
0x13b: {  	[tilespmem:s6+$0xFFFFFF80] =	vst v1;
	v1 =	vmul.f32 $8.000000000e+00, v4;
	v4 =	vld [tilespmem:s6+$0xFFFFFFF0]  }
0x13c: {  	[tilespmem:s6+$0xFFFFFF90] =	vst v0;
	v0 =	vmul.f32 $8.000000000e+00, v5;
	v5 =	vld [tilespmem:s6+$0x0]  }
0x13d: {  	[tilespmem:s6+$0xFFFFFFA0] =	vst v1;
	v1 =	vmul.f32 $8.000000000e+00, v6;
	v6 =	vld [tilespmem:s6+$0x10]  }
0x13e: {  	[tilespmem:s6+$0xFFFFFFB0] =	vst v0;
	v0 =	vmul.f32 $8.000000000e+00, v2;
	v2 =	vld [tilespmem:s6+$0x20]  }
0x13f: {  	[tilespmem:s6+$0xFFFFFFC0] =	vst v1;
	v1 =	vmul.f32 $8.000000000e+00, v3;
	v3 =	vld [tilespmem:s6+$0x30]  }
0x140: {  	[tilespmem:s6+$0xFFFFFFD0] =	vst v0;
	v0 =	vmul.f32 $8.000000000e+00, v4;
	v4 =	vld [tilespmem:s6+$0x40]  }
0x141: {  	[tilespmem:s6+$0xFFFFFFE0] =	vst v1;
	v1 =	vmul.f32 $8.000000000e+00, v5;
	v5 =	vld [tilespmem:s6+$0x50]  }
0x142: {  	[tilespmem:s6+$0xFFFFFFF0] =	vst v0;
	v0 =	vmul.f32 $8.000000000e+00, v6;
	v6 =	vld [tilespmem:s6+$0x60]  }
0x143: {  	[tilespmem:s6+$0x0] =	vst v1;
	v1 =	vmul.f32 $8.000000000e+00, v2;
	v2 =	vld [tilespmem:s6+$0x70]  }
0x144: {  	[tilespmem:s6+$0x10] =	vst v0;
	v0 =	vmul.f32 $8.000000000e+00, v3;
	v3 =	vld [tilespmem:s6+$0x80]  }
0x145: {  	[tilespmem:s6+$0x20] =	vst v1;
	v1 =	vmul.f32 $8.000000000e+00, v4;
	v4 =	vld [tilespmem:s6+$0x90]  }
0x146: {  	v7 =	vld [tilespmem:s6+$0xA0];
	[tilespmem:s6+$0x30] =	vst v0;
	v5 =	vmul.f32 $8.000000000e+00, v5  }
0x147: {  	v0 =	vld [tilespmem:s6+$0xB0];
	[tilespmem:s6+$0x40] =	vst v1;
	v6 =	vmul.f32 $8.000000000e+00, v6  }
0x148: {  	v1 =	vld [tilespmem:s6+$0xC0];
	[tilespmem:s6+$0x50] =	vst v5;
	v5 =	vmul.f32 $8.000000000e+00, v2  }
0x149: {  	v2 =	vld [tilespmem:s6+$0xD0];
	[tilespmem:s6+$0x60] =	vst v6;
	v6 =	vmul.f32 $8.000000000e+00, v3  }
0x14a: {  	v3 =	vld [tilespmem:s6+$0xE0];
	[tilespmem:s6+$0x70] =	vst v5;
	v5 =	vmul.f32 $8.000000000e+00, v4  }
0x14b: {  	s11 =	simm.s32 $0x6700;
	s15 =	simm.s32 $0x0;
	v4 =	vld [tilespmem:s6+$0xFFFFFF00];
	[tilespmem:s6+$0x80] =	vst v6;
	v6 =	vmul.f32 $8.000000000e+00, v7  }
.LBB2_9:
0x14c: {  	v7 =	vld [tilespmem:s11+$0xF0];
	s15 =	sadd.s32 $0x8, s15;
	[tilespmem:s6+$0x90] =	vst v5;
	v0 =	vmul.f32 $8.000000000e+00, v0  }
0x14d: {  	v5 =	vld [tilespmem:s11+$0xFFFFFF10];
	p0 =	slt.u32 s15, $0x1F8;
	[tilespmem:s6+$0xA0] =	vst v6;
	v1 =	vmul.f32 $8.000000000e+00, v1  }
0x14e: {  	v6 =	vld [tilespmem:s11+$0xFFFFFF20];
	[tilespmem:s6+$0xB0] =	vst v0;
	v0 =	vmul.f32 $8.000000000e+00, v2  }
0x14f: {  	v2 =	vld [tilespmem:s11+$0xFFFFFF30];
	[tilespmem:s6+$0xC0] =	vst v1;
	v1 =	vmul.f32 $8.000000000e+00, v3  }
0x150: {  	v3 =	vld [tilespmem:s11+$0xFFFFFF40];
	v4 =	vmul.f32 $8.000000000e+00, v4;
	[tilespmem:s6+$0xD0] =	vst v0  }
0x151: {  	v0 =	vld [tilespmem:s11+$0xFFFFFF50];
	v7 =	vmul.f32 $8.000000000e+00, v7;
	[tilespmem:s6+$0xE0] =	vst v1  }
0x152: {  	v1 =	vmul.f32 $8.000000000e+00, v5;
	v5 =	vld [tilespmem:s11+$0xFFFFFF60];
	[tilespmem:s6+$0xFFFFFF00] =	vst v4;
	s6 =	smov.u32 s11  }
0x153: {  	v4 =	vmul.f32 $8.000000000e+00, v6;
	v6 =	vld [tilespmem:s11+$0xFFFFFF70];
	[tilespmem:s11+$0xF0] =	vst v7  }
0x154: {  	[tilespmem:s11+$0xFFFFFF10] =	vst v1;
	v1 =	vmul.f32 $8.000000000e+00, v2;
	v2 =	vld [tilespmem:s11+$0xFFFFFF80]  }
0x155: {  	[tilespmem:s11+$0xFFFFFF20] =	vst v4;
	v3 =	vmul.f32 $8.000000000e+00, v3;
	v4 =	vld [tilespmem:s11+$0xFFFFFF90]  }
0x156: {  	[tilespmem:s11+$0xFFFFFF30] =	vst v1;
	v0 =	vmul.f32 $8.000000000e+00, v0;
	v1 =	vld [tilespmem:s11+$0xFFFFFFA0]  }
0x157: {  	[tilespmem:s11+$0xFFFFFF40] =	vst v3;
	v3 =	vmul.f32 $8.000000000e+00, v5;
	v5 =	vld [tilespmem:s11+$0xFFFFFFB0]  }
0x158: {  	[tilespmem:s11+$0xFFFFFF50] =	vst v0;
	v0 =	vmul.f32 $8.000000000e+00, v6;
	v6 =	vld [tilespmem:s11+$0xFFFFFFC0]  }
0x159: {  	[tilespmem:s11+$0xFFFFFF60] =	vst v3;
	v2 =	vmul.f32 $8.000000000e+00, v2;
	v3 =	vld [tilespmem:s11+$0xFFFFFFD0]  }
0x15a: {  	[tilespmem:s11+$0xFFFFFF70] =	vst v0;
	v0 =	vmul.f32 $8.000000000e+00, v4;
	v4 =	vld [tilespmem:s11+$0xFFFFFFE0]  }
0x15b: {  	[tilespmem:s11+$0xFFFFFF80] =	vst v2;
	v1 =	vmul.f32 $8.000000000e+00, v1;
	v2 =	vld [tilespmem:s11+$0xFFFFFFF0]  }
0x15c: {  	[tilespmem:s11+$0xFFFFFF90] =	vst v0;
	v0 =	vmul.f32 $8.000000000e+00, v5;
	v5 =	vld [tilespmem:s11+$0x0]  }
0x15d: {  	[tilespmem:s11+$0xFFFFFFA0] =	vst v1;
	v1 =	vmul.f32 $8.000000000e+00, v6;
	v6 =	vld [tilespmem:s11+$0x10]  }
0x15e: {  	[tilespmem:s11+$0xFFFFFFB0] =	vst v0;
	v0 =	vmul.f32 $8.000000000e+00, v3;
	v3 =	vld [tilespmem:s11+$0x20]  }
0x15f: {  	[tilespmem:s11+$0xFFFFFFC0] =	vst v1;
	v1 =	vmul.f32 $8.000000000e+00, v4;
	v4 =	vld [tilespmem:s11+$0x30]  }
0x160: {  	[tilespmem:s11+$0xFFFFFFD0] =	vst v0;
	v0 =	vmul.f32 $8.000000000e+00, v2;
	v2 =	vld [tilespmem:s11+$0x40]  }
0x161: {  	[tilespmem:s11+$0xFFFFFFE0] =	vst v1;
	v1 =	vmul.f32 $8.000000000e+00, v5;
	v5 =	vld [tilespmem:s11+$0x50]  }
0x162: {  	[tilespmem:s11+$0xFFFFFFF0] =	vst v0;
	v0 =	vmul.f32 $8.000000000e+00, v6;
	v6 =	vld [tilespmem:s11+$0x60]  }
0x163: {  	[tilespmem:s11+$0x0] =	vst v1;
	v1 =	vmul.f32 $8.000000000e+00, v3;
	v3 =	vld [tilespmem:s11+$0x70]  }
0x164: {  	[tilespmem:s11+$0x10] =	vst v0;
	v0 =	vmul.f32 $8.000000000e+00, v4;
	v4 =	vld [tilespmem:s11+$0x80]  }
0x165: {  	[tilespmem:s11+$0x20] =	vst v1;
	v1 =	vmul.f32 $8.000000000e+00, v2;
	v7 =	vld [tilespmem:s11+$0x90]  }
0x166: {  	[tilespmem:s11+$0x30] =	vst v0;
	v2 =	vmul.f32 $8.000000000e+00, v5;
	v8 =	vld [tilespmem:s11+$0xA0]  }
.Ltmp3:
0x167: {  	[tilespmem:s11+$0x40] =	vst v1;
	v5 =	vmul.f32 $8.000000000e+00, v6;
	v0 =	vld [tilespmem:s11+$0xB0];
	(pc) =	sbr.rel @p0 .LBB2_9-.Ltmp3, $4  }
0x168: {  	[tilespmem:s11+$0x50] =	vst v2;
	v3 =	vmul.f32 $8.000000000e+00, v3;
	v1 =	vld [tilespmem:s11+$0xC0]  }
0x169: {  	[tilespmem:s11+$0x60] =	vst v5;
	v6 =	vmul.f32 $8.000000000e+00, v4;
	v2 =	vld [tilespmem:s11+$0xD0]  }
0x16a: {  	[tilespmem:s11+$0x70] =	vst v3;
	v5 =	vmul.f32 $8.000000000e+00, v7;
	v3 =	vld [tilespmem:s11+$0xE0]  }
0x16b: {  	s11 =	sadd.s32 $0x200, s11;
	v4 =	vld [tilespmem:s6+$0xFFFFFF00];
	[tilespmem:s6+$0x80] =	vst v6;
	v6 =	vmul.f32 $8.000000000e+00, v8  }
0x16c: {  	[tilespmem:s6+$0x90] =	vst v5;
	v0 =	vmul.f32 $8.000000000e+00, v0  }
0x16d: {  	[tilespmem:s6+$0xA0] =	vst v6;
	v1 =	vmul.f32 $8.000000000e+00, v1  }
0x16e: {  	[tilespmem:s6+$0xB0] =	vst v0;
	v0 =	vmul.f32 $8.000000000e+00, v2  }
0x16f: {  	s11 =	sadd.s32 s14, s10;
	[tilespmem:s6+$0xC0] =	vst v1;
	v1 =	vmul.f32 $8.000000000e+00, v3  }
0x170: {  	s11 =	sshll.u32 s11, $0x3;
	v2 =	vmul.f32 $8.000000000e+00, v4;
	[tilespmem:s6+$0xD0] =	vst v0  }
0x171: {  	s11 =	sand.u32 $0x1FFFF000, s11;
	[tilespmem:s6+$0xE0] =	vst v1  }
0x172: {  	s14 =	smul.u32 $0x1800, s12;
	s11 =	sadd.s32 s2, s11;
	[tilespmem:s6+$0xFFFFFF00] =	vst v2  }
0x173: {  	[hbm4b:s11+s3] =	stream.linear.scatter [tilespmem:s17], [sflag:$0x4], $0x8000, $0x38;
	[tilespmem:$0x1E400] =	vst v63  }
0x174: {  	_ =	swait.ge [sflag:s8], $0x8000  }
0x175: {  	s14 =	sshra.s32 s14, $0x2;
	[sflag:s8] =	ssyncset.done $0x0  }
0x176: {  	s6 =	sadd.s32 $0xA00, s14;
	[sflag:s8] =	ssyncadd.s32 $0xFFFF8000  }
0x177: {  	[tilespmem:s19], [sflag:$0x3] =	stream.indirect.gather [hbm4b:s5+s16], $0x40, s6, s16, $0xb8;
	[tilespmem:$0x1E400] =	vst v63  }
0x178: {  	s15 =	sadd.s32 $0xA80, s14  }
0x179: {  	[tilespmem:s23], [sflag:$0x3] =	stream.indirect.gather [hbm4b:s5+s16], $0x40, s15, s16, $0xb8;
	[tilespmem:$0x1E400] =	vst v63  }
0x17a: {  	s11 =	sadd.s32 $0xB00, s14  }
0x17b: {  	[tilespmem:s28], [sflag:$0x3] =	stream.indirect.gather [hbm4b:s5+s16], $0x40, s11, s16, $0xb8;
	[tilespmem:$0x1E400] =	vst v63  }
0x17c: {  	s15 =	sadd.s32 $0xB80, s14  }
0x17d: {  	[tilespmem:s0], [sflag:$0x3] =	stream.indirect.gather [hbm4b:s5+s16], $0x40, s15, s16, $0xb8;
	[tilespmem:$0x1E400] =	vst v63  }
0x17e: {  	_ =	swait.ge [sflag:s21], $0x8000  }
0x17f: {  	[sflag:s21] =	ssyncset.done $0x0  }
0x180: {  	s6 =	simm.s32 $0xE400;
	[sflag:s21] =	ssyncadd.s32 $0xFFFF8000  }
0x181: {  	v0 =	vld [tilespmem:s6+$0x1F0]  }
0x182: {  	v1 =	vld [tilespmem:s6+$0x10]  }
0x183: {  	v2 =	vld [tilespmem:s6+$0x20]  }
0x184: {  	v3 =	vld [tilespmem:s6+$0x30]  }
0x185: {  	v4 =	vld [tilespmem:s6+$0x40]  }
0x186: {  	v5 =	vld [tilespmem:s6+$0x50];
	v0 =	vmul.f32 $8.000000000e+00, v0  }
0x187: {  	v6 =	vld [tilespmem:s6+$0x60];
	v1 =	vmul.f32 $8.000000000e+00, v1  }
0x188: {  	v7 =	vld [tilespmem:s6+$0x70];
	v2 =	vmul.f32 $8.000000000e+00, v2;
	[tilespmem:s6+$0x1F0] =	vst v0  }
0x189: {  	[tilespmem:s6+$0x10] =	vst v1;
	v0 =	vmul.f32 $8.000000000e+00, v3;
	v1 =	vld [tilespmem:s6+$0x80]  }
0x18a: {  	[tilespmem:s6+$0x20] =	vst v2;
	v2 =	vmul.f32 $8.000000000e+00, v4;
	v3 =	vld [tilespmem:s6+$0x90]  }
0x18b: {  	v4 =	vld [tilespmem:s6+$0xA0];
	[tilespmem:s6+$0x30] =	vst v0;
	v0 =	vmul.f32 $8.000000000e+00, v5  }
0x18c: {  	[tilespmem:s6+$0x40] =	vst v2;
	v2 =	vmul.f32 $8.000000000e+00, v6;
	v5 =	vld [tilespmem:s6+$0xB0]  }
0x18d: {  	v6 =	vld [tilespmem:s6+$0xC0];
	[tilespmem:s6+$0x50] =	vst v0;
	v0 =	vmul.f32 $8.000000000e+00, v7  }
0x18e: {  	[tilespmem:s6+$0x60] =	vst v2;
	v2 =	vld [tilespmem:s6+$0xD0];
	v1 =	vmul.f32 $8.000000000e+00, v1  }
0x18f: {  	[tilespmem:s6+$0x70] =	vst v0;
	v0 =	vmul.f32 $8.000000000e+00, v3;
	v3 =	vld [tilespmem:s6+$0xE0]  }
0x190: {  	[tilespmem:s6+$0x80] =	vst v1;
	v1 =	vmul.f32 $8.000000000e+00, v4;
	v4 =	vld [tilespmem:s6+$0xF0]  }
0x191: {  	[tilespmem:s6+$0x90] =	vst v0;
	v0 =	vmul.f32 $8.000000000e+00, v5;
	v5 =	vld [tilespmem:s6+$0x100]  }
0x192: {  	[tilespmem:s6+$0xA0] =	vst v1;
	v1 =	vmul.f32 $8.000000000e+00, v6;
	v6 =	vld [tilespmem:s6+$0x110]  }
0x193: {  	[tilespmem:s6+$0xB0] =	vst v0;
	v0 =	vmul.f32 $8.000000000e+00, v2;
	v2 =	vld [tilespmem:s6+$0x120]  }
0x194: {  	[tilespmem:s6+$0xC0] =	vst v1;
	v1 =	vmul.f32 $8.000000000e+00, v3;
	v3 =	vld [tilespmem:s6+$0x130]  }
0x195: {  	[tilespmem:s6+$0xD0] =	vst v0;
	v0 =	vmul.f32 $8.000000000e+00, v4;
	v4 =	vld [tilespmem:s6+$0x140]  }
0x196: {  	[tilespmem:s6+$0xE0] =	vst v1;
	v1 =	vmul.f32 $8.000000000e+00, v5;
	v5 =	vld [tilespmem:s6+$0x150]  }
0x197: {  	[tilespmem:s6+$0xF0] =	vst v0;
	v0 =	vmul.f32 $8.000000000e+00, v6;
	v6 =	vld [tilespmem:s6+$0x160]  }
0x198: {  	[tilespmem:s6+$0x100] =	vst v1;
	v1 =	vmul.f32 $8.000000000e+00, v2;
	v2 =	vld [tilespmem:s6+$0x170]  }
0x199: {  	[tilespmem:s6+$0x110] =	vst v0;
	v0 =	vmul.f32 $8.000000000e+00, v3;
	v3 =	vld [tilespmem:s6+$0x180]  }
0x19a: {  	[tilespmem:s6+$0x120] =	vst v1;
	v1 =	vmul.f32 $8.000000000e+00, v4;
	v4 =	vld [tilespmem:s6+$0x190]  }
0x19b: {  	v7 =	vld [tilespmem:s6+$0x1A0];
	[tilespmem:s6+$0x130] =	vst v0;
	v5 =	vmul.f32 $8.000000000e+00, v5  }
0x19c: {  	v0 =	vld [tilespmem:s6+$0x1B0];
	[tilespmem:s6+$0x140] =	vst v1;
	v6 =	vmul.f32 $8.000000000e+00, v6  }
0x19d: {  	v1 =	vld [tilespmem:s6+$0x1C0];
	[tilespmem:s6+$0x150] =	vst v5;
	v5 =	vmul.f32 $8.000000000e+00, v2  }
0x19e: {  	v2 =	vld [tilespmem:s6+$0x1D0];
	[tilespmem:s6+$0x160] =	vst v6;
	v6 =	vmul.f32 $8.000000000e+00, v3  }
0x19f: {  	v3 =	vld [tilespmem:s6+$0x1E0];
	[tilespmem:s6+$0x170] =	vst v5;
	v5 =	vmul.f32 $8.000000000e+00, v4  }
0x1a0: {  	s11 =	simm.s32 $0xE600;
	s15 =	simm.s32 $0x0;
	v4 =	vld [tilespmem:s6+$0x0];
	[tilespmem:s6+$0x180] =	vst v6;
	v6 =	vmul.f32 $8.000000000e+00, v7  }
.LBB2_11:
0x1a1: {  	v7 =	vld [tilespmem:s11+$0x1F0];
	s15 =	sadd.s32 $0x8, s15;
	[tilespmem:s6+$0x190] =	vst v5;
	v0 =	vmul.f32 $8.000000000e+00, v0  }
0x1a2: {  	v5 =	vld [tilespmem:s11+$0x10];
	p0 =	slt.u32 s15, $0x1F8;
	[tilespmem:s6+$0x1A0] =	vst v6;
	v1 =	vmul.f32 $8.000000000e+00, v1  }
0x1a3: {  	v6 =	vld [tilespmem:s11+$0x20];
	[tilespmem:s6+$0x1B0] =	vst v0;
	v0 =	vmul.f32 $8.000000000e+00, v2  }
0x1a4: {  	v2 =	vld [tilespmem:s11+$0x30];
	[tilespmem:s6+$0x1C0] =	vst v1;
	v1 =	vmul.f32 $8.000000000e+00, v3  }
0x1a5: {  	v3 =	vld [tilespmem:s11+$0x40];
	v4 =	vmul.f32 $8.000000000e+00, v4;
	[tilespmem:s6+$0x1D0] =	vst v0  }
0x1a6: {  	v0 =	vld [tilespmem:s11+$0x50];
	v7 =	vmul.f32 $8.000000000e+00, v7;
	[tilespmem:s6+$0x1E0] =	vst v1  }
0x1a7: {  	v1 =	vmul.f32 $8.000000000e+00, v5;
	v5 =	vld [tilespmem:s11+$0x60];
	[tilespmem:s6+$0x0] =	vst v4;
	s6 =	smov.u32 s11  }
0x1a8: {  	v4 =	vmul.f32 $8.000000000e+00, v6;
	v6 =	vld [tilespmem:s11+$0x70];
	[tilespmem:s11+$0x1F0] =	vst v7  }
0x1a9: {  	[tilespmem:s11+$0x10] =	vst v1;
	v1 =	vmul.f32 $8.000000000e+00, v2;
	v2 =	vld [tilespmem:s11+$0x80]  }
0x1aa: {  	[tilespmem:s11+$0x20] =	vst v4;
	v3 =	vmul.f32 $8.000000000e+00, v3;
	v4 =	vld [tilespmem:s11+$0x90]  }
0x1ab: {  	[tilespmem:s11+$0x30] =	vst v1;
	v0 =	vmul.f32 $8.000000000e+00, v0;
	v1 =	vld [tilespmem:s11+$0xA0]  }
0x1ac: {  	[tilespmem:s11+$0x40] =	vst v3;
	v3 =	vmul.f32 $8.000000000e+00, v5;
	v5 =	vld [tilespmem:s11+$0xB0]  }
0x1ad: {  	[tilespmem:s11+$0x50] =	vst v0;
	v0 =	vmul.f32 $8.000000000e+00, v6;
	v6 =	vld [tilespmem:s11+$0xC0]  }
0x1ae: {  	[tilespmem:s11+$0x60] =	vst v3;
	v2 =	vmul.f32 $8.000000000e+00, v2;
	v3 =	vld [tilespmem:s11+$0xD0]  }
0x1af: {  	[tilespmem:s11+$0x70] =	vst v0;
	v0 =	vmul.f32 $8.000000000e+00, v4;
	v4 =	vld [tilespmem:s11+$0xE0]  }
0x1b0: {  	[tilespmem:s11+$0x80] =	vst v2;
	v1 =	vmul.f32 $8.000000000e+00, v1;
	v2 =	vld [tilespmem:s11+$0xF0]  }
0x1b1: {  	[tilespmem:s11+$0x90] =	vst v0;
	v0 =	vmul.f32 $8.000000000e+00, v5;
	v5 =	vld [tilespmem:s11+$0x100]  }
0x1b2: {  	[tilespmem:s11+$0xA0] =	vst v1;
	v1 =	vmul.f32 $8.000000000e+00, v6;
	v6 =	vld [tilespmem:s11+$0x110]  }
0x1b3: {  	[tilespmem:s11+$0xB0] =	vst v0;
	v0 =	vmul.f32 $8.000000000e+00, v3;
	v3 =	vld [tilespmem:s11+$0x120]  }
0x1b4: {  	[tilespmem:s11+$0xC0] =	vst v1;
	v1 =	vmul.f32 $8.000000000e+00, v4;
	v4 =	vld [tilespmem:s11+$0x130]  }
0x1b5: {  	[tilespmem:s11+$0xD0] =	vst v0;
	v0 =	vmul.f32 $8.000000000e+00, v2;
	v2 =	vld [tilespmem:s11+$0x140]  }
0x1b6: {  	[tilespmem:s11+$0xE0] =	vst v1;
	v1 =	vmul.f32 $8.000000000e+00, v5;
	v5 =	vld [tilespmem:s11+$0x150]  }
0x1b7: {  	[tilespmem:s11+$0xF0] =	vst v0;
	v0 =	vmul.f32 $8.000000000e+00, v6;
	v6 =	vld [tilespmem:s11+$0x160]  }
0x1b8: {  	[tilespmem:s11+$0x100] =	vst v1;
	v1 =	vmul.f32 $8.000000000e+00, v3;
	v3 =	vld [tilespmem:s11+$0x170]  }
0x1b9: {  	[tilespmem:s11+$0x110] =	vst v0;
	v0 =	vmul.f32 $8.000000000e+00, v4;
	v4 =	vld [tilespmem:s11+$0x180]  }
0x1ba: {  	[tilespmem:s11+$0x120] =	vst v1;
	v1 =	vmul.f32 $8.000000000e+00, v2;
	v7 =	vld [tilespmem:s11+$0x190]  }
0x1bb: {  	[tilespmem:s11+$0x130] =	vst v0;
	v2 =	vmul.f32 $8.000000000e+00, v5;
	v8 =	vld [tilespmem:s11+$0x1A0]  }
.Ltmp4:
0x1bc: {  	[tilespmem:s11+$0x140] =	vst v1;
	v5 =	vmul.f32 $8.000000000e+00, v6;
	v0 =	vld [tilespmem:s11+$0x1B0];
	(pc) =	sbr.rel @p0 .LBB2_11-.Ltmp4, $4  }
0x1bd: {  	[tilespmem:s11+$0x150] =	vst v2;
	v3 =	vmul.f32 $8.000000000e+00, v3;
	v1 =	vld [tilespmem:s11+$0x1C0]  }
0x1be: {  	[tilespmem:s11+$0x160] =	vst v5;
	v6 =	vmul.f32 $8.000000000e+00, v4;
	v2 =	vld [tilespmem:s11+$0x1D0]  }
0x1bf: {  	[tilespmem:s11+$0x170] =	vst v3;
	v5 =	vmul.f32 $8.000000000e+00, v7;
	v3 =	vld [tilespmem:s11+$0x1E0]  }
0x1c0: {  	s11 =	sadd.s32 $0x200, s11;
	v4 =	vld [tilespmem:s6+$0x0];
	[tilespmem:s6+$0x180] =	vst v6;
	v6 =	vmul.f32 $8.000000000e+00, v8  }
0x1c1: {  	[tilespmem:s6+$0x190] =	vst v5;
	v0 =	vmul.f32 $8.000000000e+00, v0  }
0x1c2: {  	[tilespmem:s6+$0x1A0] =	vst v6;
	v1 =	vmul.f32 $8.000000000e+00, v1  }
0x1c3: {  	[tilespmem:s6+$0x1B0] =	vst v0;
	v61 =	vmul.f32 $8.000000000e+00, v2  }
0x1c4: {  	s11 =	sshll.u32 s13, $0xF;
	[tilespmem:s6+$0x1C0] =	vst v1;
	v62 =	vmul.f32 $8.000000000e+00, v3  }
0x1c5: {  	s11 =	sadd.s32 s4, s11;
	v63 =	vmul.f32 $8.000000000e+00, v4;
	[tilespmem:s6+$0x1D0] =	vst v61  }
0x1c6: {  	s11 =	sshrl.u32 s11, $0x3;
	[tilespmem:s6+$0x1E0] =	vst v62  }
0x1c7: {  	s13 =	sadd.s32 s2, s11;
	[tilespmem:s6+$0x0] =	vst v63  }
0x1c8: {  	[hbm4b:s13+s3] =	stream.linear.scatter [tilespmem:s24], [sflag:$0x5], $0x8000, $0x38;
	[tilespmem:$0x1E400] =	vst v63  }
0x1c9: {  	_ =	swait.ge [sflag:s25], $0x8000  }
0x1ca: {  	[sflag:s25] =	ssyncset.done $0x0  }
0x1cb: {  	s15 =	sadd.s32 $0xC00, s14;
	s12 =	sadd.s32 $0x1, s12;
	[sflag:s25] =	ssyncadd.s32 $0xFFFF8000  }
0x1cc: {  	[tilespmem:s17], [sflag:$0x1] =	stream.indirect.gather [hbm4b:s5+s16], $0x40, s15, s16, $0xb8;
	[tilespmem:$0x1E400] =	vst v63  }
0x1cd: {  	p0 =	sne.s32 s12, $0xF;
	s11 =	sadd.s32 $0xC80, s14  }
0x1ce: {  	[tilespmem:s18], [sflag:$0x1] =	stream.indirect.gather [hbm4b:s5+s16], $0x40, s11, s16, $0xb8;
	[tilespmem:$0x1E400] =	vst v63  }
.Ltmp5:
0x1cf: {  	_ = 	snop;
	(pc) =	sbr.rel @p0 .LBB2_6-.Ltmp5, $4  }
0x1d0: {  	s13 =	sadd.s32 $0xD00, s14  }
0x1d1: {  	[tilespmem:s20], [sflag:$0x1] =	stream.indirect.gather [hbm4b:s5+s16], $0x40, s13, s16, $0xb8;
	[tilespmem:$0x1E400] =	vst v63  }
0x1d2: {  	s15 =	sadd.s32 $0xD80, s14  }
0x1d3: {  	[tilespmem:s22], [sflag:$0x1] =	stream.indirect.gather [hbm4b:s5+s16], $0x40, s15, s16, $0xb8;
	[tilespmem:$0x1E400] =	vst v63  }
0x1d4: {  	_ =	swait.ge [sflag:s30], $0x8000  }
0x1d5: {  	[sflag:s30] =	ssyncset.done $0x0  }
0x1d6: {  	s6 =	simm.s32 $0x16400;
	[sflag:s30] =	ssyncadd.s32 $0xFFFF8000  }
0x1d7: {  	v0 =	vld [tilespmem:s6+$0x1F0]  }
0x1d8: {  	v1 =	vld [tilespmem:s6+$0x10]  }
0x1d9: {  	v2 =	vld [tilespmem:s6+$0x20]  }
0x1da: {  	v3 =	vld [tilespmem:s6+$0x30]  }
0x1db: {  	v4 =	vld [tilespmem:s6+$0x40]  }
0x1dc: {  	v5 =	vld [tilespmem:s6+$0x50];
	v0 =	vmul.f32 $8.000000000e+00, v0  }
0x1dd: {  	v6 =	vld [tilespmem:s6+$0x60];
	v1 =	vmul.f32 $8.000000000e+00, v1  }
0x1de: {  	v7 =	vld [tilespmem:s6+$0x70];
	v2 =	vmul.f32 $8.000000000e+00, v2;
	[tilespmem:s6+$0x1F0] =	vst v0  }
0x1df: {  	[tilespmem:s6+$0x10] =	vst v1;
	v0 =	vmul.f32 $8.000000000e+00, v3;
	v1 =	vld [tilespmem:s6+$0x80]  }
0x1e0: {  	[tilespmem:s6+$0x20] =	vst v2;
	v2 =	vmul.f32 $8.000000000e+00, v4;
	v3 =	vld [tilespmem:s6+$0x90]  }
0x1e1: {  	v4 =	vld [tilespmem:s6+$0xA0];
	[tilespmem:s6+$0x30] =	vst v0;
	v0 =	vmul.f32 $8.000000000e+00, v5  }
0x1e2: {  	[tilespmem:s6+$0x40] =	vst v2;
	v2 =	vmul.f32 $8.000000000e+00, v6;
	v5 =	vld [tilespmem:s6+$0xB0]  }
0x1e3: {  	v6 =	vld [tilespmem:s6+$0xC0];
	[tilespmem:s6+$0x50] =	vst v0;
	v0 =	vmul.f32 $8.000000000e+00, v7  }
0x1e4: {  	[tilespmem:s6+$0x60] =	vst v2;
	v2 =	vld [tilespmem:s6+$0xD0];
	v1 =	vmul.f32 $8.000000000e+00, v1  }
0x1e5: {  	[tilespmem:s6+$0x70] =	vst v0;
	v0 =	vmul.f32 $8.000000000e+00, v3;
	v3 =	vld [tilespmem:s6+$0xE0]  }
0x1e6: {  	[tilespmem:s6+$0x80] =	vst v1;
	v1 =	vmul.f32 $8.000000000e+00, v4;
	v4 =	vld [tilespmem:s6+$0xF0]  }
0x1e7: {  	[tilespmem:s6+$0x90] =	vst v0;
	v0 =	vmul.f32 $8.000000000e+00, v5;
	v5 =	vld [tilespmem:s6+$0x100]  }
0x1e8: {  	[tilespmem:s6+$0xA0] =	vst v1;
	v1 =	vmul.f32 $8.000000000e+00, v6;
	v6 =	vld [tilespmem:s6+$0x110]  }
0x1e9: {  	[tilespmem:s6+$0xB0] =	vst v0;
	v0 =	vmul.f32 $8.000000000e+00, v2;
	v2 =	vld [tilespmem:s6+$0x120]  }
0x1ea: {  	[tilespmem:s6+$0xC0] =	vst v1;
	v1 =	vmul.f32 $8.000000000e+00, v3;
	v3 =	vld [tilespmem:s6+$0x130]  }
0x1eb: {  	[tilespmem:s6+$0xD0] =	vst v0;
	v0 =	vmul.f32 $8.000000000e+00, v4;
	v4 =	vld [tilespmem:s6+$0x140]  }
0x1ec: {  	[tilespmem:s6+$0xE0] =	vst v1;
	v1 =	vmul.f32 $8.000000000e+00, v5;
	v5 =	vld [tilespmem:s6+$0x150]  }
0x1ed: {  	[tilespmem:s6+$0xF0] =	vst v0;
	v0 =	vmul.f32 $8.000000000e+00, v6;
	v6 =	vld [tilespmem:s6+$0x160]  }
0x1ee: {  	[tilespmem:s6+$0x100] =	vst v1;
	v1 =	vmul.f32 $8.000000000e+00, v2;
	v2 =	vld [tilespmem:s6+$0x170]  }
0x1ef: {  	[tilespmem:s6+$0x110] =	vst v0;
	v0 =	vmul.f32 $8.000000000e+00, v3;
	v3 =	vld [tilespmem:s6+$0x180]  }
0x1f0: {  	[tilespmem:s6+$0x120] =	vst v1;
	v1 =	vmul.f32 $8.000000000e+00, v4;
	v4 =	vld [tilespmem:s6+$0x190]  }
0x1f1: {  	v7 =	vld [tilespmem:s6+$0x1A0];
	[tilespmem:s6+$0x130] =	vst v0;
	v5 =	vmul.f32 $8.000000000e+00, v5  }
0x1f2: {  	v0 =	vld [tilespmem:s6+$0x1B0];
	[tilespmem:s6+$0x140] =	vst v1;
	v6 =	vmul.f32 $8.000000000e+00, v6  }
0x1f3: {  	v1 =	vld [tilespmem:s6+$0x1C0];
	[tilespmem:s6+$0x150] =	vst v5;
	v5 =	vmul.f32 $8.000000000e+00, v2  }
0x1f4: {  	v2 =	vld [tilespmem:s6+$0x1D0];
	[tilespmem:s6+$0x160] =	vst v6;
	v6 =	vmul.f32 $8.000000000e+00, v3  }
0x1f5: {  	v3 =	vld [tilespmem:s6+$0x1E0];
	[tilespmem:s6+$0x170] =	vst v5;
	v5 =	vmul.f32 $8.000000000e+00, v4  }
0x1f6: {  	s12 =	simm.s32 $0x0;
	s11 =	simm.s32 $0x16600;
	v4 =	vld [tilespmem:s6+$0x0];
	[tilespmem:s6+$0x180] =	vst v6;
	v6 =	vmul.f32 $8.000000000e+00, v7  }
.LBB2_14:
0x1f7: {  	v7 =	vld [tilespmem:s11+$0x1F0];
	s12 =	sadd.s32 $0x8, s12;
	[tilespmem:s6+$0x190] =	vst v5;
	v0 =	vmul.f32 $8.000000000e+00, v0  }
0x1f8: {  	v5 =	vld [tilespmem:s11+$0x10];
	p0 =	slt.u32 s12, $0x1F8;
	[tilespmem:s6+$0x1A0] =	vst v6;
	v1 =	vmul.f32 $8.000000000e+00, v1  }
0x1f9: {  	v6 =	vld [tilespmem:s11+$0x20];
	[tilespmem:s6+$0x1B0] =	vst v0;
	v0 =	vmul.f32 $8.000000000e+00, v2  }
0x1fa: {  	v2 =	vld [tilespmem:s11+$0x30];
	[tilespmem:s6+$0x1C0] =	vst v1;
	v1 =	vmul.f32 $8.000000000e+00, v3  }
0x1fb: {  	v3 =	vld [tilespmem:s11+$0x40];
	v4 =	vmul.f32 $8.000000000e+00, v4;
	[tilespmem:s6+$0x1D0] =	vst v0  }
0x1fc: {  	v0 =	vld [tilespmem:s11+$0x50];
	v7 =	vmul.f32 $8.000000000e+00, v7;
	[tilespmem:s6+$0x1E0] =	vst v1  }
0x1fd: {  	v1 =	vmul.f32 $8.000000000e+00, v5;
	v5 =	vld [tilespmem:s11+$0x60];
	[tilespmem:s6+$0x0] =	vst v4;
	s6 =	smov.u32 s11  }
0x1fe: {  	v4 =	vmul.f32 $8.000000000e+00, v6;
	v6 =	vld [tilespmem:s11+$0x70];
	[tilespmem:s11+$0x1F0] =	vst v7  }
0x1ff: {  	[tilespmem:s11+$0x10] =	vst v1;
	v1 =	vmul.f32 $8.000000000e+00, v2;
	v2 =	vld [tilespmem:s11+$0x80]  }
0x200: {  	[tilespmem:s11+$0x20] =	vst v4;
	v3 =	vmul.f32 $8.000000000e+00, v3;
	v4 =	vld [tilespmem:s11+$0x90]  }
0x201: {  	[tilespmem:s11+$0x30] =	vst v1;
	v0 =	vmul.f32 $8.000000000e+00, v0;
	v1 =	vld [tilespmem:s11+$0xA0]  }
0x202: {  	[tilespmem:s11+$0x40] =	vst v3;
	v3 =	vmul.f32 $8.000000000e+00, v5;
	v5 =	vld [tilespmem:s11+$0xB0]  }
0x203: {  	[tilespmem:s11+$0x50] =	vst v0;
	v0 =	vmul.f32 $8.000000000e+00, v6;
	v6 =	vld [tilespmem:s11+$0xC0]  }
0x204: {  	[tilespmem:s11+$0x60] =	vst v3;
	v2 =	vmul.f32 $8.000000000e+00, v2;
	v3 =	vld [tilespmem:s11+$0xD0]  }
0x205: {  	[tilespmem:s11+$0x70] =	vst v0;
	v0 =	vmul.f32 $8.000000000e+00, v4;
	v4 =	vld [tilespmem:s11+$0xE0]  }
0x206: {  	[tilespmem:s11+$0x80] =	vst v2;
	v1 =	vmul.f32 $8.000000000e+00, v1;
	v2 =	vld [tilespmem:s11+$0xF0]  }
0x207: {  	[tilespmem:s11+$0x90] =	vst v0;
	v0 =	vmul.f32 $8.000000000e+00, v5;
	v5 =	vld [tilespmem:s11+$0x100]  }
0x208: {  	[tilespmem:s11+$0xA0] =	vst v1;
	v1 =	vmul.f32 $8.000000000e+00, v6;
	v6 =	vld [tilespmem:s11+$0x110]  }
0x209: {  	[tilespmem:s11+$0xB0] =	vst v0;
	v0 =	vmul.f32 $8.000000000e+00, v3;
	v3 =	vld [tilespmem:s11+$0x120]  }
0x20a: {  	[tilespmem:s11+$0xC0] =	vst v1;
	v1 =	vmul.f32 $8.000000000e+00, v4;
	v4 =	vld [tilespmem:s11+$0x130]  }
0x20b: {  	[tilespmem:s11+$0xD0] =	vst v0;
	v0 =	vmul.f32 $8.000000000e+00, v2;
	v2 =	vld [tilespmem:s11+$0x140]  }
0x20c: {  	[tilespmem:s11+$0xE0] =	vst v1;
	v1 =	vmul.f32 $8.000000000e+00, v5;
	v5 =	vld [tilespmem:s11+$0x150]  }
0x20d: {  	[tilespmem:s11+$0xF0] =	vst v0;
	v0 =	vmul.f32 $8.000000000e+00, v6;
	v6 =	vld [tilespmem:s11+$0x160]  }
0x20e: {  	[tilespmem:s11+$0x100] =	vst v1;
	v1 =	vmul.f32 $8.000000000e+00, v3;
	v3 =	vld [tilespmem:s11+$0x170]  }
0x20f: {  	[tilespmem:s11+$0x110] =	vst v0;
	v0 =	vmul.f32 $8.000000000e+00, v4;
	v4 =	vld [tilespmem:s11+$0x180]  }
0x210: {  	[tilespmem:s11+$0x120] =	vst v1;
	v1 =	vmul.f32 $8.000000000e+00, v2;
	v7 =	vld [tilespmem:s11+$0x190]  }
0x211: {  	[tilespmem:s11+$0x130] =	vst v0;
	v2 =	vmul.f32 $8.000000000e+00, v5;
	v8 =	vld [tilespmem:s11+$0x1A0]  }
.Ltmp6:
0x212: {  	[tilespmem:s11+$0x140] =	vst v1;
	v5 =	vmul.f32 $8.000000000e+00, v6;
	v0 =	vld [tilespmem:s11+$0x1B0];
	(pc) =	sbr.rel @p0 .LBB2_14-.Ltmp6, $4  }
0x213: {  	[tilespmem:s11+$0x150] =	vst v2;
	v3 =	vmul.f32 $8.000000000e+00, v3;
	v1 =	vld [tilespmem:s11+$0x1C0]  }
0x214: {  	[tilespmem:s11+$0x160] =	vst v5;
	v6 =	vmul.f32 $8.000000000e+00, v4;
	v2 =	vld [tilespmem:s11+$0x1D0]  }
0x215: {  	[tilespmem:s11+$0x170] =	vst v3;
	v5 =	vmul.f32 $8.000000000e+00, v7;
	v3 =	vld [tilespmem:s11+$0x1E0]  }
0x216: {  	s11 =	sadd.s32 $0x200, s11;
	v4 =	vld [tilespmem:s6+$0x0];
	[tilespmem:s6+$0x180] =	vst v6;
	v6 =	vmul.f32 $8.000000000e+00, v8  }
0x217: {  	[tilespmem:s6+$0x190] =	vst v5;
	v0 =	vmul.f32 $8.000000000e+00, v0  }
0x218: {  	[tilespmem:s6+$0x1A0] =	vst v6;
	v1 =	vmul.f32 $8.000000000e+00, v1  }
0x219: {  	[tilespmem:s6+$0x1B0] =	vst v0;
	v0 =	vmul.f32 $8.000000000e+00, v2  }
0x21a: {  	[tilespmem:s6+$0x1C0] =	vst v1;
	v1 =	vmul.f32 $8.000000000e+00, v3  }
0x21b: {  	v2 =	vmul.f32 $8.000000000e+00, v4;
	[tilespmem:s6+$0x1D0] =	vst v0  }
0x21c: {  	[tilespmem:s6+$0x1E0] =	vst v1  }
0x21d: {  	[tilespmem:s6+$0x0] =	vst v2  }
0x21e: {  	s6 =	rddreg [dreg:$0x6]  }
0x21f: {  	[hbm4b:s6+s3] =	stream.linear.scatter [tilespmem:s19], [sflag:$0x6], $0x8000, $0x38;
	[tilespmem:$0x1E400] =	vst v63  }
0x220: {  	_ =	swait.ge [sflag:s7], $0x8000  }
0x221: {  	[sflag:s7] =	ssyncset.done $0x0  }
0x222: {  	s12 =	simm.s32 $0x6200;
	[sflag:s7] =	ssyncadd.s32 $0xFFFF8000  }
0x223: {  	[tilespmem:s24], [sflag:$0x2] =	stream.indirect.gather [hbm4b:s5+s16], $0x40, s12, s16, $0xb8;
	[tilespmem:$0x1E400] =	vst v63  }
0x224: {  	s13 =	simm.s32 $0x6280  }
0x225: {  	[tilespmem:s26], [sflag:$0x2] =	stream.indirect.gather [hbm4b:s5+s16], $0x40, s13, s16, $0xb8;
	[tilespmem:$0x1E400] =	vst v63  }
0x226: {  	s14 =	simm.s32 $0x6300  }
0x227: {  	[tilespmem:s29], [sflag:$0x2] =	stream.indirect.gather [hbm4b:s5+s16], $0x40, s14, s16, $0xb8;
	[tilespmem:$0x1E400] =	vst v63  }
0x228: {  	s15 =	simm.s32 $0x6380  }
0x229: {  	[tilespmem:s31], [sflag:$0x2] =	stream.indirect.gather [hbm4b:s5+s16], $0x40, s15, s16, $0xb8;
	[tilespmem:$0x1E400] =	vst v63  }
0x22a: {  	_ =	swait.ge [sflag:s1], $0x8000  }
0x22b: {  	[sflag:s1] =	ssyncset.done $0x0  }
0x22c: {  	s6 =	simm.s32 $0x6500;
	[sflag:s1] =	ssyncadd.s32 $0xFFFF8000  }
0x22d: {  	v0 =	vld [tilespmem:s6+$0xF0]  }
0x22e: {  	v1 =	vld [tilespmem:s6+$0xFFFFFF10]  }
0x22f: {  	v2 =	vld [tilespmem:s6+$0xFFFFFF20]  }
0x230: {  	v3 =	vld [tilespmem:s6+$0xFFFFFF30]  }
0x231: {  	v4 =	vld [tilespmem:s6+$0xFFFFFF40]  }
0x232: {  	v5 =	vld [tilespmem:s6+$0xFFFFFF50];
	v0 =	vmul.f32 $8.000000000e+00, v0  }
0x233: {  	v6 =	vld [tilespmem:s6+$0xFFFFFF60];
	v1 =	vmul.f32 $8.000000000e+00, v1  }
0x234: {  	v7 =	vld [tilespmem:s6+$0xFFFFFF70];
	v2 =	vmul.f32 $8.000000000e+00, v2;
	[tilespmem:s6+$0xF0] =	vst v0  }
0x235: {  	[tilespmem:s6+$0xFFFFFF10] =	vst v1;
	v0 =	vmul.f32 $8.000000000e+00, v3;
	v1 =	vld [tilespmem:s6+$0xFFFFFF80]  }
0x236: {  	[tilespmem:s6+$0xFFFFFF20] =	vst v2;
	v2 =	vmul.f32 $8.000000000e+00, v4;
	v3 =	vld [tilespmem:s6+$0xFFFFFF90]  }
0x237: {  	v4 =	vld [tilespmem:s6+$0xFFFFFFA0];
	[tilespmem:s6+$0xFFFFFF30] =	vst v0;
	v0 =	vmul.f32 $8.000000000e+00, v5  }
0x238: {  	[tilespmem:s6+$0xFFFFFF40] =	vst v2;
	v2 =	vmul.f32 $8.000000000e+00, v6;
	v5 =	vld [tilespmem:s6+$0xFFFFFFB0]  }
0x239: {  	v6 =	vld [tilespmem:s6+$0xFFFFFFC0];
	[tilespmem:s6+$0xFFFFFF50] =	vst v0;
	v0 =	vmul.f32 $8.000000000e+00, v7  }
0x23a: {  	[tilespmem:s6+$0xFFFFFF60] =	vst v2;
	v2 =	vld [tilespmem:s6+$0xFFFFFFD0];
	v1 =	vmul.f32 $8.000000000e+00, v1  }
0x23b: {  	[tilespmem:s6+$0xFFFFFF70] =	vst v0;
	v0 =	vmul.f32 $8.000000000e+00, v3;
	v3 =	vld [tilespmem:s6+$0xFFFFFFE0]  }
0x23c: {  	[tilespmem:s6+$0xFFFFFF80] =	vst v1;
	v1 =	vmul.f32 $8.000000000e+00, v4;
	v4 =	vld [tilespmem:s6+$0xFFFFFFF0]  }
0x23d: {  	[tilespmem:s6+$0xFFFFFF90] =	vst v0;
	v0 =	vmul.f32 $8.000000000e+00, v5;
	v5 =	vld [tilespmem:s6+$0x0]  }
0x23e: {  	[tilespmem:s6+$0xFFFFFFA0] =	vst v1;
	v1 =	vmul.f32 $8.000000000e+00, v6;
	v6 =	vld [tilespmem:s6+$0x10]  }
0x23f: {  	[tilespmem:s6+$0xFFFFFFB0] =	vst v0;
	v0 =	vmul.f32 $8.000000000e+00, v2;
	v2 =	vld [tilespmem:s6+$0x20]  }
0x240: {  	[tilespmem:s6+$0xFFFFFFC0] =	vst v1;
	v1 =	vmul.f32 $8.000000000e+00, v3;
	v3 =	vld [tilespmem:s6+$0x30]  }
0x241: {  	[tilespmem:s6+$0xFFFFFFD0] =	vst v0;
	v0 =	vmul.f32 $8.000000000e+00, v4;
	v4 =	vld [tilespmem:s6+$0x40]  }
0x242: {  	[tilespmem:s6+$0xFFFFFFE0] =	vst v1;
	v1 =	vmul.f32 $8.000000000e+00, v5;
	v5 =	vld [tilespmem:s6+$0x50]  }
0x243: {  	[tilespmem:s6+$0xFFFFFFF0] =	vst v0;
	v0 =	vmul.f32 $8.000000000e+00, v6;
	v6 =	vld [tilespmem:s6+$0x60]  }
0x244: {  	[tilespmem:s6+$0x0] =	vst v1;
	v1 =	vmul.f32 $8.000000000e+00, v2;
	v2 =	vld [tilespmem:s6+$0x70]  }
0x245: {  	[tilespmem:s6+$0x10] =	vst v0;
	v0 =	vmul.f32 $8.000000000e+00, v3;
	v3 =	vld [tilespmem:s6+$0x80]  }
0x246: {  	[tilespmem:s6+$0x20] =	vst v1;
	v1 =	vmul.f32 $8.000000000e+00, v4;
	v4 =	vld [tilespmem:s6+$0x90]  }
0x247: {  	v7 =	vld [tilespmem:s6+$0xA0];
	[tilespmem:s6+$0x30] =	vst v0;
	v5 =	vmul.f32 $8.000000000e+00, v5  }
0x248: {  	v0 =	vld [tilespmem:s6+$0xB0];
	[tilespmem:s6+$0x40] =	vst v1;
	v6 =	vmul.f32 $8.000000000e+00, v6  }
0x249: {  	v1 =	vld [tilespmem:s6+$0xC0];
	[tilespmem:s6+$0x50] =	vst v5;
	v5 =	vmul.f32 $8.000000000e+00, v2  }
0x24a: {  	v2 =	vld [tilespmem:s6+$0xD0];
	[tilespmem:s6+$0x60] =	vst v6;
	v6 =	vmul.f32 $8.000000000e+00, v3  }
0x24b: {  	v3 =	vld [tilespmem:s6+$0xE0];
	[tilespmem:s6+$0x70] =	vst v5;
	v5 =	vmul.f32 $8.000000000e+00, v4  }
0x24c: {  	s11 =	simm.s32 $0x6700;
	s12 =	simm.s32 $0x0;
	v4 =	vld [tilespmem:s6+$0xFFFFFF00];
	[tilespmem:s6+$0x80] =	vst v6;
	v6 =	vmul.f32 $8.000000000e+00, v7  }
.LBB2_16:
0x24d: {  	v7 =	vld [tilespmem:s11+$0xF0];
	s12 =	sadd.s32 $0x8, s12;
	[tilespmem:s6+$0x90] =	vst v5;
	v0 =	vmul.f32 $8.000000000e+00, v0  }
0x24e: {  	v5 =	vld [tilespmem:s11+$0xFFFFFF10];
	p0 =	slt.u32 s12, $0x1F8;
	[tilespmem:s6+$0xA0] =	vst v6;
	v1 =	vmul.f32 $8.000000000e+00, v1  }
0x24f: {  	v6 =	vld [tilespmem:s11+$0xFFFFFF20];
	[tilespmem:s6+$0xB0] =	vst v0;
	v0 =	vmul.f32 $8.000000000e+00, v2  }
0x250: {  	v2 =	vld [tilespmem:s11+$0xFFFFFF30];
	[tilespmem:s6+$0xC0] =	vst v1;
	v1 =	vmul.f32 $8.000000000e+00, v3  }
0x251: {  	v3 =	vld [tilespmem:s11+$0xFFFFFF40];
	v4 =	vmul.f32 $8.000000000e+00, v4;
	[tilespmem:s6+$0xD0] =	vst v0  }
0x252: {  	v0 =	vld [tilespmem:s11+$0xFFFFFF50];
	v7 =	vmul.f32 $8.000000000e+00, v7;
	[tilespmem:s6+$0xE0] =	vst v1  }
0x253: {  	v1 =	vmul.f32 $8.000000000e+00, v5;
	v5 =	vld [tilespmem:s11+$0xFFFFFF60];
	[tilespmem:s6+$0xFFFFFF00] =	vst v4;
	s6 =	smov.u32 s11  }
0x254: {  	v4 =	vmul.f32 $8.000000000e+00, v6;
	v6 =	vld [tilespmem:s11+$0xFFFFFF70];
	[tilespmem:s11+$0xF0] =	vst v7  }
0x255: {  	[tilespmem:s11+$0xFFFFFF10] =	vst v1;
	v1 =	vmul.f32 $8.000000000e+00, v2;
	v2 =	vld [tilespmem:s11+$0xFFFFFF80]  }
0x256: {  	[tilespmem:s11+$0xFFFFFF20] =	vst v4;
	v3 =	vmul.f32 $8.000000000e+00, v3;
	v4 =	vld [tilespmem:s11+$0xFFFFFF90]  }
0x257: {  	[tilespmem:s11+$0xFFFFFF30] =	vst v1;
	v0 =	vmul.f32 $8.000000000e+00, v0;
	v1 =	vld [tilespmem:s11+$0xFFFFFFA0]  }
0x258: {  	[tilespmem:s11+$0xFFFFFF40] =	vst v3;
	v3 =	vmul.f32 $8.000000000e+00, v5;
	v5 =	vld [tilespmem:s11+$0xFFFFFFB0]  }
0x259: {  	[tilespmem:s11+$0xFFFFFF50] =	vst v0;
	v0 =	vmul.f32 $8.000000000e+00, v6;
	v6 =	vld [tilespmem:s11+$0xFFFFFFC0]  }
0x25a: {  	[tilespmem:s11+$0xFFFFFF60] =	vst v3;
	v2 =	vmul.f32 $8.000000000e+00, v2;
	v3 =	vld [tilespmem:s11+$0xFFFFFFD0]  }
0x25b: {  	[tilespmem:s11+$0xFFFFFF70] =	vst v0;
	v0 =	vmul.f32 $8.000000000e+00, v4;
	v4 =	vld [tilespmem:s11+$0xFFFFFFE0]  }
0x25c: {  	[tilespmem:s11+$0xFFFFFF80] =	vst v2;
	v1 =	vmul.f32 $8.000000000e+00, v1;
	v2 =	vld [tilespmem:s11+$0xFFFFFFF0]  }
0x25d: {  	[tilespmem:s11+$0xFFFFFF90] =	vst v0;
	v0 =	vmul.f32 $8.000000000e+00, v5;
	v5 =	vld [tilespmem:s11+$0x0]  }
0x25e: {  	[tilespmem:s11+$0xFFFFFFA0] =	vst v1;
	v1 =	vmul.f32 $8.000000000e+00, v6;
	v6 =	vld [tilespmem:s11+$0x10]  }
0x25f: {  	[tilespmem:s11+$0xFFFFFFB0] =	vst v0;
	v0 =	vmul.f32 $8.000000000e+00, v3;
	v3 =	vld [tilespmem:s11+$0x20]  }
0x260: {  	[tilespmem:s11+$0xFFFFFFC0] =	vst v1;
	v1 =	vmul.f32 $8.000000000e+00, v4;
	v4 =	vld [tilespmem:s11+$0x30]  }
0x261: {  	[tilespmem:s11+$0xFFFFFFD0] =	vst v0;
	v0 =	vmul.f32 $8.000000000e+00, v2;
	v2 =	vld [tilespmem:s11+$0x40]  }
0x262: {  	[tilespmem:s11+$0xFFFFFFE0] =	vst v1;
	v1 =	vmul.f32 $8.000000000e+00, v5;
	v5 =	vld [tilespmem:s11+$0x50]  }
0x263: {  	[tilespmem:s11+$0xFFFFFFF0] =	vst v0;
	v0 =	vmul.f32 $8.000000000e+00, v6;
	v6 =	vld [tilespmem:s11+$0x60]  }
0x264: {  	[tilespmem:s11+$0x0] =	vst v1;
	v1 =	vmul.f32 $8.000000000e+00, v3;
	v3 =	vld [tilespmem:s11+$0x70]  }
0x265: {  	[tilespmem:s11+$0x10] =	vst v0;
	v0 =	vmul.f32 $8.000000000e+00, v4;
	v4 =	vld [tilespmem:s11+$0x80]  }
0x266: {  	[tilespmem:s11+$0x20] =	vst v1;
	v1 =	vmul.f32 $8.000000000e+00, v2;
	v7 =	vld [tilespmem:s11+$0x90]  }
0x267: {  	[tilespmem:s11+$0x30] =	vst v0;
	v2 =	vmul.f32 $8.000000000e+00, v5;
	v8 =	vld [tilespmem:s11+$0xA0]  }
.Ltmp7:
0x268: {  	[tilespmem:s11+$0x40] =	vst v1;
	v5 =	vmul.f32 $8.000000000e+00, v6;
	v0 =	vld [tilespmem:s11+$0xB0];
	(pc) =	sbr.rel @p0 .LBB2_16-.Ltmp7, $4  }
0x269: {  	[tilespmem:s11+$0x50] =	vst v2;
	v3 =	vmul.f32 $8.000000000e+00, v3;
	v1 =	vld [tilespmem:s11+$0xC0]  }
0x26a: {  	[tilespmem:s11+$0x60] =	vst v5;
	v6 =	vmul.f32 $8.000000000e+00, v4;
	v2 =	vld [tilespmem:s11+$0xD0]  }
0x26b: {  	[tilespmem:s11+$0x70] =	vst v3;
	v5 =	vmul.f32 $8.000000000e+00, v7;
	v3 =	vld [tilespmem:s11+$0xE0]  }
0x26c: {  	s11 =	sadd.s32 $0x200, s11;
	v4 =	vld [tilespmem:s6+$0xFFFFFF00];
	[tilespmem:s6+$0x80] =	vst v6;
	v6 =	vmul.f32 $8.000000000e+00, v8  }
0x26d: {  	[tilespmem:s6+$0x90] =	vst v5;
	v0 =	vmul.f32 $8.000000000e+00, v0  }
0x26e: {  	[tilespmem:s6+$0xA0] =	vst v6;
	v1 =	vmul.f32 $8.000000000e+00, v1  }
0x26f: {  	[tilespmem:s6+$0xB0] =	vst v0;
	v0 =	vmul.f32 $8.000000000e+00, v2  }
0x270: {  	[tilespmem:s6+$0xC0] =	vst v1;
	v1 =	vmul.f32 $8.000000000e+00, v3  }
0x271: {  	v2 =	vmul.f32 $8.000000000e+00, v4;
	[tilespmem:s6+$0xD0] =	vst v0  }
0x272: {  	[tilespmem:s6+$0xE0] =	vst v1  }
0x273: {  	[tilespmem:s6+$0xFFFFFF00] =	vst v2  }
0x274: {  	s6 =	rddreg [dreg:$0x7]  }
0x275: {  	[hbm4b:s6+s3] =	stream.linear.scatter [tilespmem:s17], [sflag:$0x4], $0x8000, $0x38;
	[tilespmem:$0x1E400] =	vst v63  }
0x276: {  	_ =	swait.ge [sflag:s21], $0x8000  }
0x277: {  	[sflag:s21] =	ssyncset.done $0x0  }
0x278: {  	s6 =	simm.s32 $0xE400;
	[sflag:s21] =	ssyncadd.s32 $0xFFFF8000  }
0x279: {  	v0 =	vld [tilespmem:s6+$0x1F0]  }
0x27a: {  	v1 =	vld [tilespmem:s6+$0x10]  }
0x27b: {  	v2 =	vld [tilespmem:s6+$0x20]  }
0x27c: {  	v3 =	vld [tilespmem:s6+$0x30]  }
0x27d: {  	v4 =	vld [tilespmem:s6+$0x40]  }
0x27e: {  	v5 =	vld [tilespmem:s6+$0x50];
	v0 =	vmul.f32 $8.000000000e+00, v0  }
0x27f: {  	v6 =	vld [tilespmem:s6+$0x60];
	v1 =	vmul.f32 $8.000000000e+00, v1  }
0x280: {  	v7 =	vld [tilespmem:s6+$0x70];
	v2 =	vmul.f32 $8.000000000e+00, v2;
	[tilespmem:s6+$0x1F0] =	vst v0  }
0x281: {  	[tilespmem:s6+$0x10] =	vst v1;
	v0 =	vmul.f32 $8.000000000e+00, v3;
	v1 =	vld [tilespmem:s6+$0x80]  }
0x282: {  	[tilespmem:s6+$0x20] =	vst v2;
	v2 =	vmul.f32 $8.000000000e+00, v4;
	v3 =	vld [tilespmem:s6+$0x90]  }
0x283: {  	v4 =	vld [tilespmem:s6+$0xA0];
	[tilespmem:s6+$0x30] =	vst v0;
	v0 =	vmul.f32 $8.000000000e+00, v5  }
0x284: {  	[tilespmem:s6+$0x40] =	vst v2;
	v2 =	vmul.f32 $8.000000000e+00, v6;
	v5 =	vld [tilespmem:s6+$0xB0]  }
0x285: {  	v6 =	vld [tilespmem:s6+$0xC0];
	[tilespmem:s6+$0x50] =	vst v0;
	v0 =	vmul.f32 $8.000000000e+00, v7  }
0x286: {  	[tilespmem:s6+$0x60] =	vst v2;
	v2 =	vld [tilespmem:s6+$0xD0];
	v1 =	vmul.f32 $8.000000000e+00, v1  }
0x287: {  	[tilespmem:s6+$0x70] =	vst v0;
	v0 =	vmul.f32 $8.000000000e+00, v3;
	v3 =	vld [tilespmem:s6+$0xE0]  }
0x288: {  	[tilespmem:s6+$0x80] =	vst v1;
	v1 =	vmul.f32 $8.000000000e+00, v4;
	v4 =	vld [tilespmem:s6+$0xF0]  }
0x289: {  	[tilespmem:s6+$0x90] =	vst v0;
	v0 =	vmul.f32 $8.000000000e+00, v5;
	v5 =	vld [tilespmem:s6+$0x100]  }
0x28a: {  	[tilespmem:s6+$0xA0] =	vst v1;
	v1 =	vmul.f32 $8.000000000e+00, v6;
	v6 =	vld [tilespmem:s6+$0x110]  }
0x28b: {  	[tilespmem:s6+$0xB0] =	vst v0;
	v0 =	vmul.f32 $8.000000000e+00, v2;
	v2 =	vld [tilespmem:s6+$0x120]  }
0x28c: {  	[tilespmem:s6+$0xC0] =	vst v1;
	v1 =	vmul.f32 $8.000000000e+00, v3;
	v3 =	vld [tilespmem:s6+$0x130]  }
0x28d: {  	[tilespmem:s6+$0xD0] =	vst v0;
	v0 =	vmul.f32 $8.000000000e+00, v4;
	v4 =	vld [tilespmem:s6+$0x140]  }
0x28e: {  	[tilespmem:s6+$0xE0] =	vst v1;
	v1 =	vmul.f32 $8.000000000e+00, v5;
	v5 =	vld [tilespmem:s6+$0x150]  }
0x28f: {  	[tilespmem:s6+$0xF0] =	vst v0;
	v0 =	vmul.f32 $8.000000000e+00, v6;
	v6 =	vld [tilespmem:s6+$0x160]  }
0x290: {  	[tilespmem:s6+$0x100] =	vst v1;
	v1 =	vmul.f32 $8.000000000e+00, v2;
	v2 =	vld [tilespmem:s6+$0x170]  }
0x291: {  	[tilespmem:s6+$0x110] =	vst v0;
	v0 =	vmul.f32 $8.000000000e+00, v3;
	v3 =	vld [tilespmem:s6+$0x180]  }
0x292: {  	[tilespmem:s6+$0x120] =	vst v1;
	v1 =	vmul.f32 $8.000000000e+00, v4;
	v4 =	vld [tilespmem:s6+$0x190]  }
0x293: {  	v7 =	vld [tilespmem:s6+$0x1A0];
	[tilespmem:s6+$0x130] =	vst v0;
	v5 =	vmul.f32 $8.000000000e+00, v5  }
0x294: {  	v0 =	vld [tilespmem:s6+$0x1B0];
	[tilespmem:s6+$0x140] =	vst v1;
	v6 =	vmul.f32 $8.000000000e+00, v6  }
0x295: {  	v1 =	vld [tilespmem:s6+$0x1C0];
	[tilespmem:s6+$0x150] =	vst v5;
	v5 =	vmul.f32 $8.000000000e+00, v2  }
0x296: {  	v2 =	vld [tilespmem:s6+$0x1D0];
	[tilespmem:s6+$0x160] =	vst v6;
	v6 =	vmul.f32 $8.000000000e+00, v3  }
0x297: {  	v3 =	vld [tilespmem:s6+$0x1E0];
	[tilespmem:s6+$0x170] =	vst v5;
	v5 =	vmul.f32 $8.000000000e+00, v4  }
0x298: {  	s12 =	simm.s32 $0x0;
	s11 =	simm.s32 $0xE600;
	v4 =	vld [tilespmem:s6+$0x0];
	[tilespmem:s6+$0x180] =	vst v6;
	v6 =	vmul.f32 $8.000000000e+00, v7  }
.LBB2_18:
0x299: {  	v7 =	vld [tilespmem:s11+$0x1F0];
	s12 =	sadd.s32 $0x8, s12;
	[tilespmem:s6+$0x190] =	vst v5;
	v0 =	vmul.f32 $8.000000000e+00, v0  }
0x29a: {  	v5 =	vld [tilespmem:s11+$0x10];
	p0 =	slt.u32 s12, $0x1F8;
	[tilespmem:s6+$0x1A0] =	vst v6;
	v1 =	vmul.f32 $8.000000000e+00, v1  }
0x29b: {  	v6 =	vld [tilespmem:s11+$0x20];
	[tilespmem:s6+$0x1B0] =	vst v0;
	v0 =	vmul.f32 $8.000000000e+00, v2  }
0x29c: {  	v2 =	vld [tilespmem:s11+$0x30];
	[tilespmem:s6+$0x1C0] =	vst v1;
	v1 =	vmul.f32 $8.000000000e+00, v3  }
0x29d: {  	v3 =	vld [tilespmem:s11+$0x40];
	v4 =	vmul.f32 $8.000000000e+00, v4;
	[tilespmem:s6+$0x1D0] =	vst v0  }
0x29e: {  	v0 =	vld [tilespmem:s11+$0x50];
	v7 =	vmul.f32 $8.000000000e+00, v7;
	[tilespmem:s6+$0x1E0] =	vst v1  }
0x29f: {  	v1 =	vmul.f32 $8.000000000e+00, v5;
	v5 =	vld [tilespmem:s11+$0x60];
	[tilespmem:s6+$0x0] =	vst v4;
	s6 =	smov.u32 s11  }
0x2a0: {  	v4 =	vmul.f32 $8.000000000e+00, v6;
	v6 =	vld [tilespmem:s11+$0x70];
	[tilespmem:s11+$0x1F0] =	vst v7  }
0x2a1: {  	[tilespmem:s11+$0x10] =	vst v1;
	v1 =	vmul.f32 $8.000000000e+00, v2;
	v2 =	vld [tilespmem:s11+$0x80]  }
0x2a2: {  	[tilespmem:s11+$0x20] =	vst v4;
	v3 =	vmul.f32 $8.000000000e+00, v3;
	v4 =	vld [tilespmem:s11+$0x90]  }
0x2a3: {  	[tilespmem:s11+$0x30] =	vst v1;
	v0 =	vmul.f32 $8.000000000e+00, v0;
	v1 =	vld [tilespmem:s11+$0xA0]  }
0x2a4: {  	[tilespmem:s11+$0x40] =	vst v3;
	v3 =	vmul.f32 $8.000000000e+00, v5;
	v5 =	vld [tilespmem:s11+$0xB0]  }
0x2a5: {  	[tilespmem:s11+$0x50] =	vst v0;
	v0 =	vmul.f32 $8.000000000e+00, v6;
	v6 =	vld [tilespmem:s11+$0xC0]  }
0x2a6: {  	[tilespmem:s11+$0x60] =	vst v3;
	v2 =	vmul.f32 $8.000000000e+00, v2;
	v3 =	vld [tilespmem:s11+$0xD0]  }
0x2a7: {  	[tilespmem:s11+$0x70] =	vst v0;
	v0 =	vmul.f32 $8.000000000e+00, v4;
	v4 =	vld [tilespmem:s11+$0xE0]  }
0x2a8: {  	[tilespmem:s11+$0x80] =	vst v2;
	v1 =	vmul.f32 $8.000000000e+00, v1;
	v2 =	vld [tilespmem:s11+$0xF0]  }
0x2a9: {  	[tilespmem:s11+$0x90] =	vst v0;
	v0 =	vmul.f32 $8.000000000e+00, v5;
	v5 =	vld [tilespmem:s11+$0x100]  }
0x2aa: {  	[tilespmem:s11+$0xA0] =	vst v1;
	v1 =	vmul.f32 $8.000000000e+00, v6;
	v6 =	vld [tilespmem:s11+$0x110]  }
0x2ab: {  	[tilespmem:s11+$0xB0] =	vst v0;
	v0 =	vmul.f32 $8.000000000e+00, v3;
	v3 =	vld [tilespmem:s11+$0x120]  }
0x2ac: {  	[tilespmem:s11+$0xC0] =	vst v1;
	v1 =	vmul.f32 $8.000000000e+00, v4;
	v4 =	vld [tilespmem:s11+$0x130]  }
0x2ad: {  	[tilespmem:s11+$0xD0] =	vst v0;
	v0 =	vmul.f32 $8.000000000e+00, v2;
	v2 =	vld [tilespmem:s11+$0x140]  }
0x2ae: {  	[tilespmem:s11+$0xE0] =	vst v1;
	v1 =	vmul.f32 $8.000000000e+00, v5;
	v5 =	vld [tilespmem:s11+$0x150]  }
0x2af: {  	[tilespmem:s11+$0xF0] =	vst v0;
	v0 =	vmul.f32 $8.000000000e+00, v6;
	v6 =	vld [tilespmem:s11+$0x160]  }
0x2b0: {  	[tilespmem:s11+$0x100] =	vst v1;
	v1 =	vmul.f32 $8.000000000e+00, v3;
	v3 =	vld [tilespmem:s11+$0x170]  }
0x2b1: {  	[tilespmem:s11+$0x110] =	vst v0;
	v0 =	vmul.f32 $8.000000000e+00, v4;
	v4 =	vld [tilespmem:s11+$0x180]  }
0x2b2: {  	[tilespmem:s11+$0x120] =	vst v1;
	v1 =	vmul.f32 $8.000000000e+00, v2;
	v7 =	vld [tilespmem:s11+$0x190]  }
0x2b3: {  	[tilespmem:s11+$0x130] =	vst v0;
	v2 =	vmul.f32 $8.000000000e+00, v5;
	v8 =	vld [tilespmem:s11+$0x1A0]  }
.Ltmp8:
0x2b4: {  	[tilespmem:s11+$0x140] =	vst v1;
	v5 =	vmul.f32 $8.000000000e+00, v6;
	v0 =	vld [tilespmem:s11+$0x1B0];
	(pc) =	sbr.rel @p0 .LBB2_18-.Ltmp8, $4  }
0x2b5: {  	[tilespmem:s11+$0x150] =	vst v2;
	v3 =	vmul.f32 $8.000000000e+00, v3;
	v1 =	vld [tilespmem:s11+$0x1C0]  }
0x2b6: {  	[tilespmem:s11+$0x160] =	vst v5;
	v6 =	vmul.f32 $8.000000000e+00, v4;
	v2 =	vld [tilespmem:s11+$0x1D0]  }
0x2b7: {  	[tilespmem:s11+$0x170] =	vst v3;
	v5 =	vmul.f32 $8.000000000e+00, v7;
	v3 =	vld [tilespmem:s11+$0x1E0]  }
0x2b8: {  	s11 =	sadd.s32 $0x200, s11;
	v4 =	vld [tilespmem:s6+$0x0];
	[tilespmem:s6+$0x180] =	vst v6;
	v6 =	vmul.f32 $8.000000000e+00, v8  }
0x2b9: {  	[tilespmem:s6+$0x190] =	vst v5;
	v0 =	vmul.f32 $8.000000000e+00, v0  }
0x2ba: {  	[tilespmem:s6+$0x1A0] =	vst v6;
	v1 =	vmul.f32 $8.000000000e+00, v1  }
0x2bb: {  	[tilespmem:s6+$0x1B0] =	vst v0;
	v61 =	vmul.f32 $8.000000000e+00, v2  }
0x2bc: {  	[tilespmem:s6+$0x1C0] =	vst v1;
	v62 =	vmul.f32 $8.000000000e+00, v3  }
0x2bd: {  	v63 =	vmul.f32 $8.000000000e+00, v4;
	[tilespmem:s6+$0x1D0] =	vst v61  }
0x2be: {  	[tilespmem:s6+$0x1E0] =	vst v62  }
0x2bf: {  	[tilespmem:s6+$0x0] =	vst v63  }
0x2c0: {  	s6 =	rddreg [dreg:$0x8]  }
0x2c1: {  	[hbm4b:s6+s3] =	stream.linear.scatter [tilespmem:s24], [sflag:$0x5], $0x8000, $0x38;
	[tilespmem:$0x1E400] =	vst v63  }
0x2c2: {  	_ =	swait.ge [sflag:s25], $0x8000  }
0x2c3: {  	[sflag:s25] =	ssyncset.done $0x0  }
0x2c4: {  	[sflag:s25] =	ssyncadd.s32 $0xFFFF8000  }
0x2c5: {  	_ =	swait.ge [sflag:s7], $0x8000  }
0x2c6: {  	[sflag:s7] =	ssyncset.done $0x0  }
0x2c7: {  	[sflag:s7] =	ssyncadd.s32 $0xFFFF8000  }
0x2c8: {  	_ =	swait.ge [sflag:s8], $0x8000  }
0x2c9: {  	s11 =	rddreg [dreg:$0xa]  }
0x2ca: {  	s15 =	rddreg [dreg:$0x9];
	s11 =	sadd.s32 $0x1, s11  }
0x2cb: {  	p0 =	sne.s32 s11, s15  }
.Ltmp9:
0x2cc: {  	_ = 	snop;
	(pc) =	sbr.rel @p0 .LBB2_1-.Ltmp9, $3  }
0x2cd: {  	_ =	sdelay $0x1  }
0x2ce: {  	[sflag:s8] =	ssyncset.done $0x0  }
0x2cf: {  	[sflag:s8] =	ssyncadd.s32 $0xFFFF8000  }
0x2d0: {  	_ =	sfence.sel $0x180000  }
0x2d1: {  	[bflag:$0x0] =	sbarrier.arrive $0xFFFF  }
0x2d2: {  	_ =	strace $0x90000047  }
0x2d3: {  	s0 =	stileid.u32;
	[bflag:$0x2] =	sbarrier.arrive $0xFFFF  }
0x2d4: {  	p0 =	sne.s32 s0, $0x0;
	s0 =	rddreg [dreg:$0x2]  }
0x2d5: {  	s0 =	sadd.s32 @!p0 $0x100000, s0  }
0x2d6: {  	[sflag:s0] =	ssyncadd.tile.s32 @!p0 $0x1;
	_ =	shalt  }
.Lfunc_end2:
_tile_overlayer_lowered:
.L_overlay_start_2:
0x2d7: {  	(tag) =	ssettag $0x2  }
0x2d8: {  	s0 =	rddreg [dreg:$0x0];
	s2 =	stileid.u32  }
0x2d9: {  	s1 =	rddreg [dreg:$0x1];
	p0 =	sne.s32 s2, $0x0  }
0x2da: {  	s3 =	rddreg [dreg:$0x2];
	[bflag:$0x3] =	sbarrier.arrive $0xFFFF;
	s2 =	simm.s32 @!p0 $0x1C07  }
0x2db: {  	[timem:s3], [sflag:s2] =	dma.local @!p0 [hbm:s0], s1  }
0x2dc: {  	s0 =	simm.s32 @!p0 $0x7  }
0x2dd: {  	_ =	swait.ge @!p0 [sflag:s0], s1  }
0x2de: {  	s1 =	ssub.s32 @!p0 $0x0, s1;
	[sflag:s0] =	ssyncset.done @!p0 $0x0  }
0x2df: {  	[sflag:s0] =	ssyncadd.s32 @!p0 s1  }
0x2e0: {  	[bflag:$0x3] =	sbarrier.arrive $0xFFFF  }
0x2e1: {  	_ =	shalt  }

// kernel: sparse-core-data-format-call.cloned.1.call-start
scs
called_computation_lowered:
.L_overlay_start_0:
0x0: {  	s2 =	sld [smem:$0x3FD9]  }
0x1: {  	s3 =	sld [smem:$0x3FFE];
	_ =	sdelay $0x1  }
0x2: {  	s1 =	srdreg.scid  }
0x3: {  	s0 =	sand.u32 $0x1, s1  }
0x4: {  	s18 =	sshll.u32 s0, $0xA;
	s2 =	sadd.s32 s3, s2  }
0x5: {  	s2 =	sadd.s32 s2, s18  }
0x6: {  	[smem:$0x3FC6] =	sst s2  }
0x7: {  	_ = 	snop  }
0x8: {  	s2 =	sld [smem:$0x3FD0];
	(tm) =	ssettm $0x1  }
0x9: {  	s19 =	sld [smem:$0x3FFB];
	_ =	sdelay $0x3  }
0xa: {  	_ =	strace s19  }
0xb: {  	s3 =	sld [smem:$0x3FFC];
	_ =	sdelay $0x3  }
0xc: {  	_ =	strace s3  }
0xd: {  	s3 =	sld [smem:$0x3FFD];
	_ =	sdelay $0x3  }
0xe: {  	_ =	strace s3  }
0xf: {  	_ =	strace $0x8FFFFFFF  }
0x10: {  	s20 =	sld [smem:$0x3FDB];
	_ =	sdelay $0x1  }
0x11: {  	s4 =	simm.s32 $_scs_section_size  }
0x12: {  	s5 =	simm.s32 $_size__tile_overlayer_lowered;
	s6 =	simm.s32 $_tile_overlayer_lowered  }
0x13: {  	s23 =	simm.s32 $0x1BFF;
	s22 =	sshll.u32 s6, $0x1;
	s3 =	sadd.s32 s4, s20  }
0x14: {  	s7 =	simm.s32 $0x0;
	s21 =	sshll.u32 s5, $0x1;
	s5 =	sadd.s32 s22, s3  }
0x15: {  	[timem:s7], [sflag:s23] =	dma.local [hbm:s5], s21  }
0x16: {  	_ =	swait.ge [sflag:s23], s21  }
0x17: {  	s4 =	ssub.s32 $0x0, s21;
	[sflag:s23] =	ssyncset.done $0x0  }
0x18: {  	[sflag:s23] =	ssyncadd.s32 s4;
	_ =	sdelay $0x1  }
0x19: {  	s24 =	simm.s32 $0x1B8B  }
0x1a: {  	_ =	swait.ge [sflag:s24], $0x1  }
0x1b: {  	[sflag:s24] =	ssyncset.done $0x0  }
0x1c: {  	s26 =	simm.s32 $0x1B8E;
	s25 =	sld [smem:$0x3FFE];
	[sflag:s24] =	ssyncadd.s32 $0xFFFFFFFF  }
0x1d: {  	s27 =	simm.s32 $execute0_lowered;
	[smem:$0x3FD2] =	sst s26  }
0x1e: {  	s5 =	sshll.u32 s27, $0x1;
	_ =	strace $0x80000049;
	[dreg:$0x1] =	wrdreg $0xFFFFFFFF  }
0x1f: {  	s28 =	simm.s32 $_size_execute0_lowered;
	s3 =	sadd.s32 s3, s5;
	[dreg:$0x0] =	wrdreg $0x0  }
0x20: {  	s5 =	sshll.u32 s28, $0x1;
	[dreg:$0x2] =	wrdreg s3  }
0x21: {  	[dreg:$0x3] =	wrdreg s5  }
0x22: {  	[dreg:$0x4] =	wrdreg $0xC0  }
0x23: {  	_ =	task [dreg:s7], $0x5FFFF  }
0x24: {  	[dreg:$0x1] =	wrdreg $0xFFFFFFFF  }
0x25: {  	[dreg:$0x0] =	wrdreg $0x60  }
0x26: {  	[dreg:$0x2] =	wrdreg s25  }
0x27: {  	[dreg:$0x3] =	wrdreg s2  }
0x28: {  	[dreg:$0x4] =	wrdreg $0x9  }
0x29: {  	_ =	task.clear_ibuf [dreg:s7], $0x5FFFF;
	_ =	strace $0x90000049  }
0x2a: {  	s29 =	simm.s32 $0x9;
	_ =	strace $0x8000004B  }
0x2b: {  	_ =	swait.ge [sflag:s29], $0x1  }
0x2c: {  	[sflag:s29] =	ssyncadd.s32 $0xFFFFFFFF  }
0x2d: {  	_ =	strace $0x9000004B  }
0x2e: {  	_ =	sfence  }
0x2f: {  	s30 =	sld [smem:$0x0];
	_ =	sdelay $0x2  }
0x30: {  	s31 =	sshll.u32 s1, $0xD;
	s1 =	sshrl.u32 s1, $0x2  }
0x31: {  	s3 =	sand.u32 $0x4000, s31;
	s1 =	sadd.s32 s1, s30  }
0x32: {  	s0 =	sor.u32 s3, s0;
	s1 =	sshll.u32 s1, $0x11  }
0x33: {  	s0 =	sor.u32 s1, s0  }
0x34: {  	s0 =	sadd.s32 $0x8F2B, s0  }
0x35: {  	[sflag:s0] =	ssyncadd.remote.s32 $0x1  }
0x36: {  	_ =	sfence.sel $0xFFFF  }
0x37: {  	[dreg:$0x0] =	wrdreg $0xFFFFFFFF;
	(pc) =	sbr.abs _section_cstart, $3  }
0x38: {  	[dreg:$0x1] =	wrdreg $0xFFFFFFFF  }
0x39: {  	_ =	task.clear_ibuf [dreg:s7], $0x2FFFF;
	_ =	strace $0x9FFFFFFF  }
0x3a: {  	(tm) =	ssettm $0x7FFFFFFF  }
0x3b: {  	_ =	shalt  }
tec
execute0_lowered:
.L_overlay_start_1:
0x0: {  	(tag) =	ssettag $0x1  }
0x1: {  	s0 =	srdreg.scid  }
0x2: {  	s1 =	sshll.u32 s0, $0x4  }
0x3: {  	s0 =	stileid.u32;
	s1 =	sand.u32 $0x10, s1  }
0x4: {  	s1 =	sor.u32 s0, s1  }
0x5: {  	s6 =	rddreg [dreg:$0x0];
	s4 =	simm.s32 $0x1;
	s2 =	sshll.u32 s1, $0x7  }
0x6: {  	s7 =	simm.s32 $0x2;
	s12 =	simm.s32 $0x0;
	s1 =	ssub.s32 $0x1000, s2  }
0x7: {  	s8 =	simm.s32 $0x8000;
	s13 =	simm.s32 $0x0;
	s3 =	sand.u32 $0xF80, s1  }
0x8: {  	s9 =	simm.s32 $0x0;
	s5 =	sshrl.u32 s1, $0xC;
	p0 =	sne.s32 s3, $0x0  }
.Ltmp0:
0x9: {  	s1 =	rddreg [dreg:$0x2];
	s4 =	simm.s32 @!p0 $0x0;
	(pc) =	sbr.rel .LBB1_1-.Ltmp0, $4  }
0xa: {  	s11 =	simm.s32 $0x0;
	s3 =	rddreg [dreg:$0x1];
	s5 =	sadd.s32 s4, s5  }
0xb: {  	_ =	strace $0x8000004A;
	s4 =	simm.s32 $0x1;
	s5 =	smul.u32 $0xC8, s5  }
0xc: {  	s6 =	sadd.s32 $0xA00, s6;
	s10 =	smov.u32 s2;
	[sflag:s4] =	ssyncpa.u1 $0x0  }
0xd: {  	p0 =	por $0x0, $0x0;
	[sflag:s7] =	ssyncpa.u1 $0x0;
	s7 =	sor.u32 $0x1, s5  }
.LBB1_4:
0xe: {  	s16 =	sshll.u32 s13, $0x3;
	s17 =	sand.u32 $0x78, s13  }
0xf: {  	s30 =	sand.u32 $0x7E00, s13;
	s12 =	sshll.u32 s12, $0xF;
	s16 =	sand.u32 $0xC00, s16  }
0x10: {  	[tilespmem:s15+$0x810 ss:$0x81] =	vst.msk $0xffff, v2;
	s31 =	sand.u32 $0x7, s13;
	s16 =	sor.u32 s17, s16;
	s17 =	sadd.s32 s3, s30  }
0x11: {  	[tilespmem:s15+$0x1020 ss:$0x81] =	vst.msk $0xffff, v0;
	s13 =	sshll.u32 s31, $0x12;
	s12 =	sadd.s32 s12, s17;
	s16 =	sshrl.u32 s16, $0x3  }
0x12: {  	[tilespmem:s15+$0x0 ss:$0x81] =	vst.msk $0xffff, v1;
	s13 =	sor.u32 $0x400, s13;
	s12 =	sadd.s32 s16, s12  }
0x13: {  	[hbm4b:s12+s13] =	stream.strided.scatter [tilespmem:s14], [sflag:$0x2], $0x2000, s8, s13, $0x20;
	[tilespmem:$0x8080] =	vst v63  }
.LBB1_5:
0x14: {  	s14 =	sadd.s32 $0x1, s9  }
0x15: {  	s12 =	sadd.s32 $0x1000, s10;
	s16 =	smov.u32 s10;
	p2 =	sgt.s32 s14, $0xC7  }
0x16: {  	s16 =	smov.u32 @p2 s12  }
0x17: {  	s14 =	simm.s32 @p2 $0x0;
	p2 =	sgt.s32 s16, $0xFFF  }
0x18: {  	s16 =	smov.u32 @p2 s2;
	p2 =	sne.s32 s11, s7  }
.Ltmp1:
0x19: {  	p1 =	slt.u32 s11, $0x2;
	(pc) =	sbr.rel @!p2 .LBB1_6-.Ltmp1, $4  }
0x1a: {  	s15 =	simm.s32 @!p1 $0x2  }
0x1b: {  	s13 =	smov.u32 s10;
	p0 =	por !p0, !p0;
	_ =	swait.ge @!p1 [sflag:s15], $0x2000  }
0x1c: {  	s12 =	smov.u32 s9;
	[sflag:s15] =	ssyncset.done @!p1 $0x0;
	s9 =	smov.u32 s14  }
0x1d: {  	s11 =	sadd.s32 $0x1, s11;
	[sflag:s15] =	ssyncadd.s32 @!p1 $0xFFFFE000;
	s10 =	smov.u32 s16  }
.LBB1_1:
0x1e: {  	p1 =	sge.u32 s11, s5  }
0x1f: {  	s14 =	sand.u32 @!p1 $0x1FFFFFF, s9  }
0x20: {  	s15 =	smulhi.u32 @!p1 $0x147AE15, s14;
	_ =	sdelay $0x1  }
0x21: {  	s15 =	smul.u32 @!p1 $0xC8, s15  }
0x22: {  	s16 =	sxor.u32 @!p1 $0xFFFFFFFF, s11;
	s17 =	smul.u32 @!p1 $0xC80, s10  }
0x23: {  	s31 =	sadd.s32 $0xFFFFFFFF, s11;
	s16 =	sshll.u32 @!p1 s16, $0xD;
	s14 =	ssub.s32 @!p1 s14, s15  }
0x24: {  	s15 =	sand.u32 @!p1 $0x2000, s16;
	s16 =	sadd.s32 @!p1 s6, s17;
	s14 =	sshll.u32 @!p1 s14, $0x4  }
0x25: {  	s17 =	simm.s32 @!p1 $0x6400;
	s14 =	sadd.s32 @!p1 s14, s16;
	s16 =	simm.s32 @!p1 $0x40  }
0x26: {  	[tilespmem:s15], [sflag:$0x1] =	stream.strided.gather @!p1 [hbm4b:s14+s16], $0x2000, s17, s16, $0x38;
	[tilespmem:$0x8080] =	vst v63  }
0x27: {  	p1 =	sge.u32 s31, s5  }
.Ltmp2:
0x28: {  	_ = 	snop;
	(pc) =	sbr.rel @p1 .LBB1_5-.Ltmp2, $1  }
0x29: {  	_ =	sdelay $0x3  }
0x2a: {  	s14 =	simm.s32 $0x1  }
0x2b: {  	_ =	swait.ge [sflag:s4], $0x2000;
	s14 =	simm.s32 @!p0 $0x0  }
0x2c: {  	[sflag:s4] =	ssyncset.done $0x0;
	s15 =	sshll.u32 s14, $0xD  }
0x2d: {  	[sflag:s4] =	ssyncadd.s32 $0xFFFFE000;
	s18 =	sor.u32 $0x20, s15  }
0x2e: {  	s14 =	smul.u32 $0x8100, s14;
	v3 =	vld [tilespmem:s18+$0x10]  }
0x2f: {  	s30 =	sand.u32 $0x1, s11;
	v2 =	vld [tilespmem:s18+$0xFFFFFFF0]  }
0x30: {  	s15 =	smul.u32 $0x8100, s30;
	s14 =	sshrl.u32 s14, $0x2;
	v0 =	vld [tilespmem:s18+$0x0]  }
0x31: {  	v1 =	vld [tilespmem:s18+$0xFFFFFFE0];
	s16 =	sor.u32 $0x4000, s14  }
0x32: {  	s31 =	sshrl.u32 s15, $0x2;
	s15 =	sadd.s32 $0x0, s16  }
0x33: {  	s17 =	simm.s32 $0x4;
	s18 =	sadd.s32 $0x40, s18;
	s14 =	sor.u32 $0x4000, s31;
	[tilespmem:s15+$0x1830 ss:$0x81] =	vst.msk $0xffff, v3  }
.LBB1_3:
0x34: {  	v3 =	vld [tilespmem:s18+$0x10];
	p1 =	sne.s32 s17, $0x1FC;
	[tilespmem:s15+$0x810 ss:$0x81] =	vst.msk $0xffff, v2;
	s19 =	smov.u32 s17;
	s17 =	sadd.s32 $0x4, s17  }
.Ltmp3:
0x35: {  	v2 =	vld [tilespmem:s18+$0xFFFFFFF0];
	[tilespmem:s15+$0x1020 ss:$0x81] =	vst.msk $0xffff, v0;
	(pc) =	sbr.rel @p1 .LBB1_3-.Ltmp3, $4  }
0x36: {  	v0 =	vld [tilespmem:s18+$0x0];
	[tilespmem:s15+$0x0 ss:$0x81] =	vst.msk $0xffff, v1  }
0x37: {  	s15 =	sshra.s32 s19, $0x2;
	v1 =	vld [tilespmem:s18+$0xFFFFFFE0]  }
0x38: {  	s15 =	sadd.s32 s15, s16  }
0x39: {  	s18 =	sadd.s32 $0x40, s18;
	[tilespmem:s15+$0x1830 ss:$0x81] =	vst.msk $0xffff, v3  }
.Ltmp4:
0x3a: {  	_ = 	snop;
	(pc) =	sbr.rel .LBB1_4-.Ltmp4, $1  }
0x3b: {  	_ =	sdelay $0x3  }
.LBB1_6:
0x3c: {  	_ =	sfence.sel $0x180000  }
0x3d: {  	s2 =	simm.s32 $0x1;
	[bflag:$0x0] =	sbarrier.arrive $0xFFFF  }
0x3e: {  	s31 =	simm.s32 $0x2;
	[sflag:s2] =	ssyncpa.u1 $0x1  }
0x3f: {  	[sflag:s31] =	ssyncpa.u1 $0x1  }
0x40: {  	p0 =	sne.s32 s0, $0x0;
	_ =	strace $0x9000004A  }
0x41: {  	s0 =	sadd.s32 @!p0 $0x100000, s1;
	[bflag:$0x2] =	sbarrier.arrive $0xFFFF  }
0x42: {  	[sflag:s0] =	ssyncadd.tile.s32 @!p0 $0x1;
	_ =	shalt  }
.Lfunc_end1:
_tile_overlayer_lowered:
.L_overlay_start_2:
0x43: {  	(tag) =	ssettag $0x2  }
0x44: {  	s0 =	rddreg [dreg:$0x0];
	s2 =	stileid.u32  }
0x45: {  	s1 =	rddreg [dreg:$0x1];
	p0 =	sne.s32 s2, $0x0  }
0x46: {  	s3 =	rddreg [dreg:$0x2];
	[bflag:$0x3] =	sbarrier.arrive $0xFFFF;
	s2 =	simm.s32 @!p0 $0x1C01  }
0x47: {  	[timem:s3], [sflag:s2] =	dma.local @!p0 [hbm:s0], s1  }
0x48: {  	s0 =	simm.s32 @!p0 $0x1  }
0x49: {  	_ =	swait.ge @!p0 [sflag:s0], s1  }
0x4a: {  	s1 =	ssub.s32 @!p0 $0x0, s1;
	[sflag:s0] =	ssyncset.done @!p0 $0x0  }
0x4b: {  	[sflag:s0] =	ssyncadd.s32 @!p0 s1  }
0x4c: {  	[bflag:$0x3] =	sbarrier.arrive $0xFFFF  }
0x4d: {  	_ =	shalt  }

</sc_bundles>
